<compile_context>
chip_gen: v7x
topology: tpu7x:2x2x1
jax: 0.10.2.dev20260603
libtpu: 0.0.44.dev20260713+nightly
codegen_flags: <defaults>
</compile_context>

<pallas_src>
import functools

import jax
import jax.numpy as jnp
from jax import lax
from jax.experimental import pallas as pl
from jax.experimental.pallas import tpu as pltpu
from jax.experimental.pallas import tpu_sc as plsc

NC = 2
NS = 16
NW = NC * NS

CHUNK = 32
NBUF = 3
AHEAD = 2


def _pe_lookup(b, s, d):
    n = b * s
    n_per_w = n // NW
    nchunks = n_per_w // CHUNK
    w_per_row = s // n_per_w
    mesh = plsc.VectorSubcoreMesh(core_axis_name="c", subcore_axis_name="s")

    @functools.partial(
        pl.kernel,
        mesh=mesh,
        out_type=jax.ShapeDtypeStruct((n, d), jnp.float32),
        scratch_types=(
            [pltpu.VMEM((n_per_w,), jnp.int32)]
            + [pltpu.VMEM((CHUNK, d), jnp.float32) for _ in range(NBUF)]
            + [pltpu.SemaphoreType.DMA for _ in range(2 * NBUF)]
        ),
    )
    def body(x_hbm, table_hbm, out_hbm, idx_v, *rest):
        bufs = rest[:NBUF]
        gsems = rest[NBUF:2 * NBUF]
        wsems = rest[2 * NBUF:]
        wid = lax.axis_index("s") * NC + lax.axis_index("c")
        base = wid * n_per_w

        pltpu.sync_copy(
            x_hbm.at[wid // w_per_row,
                     pl.ds((wid % w_per_row) * n_per_w, n_per_w)],
            idx_v)

        def issue_g(j):
            p = j % NBUF
            return pltpu.async_copy(
                table_hbm.at[idx_v.at[pl.ds(j * CHUNK, CHUNK)]], bufs[p],
                gsems[p])

        def issue_w(j):
            p = j % NBUF
            return pltpu.async_copy(
                bufs[p], out_hbm.at[pl.ds(base + j * CHUNK, CHUNK)], wsems[p])

        hg, hw = {}, {}
        for j in range(min(AHEAD, nchunks)):
            hg[j] = issue_g(j)
        for k in range(nchunks):
            ahead = k + AHEAD
            if ahead < nchunks:
                prev = ahead - NBUF
                if prev >= 0:
                    hw.pop(prev).wait()
                hg[ahead] = issue_g(ahead)
            hg.pop(k).wait()
            hw[k] = issue_w(k)
        for k in sorted(hw):
            hw.pop(k).wait()

    return body


def kernel(x, table):
    b, s = x.shape
    v, d = table.shape
    out = _pe_lookup(b, s, d)(x.astype(jnp.int32), table)
    return out.reshape(b, s, d)

# --- scband reference (transcript-rebuilt; emitter-appended) ---
"""Pipeline reference for scband-sinusoidal-positional-encoding-6090263625787 (READ-ONLY COPY).

The authoritative reference and input builder live on the scoring server;
editing this copy changes nothing except your own understanding.
"""

import jax, jax.numpy as jnp
import numpy as np

DIM = 1024
SEQ_LEN = 8192
BATCH = 4

def make_pe_table(dim, seq_len):
    pos_seq = jnp.linspace(0.0, seq_len - 1, seq_len)
    dim_seq = jnp.linspace(0.0, dim - 2, dim // 2)
    pos, dim_2i = jnp.meshgrid(pos_seq, dim_seq, indexing='ij')
    pe_2i = jnp.sin(pos / 10000.0 ** (dim_2i / dim))
    pe_2i_plus_1 = jnp.cos(pos / 10000.0 ** (dim_2i / dim))
    return jnp.stack((pe_2i, pe_2i_plus_1), 2).reshape(seq_len, dim).astype(jnp.float32)

def setup_inputs(seed: int = 0) -> dict:
    key = jax.random.key(seed)
    x = jax.random.randint(key, (BATCH, SEQ_LEN), 0, SEQ_LEN, dtype=jnp.int64 if jax.config.jax_enable_x64 else jnp.int32)
    table = make_pe_table(DIM, SEQ_LEN)
    return {"x": x, "table": table}

def reference(x, table):
    # nn.Embedding lookup: gather rows of the sinusoidal PE table
    return jnp.take(table, x, axis=0)

if __name__ == "__main__":
    import jax
    _d = setup_inputs()
    print(jax.jit(kernel)(*tuple(_d.values())))

</pallas_src>

<mosaic_0001>
#map = affine_map<(d0, d1) -> (0, 0)>
module attributes {stable_mosaic.version = 14 : i64} {
  func.func @body(%arg0: i32, %arg1: i32, %arg2: memref<4x8192xi32, #tpu.memory_space<hbm>>, %arg3: memref<8192x1024xf32, #tpu.memory_space<hbm>>, %arg4: memref<32768x1024xf32, #tpu.memory_space<hbm>>, %arg5: memref<1024xi32, #tpu.memory_space<vmem>>, %arg6: memref<32x1024xf32, #tpu.memory_space<vmem>>, %arg7: memref<32x1024xf32, #tpu.memory_space<vmem>>, %arg8: memref<32x1024xf32, #tpu.memory_space<vmem>>, %arg9: memref<!tpu.dma_semaphore, #tpu.memory_space<semaphore_mem>>, %arg10: memref<!tpu.dma_semaphore, #tpu.memory_space<semaphore_mem>>, %arg11: memref<!tpu.dma_semaphore, #tpu.memory_space<semaphore_mem>>, %arg12: memref<!tpu.dma_semaphore, #tpu.memory_space<semaphore_mem>>, %arg13: memref<!tpu.dma_semaphore, #tpu.memory_space<semaphore_mem>>, %arg14: memref<!tpu.dma_semaphore, #tpu.memory_space<semaphore_mem>>) attributes {dimension_semantics = [#tpu.dimension_semantics<core_parallel>, #tpu.dimension_semantics<subcore_parallel>], iteration_bounds = array<i64: 2, 16>, scalar_prefetch = 0 : i64, scratch_operands = 10 : i64, tpu.core_type = #tpu.core_type<sc_vector_subcore>, window_params = [{transform_indices = #map}, {transform_indices = #map}, {transform_indices = #map}]} {
    %mul3A = arith.constant 2 : i32
    %mul3A_0 = arith.muli %arg1, %mul3A : i32
    %add3A = arith.addi %mul3A_0, %arg0 : i32
    %mul3A_1 = arith.constant 1024 : i32
    %mul3A_2 = arith.muli %add3A, %mul3A_1 : i32
    %jit3A = arith.constant 8 : i32
    %div3A = arith.divsi %add3A, %jit3A : i32
    %sign3A = arith.constant 0 : i32
    %sign3A_3 = arith.cmpi sgt, %add3A, %sign3A : i32
    %sign3A_4 = arith.extui %sign3A_3 : i1 to i32
    %sign3A_5 = arith.constant 0 : i32
    %sign3A_6 = arith.cmpi slt, %add3A, %sign3A_5 : i32
    %sign3A_7 = arith.extui %sign3A_6 : i1 to i32
    %sign3A_8 = arith.subi %sign3A_4, %sign3A_7 : i32
    %sign3A_9 = arith.constant 0 : i32
    %sign3A_10 = arith.cmpi sgt, %jit3A, %sign3A_9 : i32
    %sign3A_11 = arith.extui %sign3A_10 : i1 to i32
    %sign3A_12 = arith.constant 0 : i32
    %sign3A_13 = arith.cmpi slt, %jit3A, %sign3A_12 : i32
    %sign3A_14 = arith.extui %sign3A_13 : i1 to i32
    %sign3A_15 = arith.subi %sign3A_11, %sign3A_14 : i32
    %ne3A = arith.cmpi ne, %sign3A_8, %sign3A_15 : i32
    %rem3A = arith.remsi %add3A, %jit3A : i32
    %ne3A_16 = arith.constant 0 : i32
    %ne3A_17 = arith.cmpi ne, %rem3A, %ne3A_16 : i32
    %and3A = arith.andi %ne3A, %ne3A_17 : i1
    %sub3A = arith.constant 1 : i32
    %sub3A_18 = arith.subi %div3A, %sub3A : i32
    %select_n3A = arith.select %and3A, %sub3A_18, %div3A : i32
    %jit3A_19 = arith.constant 8 : i32
    %eq3A = arith.constant 0 : i32
    %eq3A_20 = arith.cmpi eq, %jit3A_19, %eq3A : i32
    %jit3A_21 = arith.constant 1 : i32
    %select_n3A_22 = arith.select %eq3A_20, %jit3A_21, %jit3A_19 : i32
    %rem3A_23 = arith.remsi %add3A, %select_n3A_22 : i32
    %ne3A_24 = arith.constant 0 : i32
    %ne3A_25 = arith.cmpi ne, %rem3A_23, %ne3A_24 : i32
    %lt3A = arith.constant 0 : i32
    %lt3A_26 = arith.cmpi slt, %rem3A_23, %lt3A : i32
    %lt3A_27 = arith.constant 0 : i32
    %lt3A_28 = arith.cmpi slt, %select_n3A_22, %lt3A_27 : i32
    %ne3A_29 = arith.xori %lt3A_26, %lt3A_28 : i1
    %and3A_30 = arith.andi %ne3A_29, %ne3A_25 : i1
    %add3A_31 = arith.addi %rem3A_23, %select_n3A_22 : i32
    %select_n3A_32 = arith.select %and3A_30, %add3A_31, %rem3A_23 : i32
    %mul3A_33 = arith.constant 1024 : i32
    %mul3A_34 = arith.muli %select_n3A_32, %mul3A_33 : i32
    "tpu.region"() ({
      %run_scoped3A = tpu.sem_alloc : memref<!tpu.dma_semaphore, #tpu.memory_space<semaphore_mem>>
      %dma_start3A_673 = tpu.memref_slice %arg2[%select_n3A, %mul3A_34] : memref<4x8192xi32, #tpu.memory_space<hbm>> -> memref<1x1024xi32, #tpu.memory_space<hbm>>
      %dma_start3A_674 = tpu.memref_squeeze %dma_start3A_673 : memref<1x1024xi32, #tpu.memory_space<hbm>> -> memref<1024xi32, #tpu.memory_space<hbm>>
      %dma_start3A_675 = tpu.memref_slice %arg2[%select_n3A, %mul3A_34] : memref<4x8192xi32, #tpu.memory_space<hbm>> -> memref<1x1024xi32, #tpu.memory_space<hbm>>
      %dma_start3A_676 = tpu.memref_squeeze %dma_start3A_675 : memref<1x1024xi32, #tpu.memory_space<hbm>> -> memref<1024xi32, #tpu.memory_space<hbm>>
      tpu.enqueue_dma source(%dma_start3A_676 : memref<1024xi32, #tpu.memory_space<hbm>>) target(%arg5 : memref<1024xi32, #tpu.memory_space<vmem>>) target_semaphore(%run_scoped3A : memref<!tpu.dma_semaphore, #tpu.memory_space<semaphore_mem>>)
      %dma_wait3A_677 = tpu.memref_slice %arg2[%select_n3A, %mul3A_34] : memref<4x8192xi32, #tpu.memory_space<hbm>> -> memref<1x1024xi32, #tpu.memory_space<hbm>>
      %dma_wait3A_678 = tpu.memref_squeeze %dma_wait3A_677 : memref<1x1024xi32, #tpu.memory_space<hbm>> -> memref<1024xi32, #tpu.memory_space<hbm>>
      %dma_wait3A_679 = tpu.memref_slice %arg2[%select_n3A, %mul3A_34] : memref<4x8192xi32, #tpu.memory_space<hbm>> -> memref<1x1024xi32, #tpu.memory_space<hbm>>
      %dma_wait3A_680 = tpu.memref_squeeze %dma_wait3A_679 : memref<1x1024xi32, #tpu.memory_space<hbm>> -> memref<1024xi32, #tpu.memory_space<hbm>>
      tpu.wait_dma2 semaphore(%run_scoped3A : memref<!tpu.dma_semaphore, #tpu.memory_space<semaphore_mem>>) src(%dma_wait3A_680 : memref<1024xi32, #tpu.memory_space<hbm>>) dst(%arg5 : memref<1024xi32, #tpu.memory_space<vmem>>)
      tpu.yield
    }) : () -> ()
    %dma_start3A = arith.constant 0 : i32
    %dma_start3A_35 = tpu.memref_slice %arg5[%dma_start3A] : memref<1024xi32, #tpu.memory_space<vmem>> -> memref<32xi32, #tpu.memory_space<vmem>>
    %dma_start3A_36 = arith.constant 0 : i32
    %dma_start3A_37 = arith.constant 0 : i32
    %dma_start3A_38 = tpu.memref_slice %arg3[%dma_start3A_36, %dma_start3A_37] : memref<8192x1024xf32, #tpu.memory_space<hbm>> -> memref<8192x1024xf32, #tpu.memory_space<hbm>>
    tpu.enqueue_indirect_dma source(%dma_start3A_38 : memref<8192x1024xf32, #tpu.memory_space<hbm>>) target(%arg6 : memref<32x1024xf32, #tpu.memory_space<vmem>>) offsets(%dma_start3A_35 : memref<32xi32, #tpu.memory_space<vmem>>) semaphore(%arg9 : memref<!tpu.dma_semaphore, #tpu.memory_space<semaphore_mem>>)
    %dma_start3A_39 = arith.constant 32 : i32
    %dma_start3A_40 = tpu.memref_slice %arg5[%dma_start3A_39] : memref<1024xi32, #tpu.memory_space<vmem>> -> memref<32xi32, #tpu.memory_space<vmem>>
    %dma_start3A_41 = arith.constant 0 : i32
    %dma_start3A_42 = arith.constant 0 : i32
    %dma_start3A_43 = tpu.memref_slice %arg3[%dma_start3A_41, %dma_start3A_42] : memref<8192x1024xf32, #tpu.memory_space<hbm>> -> memref<8192x1024xf32, #tpu.memory_space<hbm>>
    tpu.enqueue_indirect_dma source(%dma_start3A_43 : memref<8192x1024xf32, #tpu.memory_space<hbm>>) target(%arg7 : memref<32x1024xf32, #tpu.memory_space<vmem>>) offsets(%dma_start3A_40 : memref<32xi32, #tpu.memory_space<vmem>>) semaphore(%arg10 : memref<!tpu.dma_semaphore, #tpu.memory_space<semaphore_mem>>)
    %dma_start3A_44 = arith.constant 64 : i32
    %dma_start3A_45 = tpu.memref_slice %arg5[%dma_start3A_44] : memref<1024xi32, #tpu.memory_space<vmem>> -> memref<32xi32, #tpu.memory_space<vmem>>
    %dma_start3A_46 = arith.constant 0 : i32
    %dma_start3A_47 = arith.constant 0 : i32
    %dma_start3A_48 = tpu.memref_slice %arg3[%dma_start3A_46, %dma_start3A_47] : memref<8192x1024xf32, #tpu.memory_space<hbm>> -> memref<8192x1024xf32, #tpu.memory_space<hbm>>
    tpu.enqueue_indirect_dma source(%dma_start3A_48 : memref<8192x1024xf32, #tpu.memory_space<hbm>>) target(%arg8 : memref<32x1024xf32, #tpu.memory_space<vmem>>) offsets(%dma_start3A_45 : memref<32xi32, #tpu.memory_space<vmem>>) semaphore(%arg11 : memref<!tpu.dma_semaphore, #tpu.memory_space<semaphore_mem>>)
    %dma_wait3A = arith.constant 0 : i32
    %dma_wait3A_49 = tpu.memref_slice %arg5[%dma_wait3A] : memref<1024xi32, #tpu.memory_space<vmem>> -> memref<32xi32, #tpu.memory_space<vmem>>
    %dma_wait3A_50 = arith.constant 0 : i32
    %dma_wait3A_51 = arith.constant 0 : i32
    %dma_wait3A_52 = tpu.memref_slice %arg3[%dma_wait3A_50, %dma_wait3A_51] : memref<8192x1024xf32, #tpu.memory_space<hbm>> -> memref<8192x1024xf32, #tpu.memory_space<hbm>>
    tpu.wait_indirect_dma semaphore(%arg9 : memref<!tpu.dma_semaphore, #tpu.memory_space<semaphore_mem>>) src(%dma_wait3A_52 : memref<8192x1024xf32, #tpu.memory_space<hbm>>) dst(%arg6 : memref<32x1024xf32, #tpu.memory_space<vmem>>)
    %add3A_53 = arith.constant 0 : i32
    %add3A_54 = arith.addi %mul3A_2, %add3A_53 : i32
    %dma_start3A_55 = arith.constant 0 : i32
    %dma_start3A_56 = tpu.memref_slice %arg4[%add3A_54, %dma_start3A_55] : memref<32768x1024xf32, #tpu.memory_space<hbm>> -> memref<32x1024xf32, #tpu.memory_space<hbm>>
    %dma_start3A_57 = arith.constant 0 : i32
    %dma_start3A_58 = tpu.memref_slice %arg4[%add3A_54, %dma_start3A_57] : memref<32768x1024xf32, #tpu.memory_space<hbm>> -> memref<32x1024xf32, #tpu.memory_space<hbm>>
    tpu.enqueue_dma source(%arg6 : memref<32x1024xf32, #tpu.memory_space<vmem>>) target(%dma_start3A_58 : memref<32x1024xf32, #tpu.memory_space<hbm>>) target_semaphore(%arg12 : memref<!tpu.dma_semaphore, #tpu.memory_space<semaphore_mem>>)
    %dma_wait3A_59 = arith.constant 0 : i32
    %dma_wait3A_60 = tpu.memref_slice %arg4[%add3A_54, %dma_wait3A_59] : memref<32768x1024xf32, #tpu.memory_space<hbm>> -> memref<32x1024xf32, #tpu.memory_space<hbm>>
    %dma_wait3A_61 = arith.constant 0 : i32
    %dma_wait3A_62 = tpu.memref_slice %arg4[%add3A_54, %dma_wait3A_61] : memref<32768x1024xf32, #tpu.memory_space<hbm>> -> memref<32x1024xf32, #tpu.memory_space<hbm>>
    tpu.wait_dma2 semaphore(%arg12 : memref<!tpu.dma_semaphore, #tpu.memory_space<semaphore_mem>>) src(%arg6 : memref<32x1024xf32, #tpu.memory_space<vmem>>) dst(%dma_wait3A_62 : memref<32x1024xf32, #tpu.memory_space<hbm>>)
    %dma_start3A_63 = arith.constant 96 : i32
    %dma_start3A_64 = tpu.memref_slice %arg5[%dma_start3A_63] : memref<1024xi32, #tpu.memory_space<vmem>> -> memref<32xi32, #tpu.memory_space<vmem>>
    %dma_start3A_65 = arith.constant 0 : i32
    %dma_start3A_66 = arith.constant 0 : i32
    %dma_start3A_67 = tpu.memref_slice %arg3[%dma_start3A_65, %dma_start3A_66] : memref<8192x1024xf32, #tpu.memory_space<hbm>> -> memref<8192x1024xf32, #tpu.memory_space<hbm>>
    tpu.enqueue_indirect_dma source(%dma_start3A_67 : memref<8192x1024xf32, #tpu.memory_space<hbm>>) target(%arg6 : memref<32x1024xf32, #tpu.memory_space<vmem>>) offsets(%dma_start3A_64 : memref<32xi32, #tpu.memory_space<vmem>>) semaphore(%arg9 : memref<!tpu.dma_semaphore, #tpu.memory_space<semaphore_mem>>)
    %dma_wait3A_68 = arith.constant 32 : i32
    %dma_wait3A_69 = tpu.memref_slice %arg5[%dma_wait3A_68] : memref<1024xi32, #tpu.memory_space<vmem>> -> memref<32xi32, #tpu.memory_space<vmem>>
    %dma_wait3A_70 = arith.constant 0 : i32
    %dma_wait3A_71 = arith.constant 0 : i32
    %dma_wait3A_72 = tpu.memref_slice %arg3[%dma_wait3A_70, %dma_wait3A_71] : memref<8192x1024xf32, #tpu.memory_space<hbm>> -> memref<8192x1024xf32, #tpu.memory_space<hbm>>
    tpu.wait_indirect_dma semaphore(%arg10 : memref<!tpu.dma_semaphore, #tpu.memory_space<semaphore_mem>>) src(%dma_wait3A_72 : memref<8192x1024xf32, #tpu.memory_space<hbm>>) dst(%arg7 : memref<32x1024xf32, #tpu.memory_space<vmem>>)
    %add3A_73 = arith.constant 32 : i32
    %add3A_74 = arith.addi %mul3A_2, %add3A_73 : i32
    %dma_start3A_75 = arith.constant 0 : i32
    %dma_start3A_76 = tpu.memref_slice %arg4[%add3A_74, %dma_start3A_75] : memref<32768x1024xf32, #tpu.memory_space<hbm>> -> memref<32x1024xf32, #tpu.memory_space<hbm>>
    %dma_start3A_77 = arith.constant 0 : i32
    %dma_start3A_78 = tpu.memref_slice %arg4[%add3A_74, %dma_start3A_77] : memref<32768x1024xf32, #tpu.memory_space<hbm>> -> memref<32x1024xf32, #tpu.memory_space<hbm>>
    tpu.enqueue_dma source(%arg7 : memref<32x1024xf32, #tpu.memory_space<vmem>>) target(%dma_start3A_78 : memref<32x1024xf32, #tpu.memory_space<hbm>>) target_semaphore(%arg13 : memref<!tpu.dma_semaphore, #tpu.memory_space<semaphore_mem>>)
    %dma_wait3A_79 = arith.constant 0 : i32
    %dma_wait3A_80 = tpu.memref_slice %arg4[%add3A_74, %dma_wait3A_79] : memref<32768x1024xf32, #tpu.memory_space<hbm>> -> memref<32x1024xf32, #tpu.memory_space<hbm>>
    %dma_wait3A_81 = arith.constant 0 : i32
    %dma_wait3A_82 = tpu.memref_slice %arg4[%add3A_74, %dma_wait3A_81] : memref<32768x1024xf32, #tpu.memory_space<hbm>> -> memref<32x1024xf32, #tpu.memory_space<hbm>>
    tpu.wait_dma2 semaphore(%arg13 : memref<!tpu.dma_semaphore, #tpu.memory_space<semaphore_mem>>) src(%arg7 : memref<32x1024xf32, #tpu.memory_space<vmem>>) dst(%dma_wait3A_82 : memref<32x1024xf32, #tpu.memory_space<hbm>>)
    %dma_start3A_83 = arith.constant 128 : i32
    %dma_start3A_84 = tpu.memref_slice %arg5[%dma_start3A_83] : memref<1024xi32, #tpu.memory_space<vmem>> -> memref<32xi32, #tpu.memory_space<vmem>>
    %dma_start3A_85 = arith.constant 0 : i32
    %dma_start3A_86 = arith.constant 0 : i32
    %dma_start3A_87 = tpu.memref_slice %arg3[%dma_start3A_85, %dma_start3A_86] : memref<8192x1024xf32, #tpu.memory_space<hbm>> -> memref<8192x1024xf32, #tpu.memory_space<hbm>>
    tpu.enqueue_indirect_dma source(%dma_start3A_87 : memref<8192x1024xf32, #tpu.memory_space<hbm>>) target(%arg7 : memref<32x1024xf32, #tpu.memory_space<vmem>>) offsets(%dma_start3A_84 : memref<32xi32, #tpu.memory_space<vmem>>) semaphore(%arg10 : memref<!tpu.dma_semaphore, #tpu.memory_space<semaphore_mem>>)
    %dma_wait3A_88 = arith.constant 64 : i32
    %dma_wait3A_89 = tpu.memref_slice %arg5[%dma_wait3A_88] : memref<1024xi32, #tpu.memory_space<vmem>> -> memref<32xi32, #tpu.memory_space<vmem>>
    %dma_wait3A_90 = arith.constant 0 : i32
    %dma_wait3A_91 = arith.constant 0 : i32
    %dma_wait3A_92 = tpu.memref_slice %arg3[%dma_wait3A_90, %dma_wait3A_91] : memref<8192x1024xf32, #tpu.memory_space<hbm>> -> memref<8192x1024xf32, #tpu.memory_space<hbm>>
    tpu.wait_indirect_dma semaphore(%arg11 : memref<!tpu.dma_semaphore, #tpu.memory_space<semaphore_mem>>) src(%dma_wait3A_92 : memref<8192x1024xf32, #tpu.memory_space<hbm>>) dst(%arg8 : memref<32x1024xf32, #tpu.memory_space<vmem>>)
    %add3A_93 = arith.constant 64 : i32
    %add3A_94 = arith.addi %mul3A_2, %add3A_93 : i32
    %dma_start3A_95 = arith.constant 0 : i32
    %dma_start3A_96 = tpu.memref_slice %arg4[%add3A_94, %dma_start3A_95] : memref<32768x1024xf32, #tpu.memory_space<hbm>> -> memref<32x1024xf32, #tpu.memory_space<hbm>>
    %dma_start3A_97 = arith.constant 0 : i32
    %dma_start3A_98 = tpu.memref_slice %arg4[%add3A_94, %dma_start3A_97] : memref<32768x1024xf32, #tpu.memory_space<hbm>> -> memref<32x1024xf32, #tpu.memory_space<hbm>>
    tpu.enqueue_dma source(%arg8 : memref<32x1024xf32, #tpu.memory_space<vmem>>) target(%dma_start3A_98 : memref<32x1024xf32, #tpu.memory_space<hbm>>) target_semaphore(%arg14 : memref<!tpu.dma_semaphore, #tpu.memory_space<semaphore_mem>>)
    %dma_wait3A_99 = arith.constant 0 : i32
    %dma_wait3A_100 = tpu.memref_slice %arg4[%add3A_94, %dma_wait3A_99] : memref<32768x1024xf32, #tpu.memory_space<hbm>> -> memref<32x1024xf32, #tpu.memory_space<hbm>>
    %dma_wait3A_101 = arith.constant 0 : i32
    %dma_wait3A_102 = tpu.memref_slice %arg4[%add3A_94, %dma_wait3A_101] : memref<32768x1024xf32, #tpu.memory_space<hbm>> -> memref<32x1024xf32, #tpu.memory_space<hbm>>
    tpu.wait_dma2 semaphore(%arg14 : memref<!tpu.dma_semaphore, #tpu.memory_space<semaphore_mem>>) src(%arg8 : memref<32x1024xf32, #tpu.memory_space<vmem>>) dst(%dma_wait3A_102 : memref<32x1024xf32, #tpu.memory_space<hbm>>)
    %dma_start3A_103 = arith.constant 160 : i32
    %dma_start3A_104 = tpu.memref_slice %arg5[%dma_start3A_103] : memref<1024xi32, #tpu.memory_space<vmem>> -> memref<32xi32, #tpu.memory_space<vmem>>
    %dma_start3A_105 = arith.constant 0 : i32
    %dma_start3A_106 = arith.constant 0 : i32
    %dma_start3A_107 = tpu.memref_slice %arg3[%dma_start3A_105, %dma_start3A_106] : memref<8192x1024xf32, #tpu.memory_space<hbm>> -> memref<8192x1024xf32, #tpu.memory_space<hbm>>
    tpu.enqueue_indirect_dma source(%dma_start3A_107 : memref<8192x1024xf32, #tpu.memory_space<hbm>>) target(%arg8 : memref<32x1024xf32, #tpu.memory_space<vmem>>) offsets(%dma_start3A_104 : memref<32xi32, #tpu.memory_space<vmem>>) semaphore(%arg11 : memref<!tpu.dma_semaphore, #tpu.memory_space<semaphore_mem>>)
    %dma_wait3A_108 = arith.constant 96 : i32
    %dma_wait3A_109 = tpu.memref_slice %arg5[%dma_wait3A_108] : memref<1024xi32, #tpu.memory_space<vmem>> -> memref<32xi32, #tpu.memory_space<vmem>>
    %dma_wait3A_110 = arith.constant 0 : i32
    %dma_wait3A_111 = arith.constant 0 : i32
    %dma_wait3A_112 = tpu.memref_slice %arg3[%dma_wait3A_110, %dma_wait3A_111] : memref<8192x1024xf32, #tpu.memory_space<hbm>> -> memref<8192x1024xf32, #tpu.memory_space<hbm>>
    tpu.wait_indirect_dma semaphore(%arg9 : memref<!tpu.dma_semaphore, #tpu.memory_space<semaphore_mem>>) src(%dma_wait3A_112 : memref<8192x1024xf32, #tpu.memory_space<hbm>>) dst(%arg6 : memref<32x1024xf32, #tpu.memory_space<vmem>>)
    %add3A_113 = arith.constant 96 : i32
    %add3A_114 = arith.addi %mul3A_2, %add3A_113 : i32
    %dma_start3A_115 = arith.constant 0 : i32
    %dma_start3A_116 = tpu.memref_slice %arg4[%add3A_114, %dma_start3A_115] : memref<32768x1024xf32, #tpu.memory_space<hbm>> -> memref<32x1024xf32, #tpu.memory_space<hbm>>
    %dma_start3A_117 = arith.constant 0 : i32
    %dma_start3A_118 = tpu.memref_slice %arg4[%add3A_114, %dma_start3A_117] : memref<32768x1024xf32, #tpu.memory_space<hbm>> -> memref<32x1024xf32, #tpu.memory_space<hbm>>
    tpu.enqueue_dma source(%arg6 : memref<32x1024xf32, #tpu.memory_space<vmem>>) target(%dma_start3A_118 : memref<32x1024xf32, #tpu.memory_space<hbm>>) target_semaphore(%arg12 : memref<!tpu.dma_semaphore, #tpu.memory_space<semaphore_mem>>)
    %dma_wait3A_119 = arith.constant 0 : i32
    %dma_wait3A_120 = tpu.memref_slice %arg4[%add3A_114, %dma_wait3A_119] : memref<32768x1024xf32, #tpu.memory_space<hbm>> -> memref<32x1024xf32, #tpu.memory_space<hbm>>
    %dma_wait3A_121 = arith.constant 0 : i32
    %dma_wait3A_122 = tpu.memref_slice %arg4[%add3A_114, %dma_wait3A_121] : memref<32768x1024xf32, #tpu.memory_space<hbm>> -> memref<32x1024xf32, #tpu.memory_space<hbm>>
    tpu.wait_dma2 semaphore(%arg12 : memref<!tpu.dma_semaphore, #tpu.memory_space<semaphore_mem>>) src(%arg6 : memref<32x1024xf32, #tpu.memory_space<vmem>>) dst(%dma_wait3A_122 : memref<32x1024xf32, #tpu.memory_space<hbm>>)
    %dma_start3A_123 = arith.constant 192 : i32
    %dma_start3A_124 = tpu.memref_slice %arg5[%dma_start3A_123] : memref<1024xi32, #tpu.memory_space<vmem>> -> memref<32xi32, #tpu.memory_space<vmem>>
    %dma_start3A_125 = arith.constant 0 : i32
    %dma_start3A_126 = arith.constant 0 : i32
    %dma_start3A_127 = tpu.memref_slice %arg3[%dma_start3A_125, %dma_start3A_126] : memref<8192x1024xf32, #tpu.memory_space<hbm>> -> memref<8192x1024xf32, #tpu.memory_space<hbm>>
    tpu.enqueue_indirect_dma source(%dma_start3A_127 : memref<8192x1024xf32, #tpu.memory_space<hbm>>) target(%arg6 : memref<32x1024xf32, #tpu.memory_space<vmem>>) offsets(%dma_start3A_124 : memref<32xi32, #tpu.memory_space<vmem>>) semaphore(%arg9 : memref<!tpu.dma_semaphore, #tpu.memory_space<semaphore_mem>>)
    %dma_wait3A_128 = arith.constant 128 : i32
    %dma_wait3A_129 = tpu.memref_slice %arg5[%dma_wait3A_128] : memref<1024xi32, #tpu.memory_space<vmem>> -> memref<32xi32, #tpu.memory_space<vmem>>
    %dma_wait3A_130 = arith.constant 0 : i32
    %dma_wait3A_131 = arith.constant 0 : i32
    %dma_wait3A_132 = tpu.memref_slice %arg3[%dma_wait3A_130, %dma_wait3A_131] : memref<8192x1024xf32, #tpu.memory_space<hbm>> -> memref<8192x1024xf32, #tpu.memory_space<hbm>>
    tpu.wait_indirect_dma semaphore(%arg10 : memref<!tpu.dma_semaphore, #tpu.memory_space<semaphore_mem>>) src(%dma_wait3A_132 : memref<8192x1024xf32, #tpu.memory_space<hbm>>) dst(%arg7 : memref<32x1024xf32, #tpu.memory_space<vmem>>)
    %add3A_133 = arith.constant 128 : i32
    %add3A_134 = arith.addi %mul3A_2, %add3A_133 : i32
    %dma_start3A_135 = arith.constant 0 : i32
    %dma_start3A_136 = tpu.memref_slice %arg4[%add3A_134, %dma_start3A_135] : memref<32768x1024xf32, #tpu.memory_space<hbm>> -> memref<32x1024xf32, #tpu.memory_space<hbm>>
    %dma_start3A_137 = arith.constant 0 : i32
    %dma_start3A_138 = tpu.memref_slice %arg4[%add3A_134, %dma_start3A_137] : memref<32768x1024xf32, #tpu.memory_space<hbm>> -> memref<32x1024xf32, #tpu.memory_space<hbm>>
    tpu.enqueue_dma source(%arg7 : memref<32x1024xf32, #tpu.memory_space<vmem>>) target(%dma_start3A_138 : memref<32x1024xf32, #tpu.memory_space<hbm>>) target_semaphore(%arg13 : memref<!tpu.dma_semaphore, #tpu.memory_space<semaphore_mem>>)
    %dma_wait3A_139 = arith.constant 0 : i32
    %dma_wait3A_140 = tpu.memref_slice %arg4[%add3A_134, %dma_wait3A_139] : memref<32768x1024xf32, #tpu.memory_space<hbm>> -> memref<32x1024xf32, #tpu.memory_space<hbm>>
    %dma_wait3A_141 = arith.constant 0 : i32
    %dma_wait3A_142 = tpu.memref_slice %arg4[%add3A_134, %dma_wait3A_141] : memref<32768x1024xf32, #tpu.memory_space<hbm>> -> memref<32x1024xf32, #tpu.memory_space<hbm>>
    tpu.wait_dma2 semaphore(%arg13 : memref<!tpu.dma_semaphore, #tpu.memory_space<semaphore_mem>>) src(%arg7 : memref<32x1024xf32, #tpu.memory_space<vmem>>) dst(%dma_wait3A_142 : memref<32x1024xf32, #tpu.memory_space<hbm>>)
    %dma_start3A_143 = arith.constant 224 : i32
    %dma_start3A_144 = tpu.memref_slice %arg5[%dma_start3A_143] : memref<1024xi32, #tpu.memory_space<vmem>> -> memref<32xi32, #tpu.memory_space<vmem>>
    %dma_start3A_145 = arith.constant 0 : i32
    %dma_start3A_146 = arith.constant 0 : i32
    %dma_start3A_147 = tpu.memref_slice %arg3[%dma_start3A_145, %dma_start3A_146] : memref<8192x1024xf32, #tpu.memory_space<hbm>> -> memref<8192x1024xf32, #tpu.memory_space<hbm>>
    tpu.enqueue_indirect_dma source(%dma_start3A_147 : memref<8192x1024xf32, #tpu.memory_space<hbm>>) target(%arg7 : memref<32x1024xf32, #tpu.memory_space<vmem>>) offsets(%dma_start3A_144 : memref<32xi32, #tpu.memory_space<vmem>>) semaphore(%arg10 : memref<!tpu.dma_semaphore, #tpu.memory_space<semaphore_mem>>)
    %dma_wait3A_148 = arith.constant 160 : i32
    %dma_wait3A_149 = tpu.memref_slice %arg5[%dma_wait3A_148] : memref<1024xi32, #tpu.memory_space<vmem>> -> memref<32xi32, #tpu.memory_space<vmem>>
    %dma_wait3A_150 = arith.constant 0 : i32
    %dma_wait3A_151 = arith.constant 0 : i32
    %dma_wait3A_152 = tpu.memref_slice %arg3[%dma_wait3A_150, %dma_wait3A_151] : memref<8192x1024xf32, #tpu.memory_space<hbm>> -> memref<8192x1024xf32, #tpu.memory_space<hbm>>
    tpu.wait_indirect_dma semaphore(%arg11 : memref<!tpu.dma_semaphore, #tpu.memory_space<semaphore_mem>>) src(%dma_wait3A_152 : memref<8192x1024xf32, #tpu.memory_space<hbm>>) dst(%arg8 : memref<32x1024xf32, #tpu.memory_space<vmem>>)
    %add3A_153 = arith.constant 160 : i32
    %add3A_154 = arith.addi %mul3A_2, %add3A_153 : i32
    %dma_start3A_155 = arith.constant 0 : i32
    %dma_start3A_156 = tpu.memref_slice %arg4[%add3A_154, %dma_start3A_155] : memref<32768x1024xf32, #tpu.memory_space<hbm>> -> memref<32x1024xf32, #tpu.memory_space<hbm>>
    %dma_start3A_157 = arith.constant 0 : i32
    %dma_start3A_158 = tpu.memref_slice %arg4[%add3A_154, %dma_start3A_157] : memref<32768x1024xf32, #tpu.memory_space<hbm>> -> memref<32x1024xf32, #tpu.memory_space<hbm>>
    tpu.enqueue_dma source(%arg8 : memref<32x1024xf32, #tpu.memory_space<vmem>>) target(%dma_start3A_158 : memref<32x1024xf32, #tpu.memory_space<hbm>>) target_semaphore(%arg14 : memref<!tpu.dma_semaphore, #tpu.memory_space<semaphore_mem>>)
    %dma_wait3A_159 = arith.constant 0 : i32
    %dma_wait3A_160 = tpu.memref_slice %arg4[%add3A_154, %dma_wait3A_159] : memref<32768x1024xf32, #tpu.memory_space<hbm>> -> memref<32x1024xf32, #tpu.memory_space<hbm>>
    %dma_wait3A_161 = arith.constant 0 : i32
    %dma_wait3A_162 = tpu.memref_slice %arg4[%add3A_154, %dma_wait3A_161] : memref<32768x1024xf32, #tpu.memory_space<hbm>> -> memref<32x1024xf32, #tpu.memory_space<hbm>>
    tpu.wait_dma2 semaphore(%arg14 : memref<!tpu.dma_semaphore, #tpu.memory_space<semaphore_mem>>) src(%arg8 : memref<32x1024xf32, #tpu.memory_space<vmem>>) dst(%dma_wait3A_162 : memref<32x1024xf32, #tpu.memory_space<hbm>>)
    %dma_start3A_163 = arith.constant 256 : i32
    %dma_start3A_164 = tpu.memref_slice %arg5[%dma_start3A_163] : memref<1024xi32, #tpu.memory_space<vmem>> -> memref<32xi32, #tpu.memory_space<vmem>>
    %dma_start3A_165 = arith.constant 0 : i32
    %dma_start3A_166 = arith.constant 0 : i32
    %dma_start3A_167 = tpu.memref_slice %arg3[%dma_start3A_165, %dma_start3A_166] : memref<8192x1024xf32, #tpu.memory_space<hbm>> -> memref<8192x1024xf32, #tpu.memory_space<hbm>>
    tpu.enqueue_indirect_dma source(%dma_start3A_167 : memref<8192x1024xf32, #tpu.memory_space<hbm>>) target(%arg8 : memref<32x1024xf32, #tpu.memory_space<vmem>>) offsets(%dma_start3A_164 : memref<32xi32, #tpu.memory_space<vmem>>) semaphore(%arg11 : memref<!tpu.dma_semaphore, #tpu.memory_space<semaphore_mem>>)
    %dma_wait3A_168 = arith.constant 192 : i32
    %dma_wait3A_169 = tpu.memref_slice %arg5[%dma_wait3A_168] : memref<1024xi32, #tpu.memory_space<vmem>> -> memref<32xi32, #tpu.memory_space<vmem>>
    %dma_wait3A_170 = arith.constant 0 : i32
    %dma_wait3A_171 = arith.constant 0 : i32
    %dma_wait3A_172 = tpu.memref_slice %arg3[%dma_wait3A_170, %dma_wait3A_171] : memref<8192x1024xf32, #tpu.memory_space<hbm>> -> memref<8192x1024xf32, #tpu.memory_space<hbm>>
    tpu.wait_indirect_dma semaphore(%arg9 : memref<!tpu.dma_semaphore, #tpu.memory_space<semaphore_mem>>) src(%dma_wait3A_172 : memref<8192x1024xf32, #tpu.memory_space<hbm>>) dst(%arg6 : memref<32x1024xf32, #tpu.memory_space<vmem>>)
    %add3A_173 = arith.constant 192 : i32
    %add3A_174 = arith.addi %mul3A_2, %add3A_173 : i32
    %dma_start3A_175 = arith.constant 0 : i32
    %dma_start3A_176 = tpu.memref_slice %arg4[%add3A_174, %dma_start3A_175] : memref<32768x1024xf32, #tpu.memory_space<hbm>> -> memref<32x1024xf32, #tpu.memory_space<hbm>>
    %dma_start3A_177 = arith.constant 0 : i32
    %dma_start3A_178 = tpu.memref_slice %arg4[%add3A_174, %dma_start3A_177] : memref<32768x1024xf32, #tpu.memory_space<hbm>> -> memref<32x1024xf32, #tpu.memory_space<hbm>>
    tpu.enqueue_dma source(%arg6 : memref<32x1024xf32, #tpu.memory_space<vmem>>) target(%dma_start3A_178 : memref<32x1024xf32, #tpu.memory_space<hbm>>) target_semaphore(%arg12 : memref<!tpu.dma_semaphore, #tpu.memory_space<semaphore_mem>>)
    %dma_wait3A_179 = arith.constant 0 : i32
    %dma_wait3A_180 = tpu.memref_slice %arg4[%add3A_174, %dma_wait3A_179] : memref<32768x1024xf32, #tpu.memory_space<hbm>> -> memref<32x1024xf32, #tpu.memory_space<hbm>>
    %dma_wait3A_181 = arith.constant 0 : i32
    %dma_wait3A_182 = tpu.memref_slice %arg4[%add3A_174, %dma_wait3A_181] : memref<32768x1024xf32, #tpu.memory_space<hbm>> -> memref<32x1024xf32, #tpu.memory_space<hbm>>
    tpu.wait_dma2 semaphore(%arg12 : memref<!tpu.dma_semaphore, #tpu.memory_space<semaphore_mem>>) src(%arg6 : memref<32x1024xf32, #tpu.memory_space<vmem>>) dst(%dma_wait3A_182 : memref<32x1024xf32, #tpu.memory_space<hbm>>)
    %dma_start3A_183 = arith.constant 288 : i32
    %dma_start3A_184 = tpu.memref_slice %arg5[%dma_start3A_183] : memref<1024xi32, #tpu.memory_space<vmem>> -> memref<32xi32, #tpu.memory_space<vmem>>
    %dma_start3A_185 = arith.constant 0 : i32
    %dma_start3A_186 = arith.constant 0 : i32
    %dma_start3A_187 = tpu.memref_slice %arg3[%dma_start3A_185, %dma_start3A_186] : memref<8192x1024xf32, #tpu.memory_space<hbm>> -> memref<8192x1024xf32, #tpu.memory_space<hbm>>
    tpu.enqueue_indirect_dma source(%dma_start3A_187 : memref<8192x1024xf32, #tpu.memory_space<hbm>>) target(%arg6 : memref<32x1024xf32, #tpu.memory_space<vmem>>) offsets(%dma_start3A_184 : memref<32xi32, #tpu.memory_space<vmem>>) semaphore(%arg9 : memref<!tpu.dma_semaphore, #tpu.memory_space<semaphore_mem>>)
    %dma_wait3A_188 = arith.constant 224 : i32
    %dma_wait3A_189 = tpu.memref_slice %arg5[%dma_wait3A_188] : memref<1024xi32, #tpu.memory_space<vmem>> -> memref<32xi32, #tpu.memory_space<vmem>>
    %dma_wait3A_190 = arith.constant 0 : i32
    %dma_wait3A_191 = arith.constant 0 : i32
    %dma_wait3A_192 = tpu.memref_slice %arg3[%dma_wait3A_190, %dma_wait3A_191] : memref<8192x1024xf32, #tpu.memory_space<hbm>> -> memref<8192x1024xf32, #tpu.memory_space<hbm>>
    tpu.wait_indirect_dma semaphore(%arg10 : memref<!tpu.dma_semaphore, #tpu.memory_space<semaphore_mem>>) src(%dma_wait3A_192 : memref<8192x1024xf32, #tpu.memory_space<hbm>>) dst(%arg7 : memref<32x1024xf32, #tpu.memory_space<vmem>>)
    %add3A_193 = arith.constant 224 : i32
    %add3A_194 = arith.addi %mul3A_2, %add3A_193 : i32
    %dma_start3A_195 = arith.constant 0 : i32
    %dma_start3A_196 = tpu.memref_slice %arg4[%add3A_194, %dma_start3A_195] : memref<32768x1024xf32, #tpu.memory_space<hbm>> -> memref<32x1024xf32, #tpu.memory_space<hbm>>
    %dma_start3A_197 = arith.constant 0 : i32
    %dma_start3A_198 = tpu.memref_slice %arg4[%add3A_194, %dma_start3A_197] : memref<32768x1024xf32, #tpu.memory_space<hbm>> -> memref<32x1024xf32, #tpu.memory_space<hbm>>
    tpu.enqueue_dma source(%arg7 : memref<32x1024xf32, #tpu.memory_space<vmem>>) target(%dma_start3A_198 : memref<32x1024xf32, #tpu.memory_space<hbm>>) target_semaphore(%arg13 : memref<!tpu.dma_semaphore, #tpu.memory_space<semaphore_mem>>)
    %dma_wait3A_199 = arith.constant 0 : i32
    %dma_wait3A_200 = tpu.memref_slice %arg4[%add3A_194, %dma_wait3A_199] : memref<32768x1024xf32, #tpu.memory_space<hbm>> -> memref<32x1024xf32, #tpu.memory_space<hbm>>
    %dma_wait3A_201 = arith.constant 0 : i32
    %dma_wait3A_202 = tpu.memref_slice %arg4[%add3A_194, %dma_wait3A_201] : memref<32768x1024xf32, #tpu.memory_space<hbm>> -> memref<32x1024xf32, #tpu.memory_space<hbm>>
    tpu.wait_dma2 semaphore(%arg13 : memref<!tpu.dma_semaphore, #tpu.memory_space<semaphore_mem>>) src(%arg7 : memref<32x1024xf32, #tpu.memory_space<vmem>>) dst(%dma_wait3A_202 : memref<32x1024xf32, #tpu.memory_space<hbm>>)
    %dma_start3A_203 = arith.constant 320 : i32
    %dma_start3A_204 = tpu.memref_slice %arg5[%dma_start3A_203] : memref<1024xi32, #tpu.memory_space<vmem>> -> memref<32xi32, #tpu.memory_space<vmem>>
    %dma_start3A_205 = arith.constant 0 : i32
    %dma_start3A_206 = arith.constant 0 : i32
    %dma_start3A_207 = tpu.memref_slice %arg3[%dma_start3A_205, %dma_start3A_206] : memref<8192x1024xf32, #tpu.memory_space<hbm>> -> memref<8192x1024xf32, #tpu.memory_space<hbm>>
    tpu.enqueue_indirect_dma source(%dma_start3A_207 : memref<8192x1024xf32, #tpu.memory_space<hbm>>) target(%arg7 : memref<32x1024xf32, #tpu.memory_space<vmem>>) offsets(%dma_start3A_204 : memref<32xi32, #tpu.memory_space<vmem>>) semaphore(%arg10 : memref<!tpu.dma_semaphore, #tpu.memory_space<semaphore_mem>>)
    %dma_wait3A_208 = arith.constant 256 : i32
    %dma_wait3A_209 = tpu.memref_slice %arg5[%dma_wait3A_208] : memref<1024xi32, #tpu.memory_space<vmem>> -> memref<32xi32, #tpu.memory_space<vmem>>
    %dma_wait3A_210 = arith.constant 0 : i32
    %dma_wait3A_211 = arith.constant 0 : i32
    %dma_wait3A_212 = tpu.memref_slice %arg3[%dma_wait3A_210, %dma_wait3A_211] : memref<8192x1024xf32, #tpu.memory_space<hbm>> -> memref<8192x1024xf32, #tpu.memory_space<hbm>>
    tpu.wait_indirect_dma semaphore(%arg11 : memref<!tpu.dma_semaphore, #tpu.memory_space<semaphore_mem>>) src(%dma_wait3A_212 : memref<8192x1024xf32, #tpu.memory_space<hbm>>) dst(%arg8 : memref<32x1024xf32, #tpu.memory_space<vmem>>)
    %add3A_213 = arith.constant 256 : i32
    %add3A_214 = arith.addi %mul3A_2, %add3A_213 : i32
    %dma_start3A_215 = arith.constant 0 : i32
    %dma_start3A_216 = tpu.memref_slice %arg4[%add3A_214, %dma_start3A_215] : memref<32768x1024xf32, #tpu.memory_space<hbm>> -> memref<32x1024xf32, #tpu.memory_space<hbm>>
    %dma_start3A_217 = arith.constant 0 : i32
    %dma_start3A_218 = tpu.memref_slice %arg4[%add3A_214, %dma_start3A_217] : memref<32768x1024xf32, #tpu.memory_space<hbm>> -> memref<32x1024xf32, #tpu.memory_space<hbm>>
    tpu.enqueue_dma source(%arg8 : memref<32x1024xf32, #tpu.memory_space<vmem>>) target(%dma_start3A_218 : memref<32x1024xf32, #tpu.memory_space<hbm>>) target_semaphore(%arg14 : memref<!tpu.dma_semaphore, #tpu.memory_space<semaphore_mem>>)
    %dma_wait3A_219 = arith.constant 0 : i32
    %dma_wait3A_220 = tpu.memref_slice %arg4[%add3A_214, %dma_wait3A_219] : memref<32768x1024xf32, #tpu.memory_space<hbm>> -> memref<32x1024xf32, #tpu.memory_space<hbm>>
    %dma_wait3A_221 = arith.constant 0 : i32
    %dma_wait3A_222 = tpu.memref_slice %arg4[%add3A_214, %dma_wait3A_221] : memref<32768x1024xf32, #tpu.memory_space<hbm>> -> memref<32x1024xf32, #tpu.memory_space<hbm>>
    tpu.wait_dma2 semaphore(%arg14 : memref<!tpu.dma_semaphore, #tpu.memory_space<semaphore_mem>>) src(%arg8 : memref<32x1024xf32, #tpu.memory_space<vmem>>) dst(%dma_wait3A_222 : memref<32x1024xf32, #tpu.memory_space<hbm>>)
    %dma_start3A_223 = arith.constant 352 : i32
    %dma_start3A_224 = tpu.memref_slice %arg5[%dma_start3A_223] : memref<1024xi32, #tpu.memory_space<vmem>> -> memref<32xi32, #tpu.memory_space<vmem>>
    %dma_start3A_225 = arith.constant 0 : i32
    %dma_start3A_226 = arith.constant 0 : i32
    %dma_start3A_227 = tpu.memref_slice %arg3[%dma_start3A_225, %dma_start3A_226] : memref<8192x1024xf32, #tpu.memory_space<hbm>> -> memref<8192x1024xf32, #tpu.memory_space<hbm>>
    tpu.enqueue_indirect_dma source(%dma_start3A_227 : memref<8192x1024xf32, #tpu.memory_space<hbm>>) target(%arg8 : memref<32x1024xf32, #tpu.memory_space<vmem>>) offsets(%dma_start3A_224 : memref<32xi32, #tpu.memory_space<vmem>>) semaphore(%arg11 : memref<!tpu.dma_semaphore, #tpu.memory_space<semaphore_mem>>)
    %dma_wait3A_228 = arith.constant 288 : i32
    %dma_wait3A_229 = tpu.memref_slice %arg5[%dma_wait3A_228] : memref<1024xi32, #tpu.memory_space<vmem>> -> memref<32xi32, #tpu.memory_space<vmem>>
    %dma_wait3A_230 = arith.constant 0 : i32
    %dma_wait3A_231 = arith.constant 0 : i32
    %dma_wait3A_232 = tpu.memref_slice %arg3[%dma_wait3A_230, %dma_wait3A_231] : memref<8192x1024xf32, #tpu.memory_space<hbm>> -> memref<8192x1024xf32, #tpu.memory_space<hbm>>
    tpu.wait_indirect_dma semaphore(%arg9 : memref<!tpu.dma_semaphore, #tpu.memory_space<semaphore_mem>>) src(%dma_wait3A_232 : memref<8192x1024xf32, #tpu.memory_space<hbm>>) dst(%arg6 : memref<32x1024xf32, #tpu.memory_space<vmem>>)
    %add3A_233 = arith.constant 288 : i32
    %add3A_234 = arith.addi %mul3A_2, %add3A_233 : i32
    %dma_start3A_235 = arith.constant 0 : i32
    %dma_start3A_236 = tpu.memref_slice %arg4[%add3A_234, %dma_start3A_235] : memref<32768x1024xf32, #tpu.memory_space<hbm>> -> memref<32x1024xf32, #tpu.memory_space<hbm>>
    %dma_start3A_237 = arith.constant 0 : i32
    %dma_start3A_238 = tpu.memref_slice %arg4[%add3A_234, %dma_start3A_237] : memref<32768x1024xf32, #tpu.memory_space<hbm>> -> memref<32x1024xf32, #tpu.memory_space<hbm>>
    tpu.enqueue_dma source(%arg6 : memref<32x1024xf32, #tpu.memory_space<vmem>>) target(%dma_start3A_238 : memref<32x1024xf32, #tpu.memory_space<hbm>>) target_semaphore(%arg12 : memref<!tpu.dma_semaphore, #tpu.memory_space<semaphore_mem>>)
    %dma_wait3A_239 = arith.constant 0 : i32
    %dma_wait3A_240 = tpu.memref_slice %arg4[%add3A_234, %dma_wait3A_239] : memref<32768x1024xf32, #tpu.memory_space<hbm>> -> memref<32x1024xf32, #tpu.memory_space<hbm>>
    %dma_wait3A_241 = arith.constant 0 : i32
    %dma_wait3A_242 = tpu.memref_slice %arg4[%add3A_234, %dma_wait3A_241] : memref<32768x1024xf32, #tpu.memory_space<hbm>> -> memref<32x1024xf32, #tpu.memory_space<hbm>>
    tpu.wait_dma2 semaphore(%arg12 : memref<!tpu.dma_semaphore, #tpu.memory_space<semaphore_mem>>) src(%arg6 : memref<32x1024xf32, #tpu.memory_space<vmem>>) dst(%dma_wait3A_242 : memref<32x1024xf32, #tpu.memory_space<hbm>>)
    %dma_start3A_243 = arith.constant 384 : i32
    %dma_start3A_244 = tpu.memref_slice %arg5[%dma_start3A_243] : memref<1024xi32, #tpu.memory_space<vmem>> -> memref<32xi32, #tpu.memory_space<vmem>>
    %dma_start3A_245 = arith.constant 0 : i32
    %dma_start3A_246 = arith.constant 0 : i32
    %dma_start3A_247 = tpu.memref_slice %arg3[%dma_start3A_245, %dma_start3A_246] : memref<8192x1024xf32, #tpu.memory_space<hbm>> -> memref<8192x1024xf32, #tpu.memory_space<hbm>>
    tpu.enqueue_indirect_dma source(%dma_start3A_247 : memref<8192x1024xf32, #tpu.memory_space<hbm>>) target(%arg6 : memref<32x1024xf32, #tpu.memory_space<vmem>>) offsets(%dma_start3A_244 : memref<32xi32, #tpu.memory_space<vmem>>) semaphore(%arg9 : memref<!tpu.dma_semaphore, #tpu.memory_space<semaphore_mem>>)
    %dma_wait3A_248 = arith.constant 320 : i32
    %dma_wait3A_249 = tpu.memref_slice %arg5[%dma_wait3A_248] : memref<1024xi32, #tpu.memory_space<vmem>> -> memref<32xi32, #tpu.memory_space<vmem>>
    %dma_wait3A_250 = arith.constant 0 : i32
    %dma_wait3A_251 = arith.constant 0 : i32
    %dma_wait3A_252 = tpu.memref_slice %arg3[%dma_wait3A_250, %dma_wait3A_251] : memref<8192x1024xf32, #tpu.memory_space<hbm>> -> memref<8192x1024xf32, #tpu.memory_space<hbm>>
    tpu.wait_indirect_dma semaphore(%arg10 : memref<!tpu.dma_semaphore, #tpu.memory_space<semaphore_mem>>) src(%dma_wait3A_252 : memref<8192x1024xf32, #tpu.memory_space<hbm>>) dst(%arg7 : memref<32x1024xf32, #tpu.memory_space<vmem>>)
    %add3A_253 = arith.constant 320 : i32
    %add3A_254 = arith.addi %mul3A_2, %add3A_253 : i32
    %dma_start3A_255 = arith.constant 0 : i32
    %dma_start3A_256 = tpu.memref_slice %arg4[%add3A_254, %dma_start3A_255] : memref<32768x1024xf32, #tpu.memory_space<hbm>> -> memref<32x1024xf32, #tpu.memory_space<hbm>>
    %dma_start3A_257 = arith.constant 0 : i32
    %dma_start3A_258 = tpu.memref_slice %arg4[%add3A_254, %dma_start3A_257] : memref<32768x1024xf32, #tpu.memory_space<hbm>> -> memref<32x1024xf32, #tpu.memory_space<hbm>>
    tpu.enqueue_dma source(%arg7 : memref<32x1024xf32, #tpu.memory_space<vmem>>) target(%dma_start3A_258 : memref<32x1024xf32, #tpu.memory_space<hbm>>) target_semaphore(%arg13 : memref<!tpu.dma_semaphore, #tpu.memory_space<semaphore_mem>>)
    %dma_wait3A_259 = arith.constant 0 : i32
    %dma_wait3A_260 = tpu.memref_slice %arg4[%add3A_254, %dma_wait3A_259] : memref<32768x1024xf32, #tpu.memory_space<hbm>> -> memref<32x1024xf32, #tpu.memory_space<hbm>>
    %dma_wait3A_261 = arith.constant 0 : i32
    %dma_wait3A_262 = tpu.memref_slice %arg4[%add3A_254, %dma_wait3A_261] : memref<32768x1024xf32, #tpu.memory_space<hbm>> -> memref<32x1024xf32, #tpu.memory_space<hbm>>
    tpu.wait_dma2 semaphore(%arg13 : memref<!tpu.dma_semaphore, #tpu.memory_space<semaphore_mem>>) src(%arg7 : memref<32x1024xf32, #tpu.memory_space<vmem>>) dst(%dma_wait3A_262 : memref<32x1024xf32, #tpu.memory_space<hbm>>)
    %dma_start3A_263 = arith.constant 416 : i32
    %dma_start3A_264 = tpu.memref_slice %arg5[%dma_start3A_263] : memref<1024xi32, #tpu.memory_space<vmem>> -> memref<32xi32, #tpu.memory_space<vmem>>
    %dma_start3A_265 = arith.constant 0 : i32
    %dma_start3A_266 = arith.constant 0 : i32
    %dma_start3A_267 = tpu.memref_slice %arg3[%dma_start3A_265, %dma_start3A_266] : memref<8192x1024xf32, #tpu.memory_space<hbm>> -> memref<8192x1024xf32, #tpu.memory_space<hbm>>
    tpu.enqueue_indirect_dma source(%dma_start3A_267 : memref<8192x1024xf32, #tpu.memory_space<hbm>>) target(%arg7 : memref<32x1024xf32, #tpu.memory_space<vmem>>) offsets(%dma_start3A_264 : memref<32xi32, #tpu.memory_space<vmem>>) semaphore(%arg10 : memref<!tpu.dma_semaphore, #tpu.memory_space<semaphore_mem>>)
    %dma_wait3A_268 = arith.constant 352 : i32
    %dma_wait3A_269 = tpu.memref_slice %arg5[%dma_wait3A_268] : memref<1024xi32, #tpu.memory_space<vmem>> -> memref<32xi32, #tpu.memory_space<vmem>>
    %dma_wait3A_270 = arith.constant 0 : i32
    %dma_wait3A_271 = arith.constant 0 : i32
    %dma_wait3A_272 = tpu.memref_slice %arg3[%dma_wait3A_270, %dma_wait3A_271] : memref<8192x1024xf32, #tpu.memory_space<hbm>> -> memref<8192x1024xf32, #tpu.memory_space<hbm>>
    tpu.wait_indirect_dma semaphore(%arg11 : memref<!tpu.dma_semaphore, #tpu.memory_space<semaphore_mem>>) src(%dma_wait3A_272 : memref<8192x1024xf32, #tpu.memory_space<hbm>>) dst(%arg8 : memref<32x1024xf32, #tpu.memory_space<vmem>>)
    %add3A_273 = arith.constant 352 : i32
    %add3A_274 = arith.addi %mul3A_2, %add3A_273 : i32
    %dma_start3A_275 = arith.constant 0 : i32
    %dma_start3A_276 = tpu.memref_slice %arg4[%add3A_274, %dma_start3A_275] : memref<32768x1024xf32, #tpu.memory_space<hbm>> -> memref<32x1024xf32, #tpu.memory_space<hbm>>
    %dma_start3A_277 = arith.constant 0 : i32
    %dma_start3A_278 = tpu.memref_slice %arg4[%add3A_274, %dma_start3A_277] : memref<32768x1024xf32, #tpu.memory_space<hbm>> -> memref<32x1024xf32, #tpu.memory_space<hbm>>
    tpu.enqueue_dma source(%arg8 : memref<32x1024xf32, #tpu.memory_space<vmem>>) target(%dma_start3A_278 : memref<32x1024xf32, #tpu.memory_space<hbm>>) target_semaphore(%arg14 : memref<!tpu.dma_semaphore, #tpu.memory_space<semaphore_mem>>)
    %dma_wait3A_279 = arith.constant 0 : i32
    %dma_wait3A_280 = tpu.memref_slice %arg4[%add3A_274, %dma_wait3A_279] : memref<32768x1024xf32, #tpu.memory_space<hbm>> -> memref<32x1024xf32, #tpu.memory_space<hbm>>
    %dma_wait3A_281 = arith.constant 0 : i32
    %dma_wait3A_282 = tpu.memref_slice %arg4[%add3A_274, %dma_wait3A_281] : memref<32768x1024xf32, #tpu.memory_space<hbm>> -> memref<32x1024xf32, #tpu.memory_space<hbm>>
    tpu.wait_dma2 semaphore(%arg14 : memref<!tpu.dma_semaphore, #tpu.memory_space<semaphore_mem>>) src(%arg8 : memref<32x1024xf32, #tpu.memory_space<vmem>>) dst(%dma_wait3A_282 : memref<32x1024xf32, #tpu.memory_space<hbm>>)
    %dma_start3A_283 = arith.constant 448 : i32
    %dma_start3A_284 = tpu.memref_slice %arg5[%dma_start3A_283] : memref<1024xi32, #tpu.memory_space<vmem>> -> memref<32xi32, #tpu.memory_space<vmem>>
    %dma_start3A_285 = arith.constant 0 : i32
    %dma_start3A_286 = arith.constant 0 : i32
    %dma_start3A_287 = tpu.memref_slice %arg3[%dma_start3A_285, %dma_start3A_286] : memref<8192x1024xf32, #tpu.memory_space<hbm>> -> memref<8192x1024xf32, #tpu.memory_space<hbm>>
    tpu.enqueue_indirect_dma source(%dma_start3A_287 : memref<8192x1024xf32, #tpu.memory_space<hbm>>) target(%arg8 : memref<32x1024xf32, #tpu.memory_space<vmem>>) offsets(%dma_start3A_284 : memref<32xi32, #tpu.memory_space<vmem>>) semaphore(%arg11 : memref<!tpu.dma_semaphore, #tpu.memory_space<semaphore_mem>>)
    %dma_wait3A_288 = arith.constant 384 : i32
    %dma_wait3A_289 = tpu.memref_slice %arg5[%dma_wait3A_288] : memref<1024xi32, #tpu.memory_space<vmem>> -> memref<32xi32, #tpu.memory_space<vmem>>
    %dma_wait3A_290 = arith.constant 0 : i32
    %dma_wait3A_291 = arith.constant 0 : i32
    %dma_wait3A_292 = tpu.memref_slice %arg3[%dma_wait3A_290, %dma_wait3A_291] : memref<8192x1024xf32, #tpu.memory_space<hbm>> -> memref<8192x1024xf32, #tpu.memory_space<hbm>>
    tpu.wait_indirect_dma semaphore(%arg9 : memref<!tpu.dma_semaphore, #tpu.memory_space<semaphore_mem>>) src(%dma_wait3A_292 : memref<8192x1024xf32, #tpu.memory_space<hbm>>) dst(%arg6 : memref<32x1024xf32, #tpu.memory_space<vmem>>)
    %add3A_293 = arith.constant 384 : i32
    %add3A_294 = arith.addi %mul3A_2, %add3A_293 : i32
    %dma_start3A_295 = arith.constant 0 : i32
    %dma_start3A_296 = tpu.memref_slice %arg4[%add3A_294, %dma_start3A_295] : memref<32768x1024xf32, #tpu.memory_space<hbm>> -> memref<32x1024xf32, #tpu.memory_space<hbm>>
    %dma_start3A_297 = arith.constant 0 : i32
    %dma_start3A_298 = tpu.memref_slice %arg4[%add3A_294, %dma_start3A_297] : memref<32768x1024xf32, #tpu.memory_space<hbm>> -> memref<32x1024xf32, #tpu.memory_space<hbm>>
    tpu.enqueue_dma source(%arg6 : memref<32x1024xf32, #tpu.memory_space<vmem>>) target(%dma_start3A_298 : memref<32x1024xf32, #tpu.memory_space<hbm>>) target_semaphore(%arg12 : memref<!tpu.dma_semaphore, #tpu.memory_space<semaphore_mem>>)
    %dma_wait3A_299 = arith.constant 0 : i32
    %dma_wait3A_300 = tpu.memref_slice %arg4[%add3A_294, %dma_wait3A_299] : memref<32768x1024xf32, #tpu.memory_space<hbm>> -> memref<32x1024xf32, #tpu.memory_space<hbm>>
    %dma_wait3A_301 = arith.constant 0 : i32
    %dma_wait3A_302 = tpu.memref_slice %arg4[%add3A_294, %dma_wait3A_301] : memref<32768x1024xf32, #tpu.memory_space<hbm>> -> memref<32x1024xf32, #tpu.memory_space<hbm>>
    tpu.wait_dma2 semaphore(%arg12 : memref<!tpu.dma_semaphore, #tpu.memory_space<semaphore_mem>>) src(%arg6 : memref<32x1024xf32, #tpu.memory_space<vmem>>) dst(%dma_wait3A_302 : memref<32x1024xf32, #tpu.memory_space<hbm>>)
    %dma_start3A_303 = arith.constant 480 : i32
    %dma_start3A_304 = tpu.memref_slice %arg5[%dma_start3A_303] : memref<1024xi32, #tpu.memory_space<vmem>> -> memref<32xi32, #tpu.memory_space<vmem>>
    %dma_start3A_305 = arith.constant 0 : i32
    %dma_start3A_306 = arith.constant 0 : i32
    %dma_start3A_307 = tpu.memref_slice %arg3[%dma_start3A_305, %dma_start3A_306] : memref<8192x1024xf32, #tpu.memory_space<hbm>> -> memref<8192x1024xf32, #tpu.memory_space<hbm>>
    tpu.enqueue_indirect_dma source(%dma_start3A_307 : memref<8192x1024xf32, #tpu.memory_space<hbm>>) target(%arg6 : memref<32x1024xf32, #tpu.memory_space<vmem>>) offsets(%dma_start3A_304 : memref<32xi32, #tpu.memory_space<vmem>>) semaphore(%arg9 : memref<!tpu.dma_semaphore, #tpu.memory_space<semaphore_mem>>)
    %dma_wait3A_308 = arith.constant 416 : i32
    %dma_wait3A_309 = tpu.memref_slice %arg5[%dma_wait3A_308] : memref<1024xi32, #tpu.memory_space<vmem>> -> memref<32xi32, #tpu.memory_space<vmem>>
    %dma_wait3A_310 = arith.constant 0 : i32
    %dma_wait3A_311 = arith.constant 0 : i32
    %dma_wait3A_312 = tpu.memref_slice %arg3[%dma_wait3A_310, %dma_wait3A_311] : memref<8192x1024xf32, #tpu.memory_space<hbm>> -> memref<8192x1024xf32, #tpu.memory_space<hbm>>
    tpu.wait_indirect_dma semaphore(%arg10 : memref<!tpu.dma_semaphore, #tpu.memory_space<semaphore_mem>>) src(%dma_wait3A_312 : memref<8192x1024xf32, #tpu.memory_space<hbm>>) dst(%arg7 : memref<32x1024xf32, #tpu.memory_space<vmem>>)
    %add3A_313 = arith.constant 416 : i32
    %add3A_314 = arith.addi %mul3A_2, %add3A_313 : i32
    %dma_start3A_315 = arith.constant 0 : i32
    %dma_start3A_316 = tpu.memref_slice %arg4[%add3A_314, %dma_start3A_315] : memref<32768x1024xf32, #tpu.memory_space<hbm>> -> memref<32x1024xf32, #tpu.memory_space<hbm>>
    %dma_start3A_317 = arith.constant 0 : i32
    %dma_start3A_318 = tpu.memref_slice %arg4[%add3A_314, %dma_start3A_317] : memref<32768x1024xf32, #tpu.memory_space<hbm>> -> memref<32x1024xf32, #tpu.memory_space<hbm>>
    tpu.enqueue_dma source(%arg7 : memref<32x1024xf32, #tpu.memory_space<vmem>>) target(%dma_start3A_318 : memref<32x1024xf32, #tpu.memory_space<hbm>>) target_semaphore(%arg13 : memref<!tpu.dma_semaphore, #tpu.memory_space<semaphore_mem>>)
    %dma_wait3A_319 = arith.constant 0 : i32
    %dma_wait3A_320 = tpu.memref_slice %arg4[%add3A_314, %dma_wait3A_319] : memref<32768x1024xf32, #tpu.memory_space<hbm>> -> memref<32x1024xf32, #tpu.memory_space<hbm>>
    %dma_wait3A_321 = arith.constant 0 : i32
    %dma_wait3A_322 = tpu.memref_slice %arg4[%add3A_314, %dma_wait3A_321] : memref<32768x1024xf32, #tpu.memory_space<hbm>> -> memref<32x1024xf32, #tpu.memory_space<hbm>>
    tpu.wait_dma2 semaphore(%arg13 : memref<!tpu.dma_semaphore, #tpu.memory_space<semaphore_mem>>) src(%arg7 : memref<32x1024xf32, #tpu.memory_space<vmem>>) dst(%dma_wait3A_322 : memref<32x1024xf32, #tpu.memory_space<hbm>>)
    %dma_start3A_323 = arith.constant 512 : i32
    %dma_start3A_324 = tpu.memref_slice %arg5[%dma_start3A_323] : memref<1024xi32, #tpu.memory_space<vmem>> -> memref<32xi32, #tpu.memory_space<vmem>>
    %dma_start3A_325 = arith.constant 0 : i32
    %dma_start3A_326 = arith.constant 0 : i32
    %dma_start3A_327 = tpu.memref_slice %arg3[%dma_start3A_325, %dma_start3A_326] : memref<8192x1024xf32, #tpu.memory_space<hbm>> -> memref<8192x1024xf32, #tpu.memory_space<hbm>>
    tpu.enqueue_indirect_dma source(%dma_start3A_327 : memref<8192x1024xf32, #tpu.memory_space<hbm>>) target(%arg7 : memref<32x1024xf32, #tpu.memory_space<vmem>>) offsets(%dma_start3A_324 : memref<32xi32, #tpu.memory_space<vmem>>) semaphore(%arg10 : memref<!tpu.dma_semaphore, #tpu.memory_space<semaphore_mem>>)
    %dma_wait3A_328 = arith.constant 448 : i32
    %dma_wait3A_329 = tpu.memref_slice %arg5[%dma_wait3A_328] : memref<1024xi32, #tpu.memory_space<vmem>> -> memref<32xi32, #tpu.memory_space<vmem>>
    %dma_wait3A_330 = arith.constant 0 : i32
    %dma_wait3A_331 = arith.constant 0 : i32
    %dma_wait3A_332 = tpu.memref_slice %arg3[%dma_wait3A_330, %dma_wait3A_331] : memref<8192x1024xf32, #tpu.memory_space<hbm>> -> memref<8192x1024xf32, #tpu.memory_space<hbm>>
    tpu.wait_indirect_dma semaphore(%arg11 : memref<!tpu.dma_semaphore, #tpu.memory_space<semaphore_mem>>) src(%dma_wait3A_332 : memref<8192x1024xf32, #tpu.memory_space<hbm>>) dst(%arg8 : memref<32x1024xf32, #tpu.memory_space<vmem>>)
    %add3A_333 = arith.constant 448 : i32
    %add3A_334 = arith.addi %mul3A_2, %add3A_333 : i32
    %dma_start3A_335 = arith.constant 0 : i32
    %dma_start3A_336 = tpu.memref_slice %arg4[%add3A_334, %dma_start3A_335] : memref<32768x1024xf32, #tpu.memory_space<hbm>> -> memref<32x1024xf32, #tpu.memory_space<hbm>>
    %dma_start3A_337 = arith.constant 0 : i32
    %dma_start3A_338 = tpu.memref_slice %arg4[%add3A_334, %dma_start3A_337] : memref<32768x1024xf32, #tpu.memory_space<hbm>> -> memref<32x1024xf32, #tpu.memory_space<hbm>>
    tpu.enqueue_dma source(%arg8 : memref<32x1024xf32, #tpu.memory_space<vmem>>) target(%dma_start3A_338 : memref<32x1024xf32, #tpu.memory_space<hbm>>) target_semaphore(%arg14 : memref<!tpu.dma_semaphore, #tpu.memory_space<semaphore_mem>>)
    %dma_wait3A_339 = arith.constant 0 : i32
    %dma_wait3A_340 = tpu.memref_slice %arg4[%add3A_334, %dma_wait3A_339] : memref<32768x1024xf32, #tpu.memory_space<hbm>> -> memref<32x1024xf32, #tpu.memory_space<hbm>>
    %dma_wait3A_341 = arith.constant 0 : i32
    %dma_wait3A_342 = tpu.memref_slice %arg4[%add3A_334, %dma_wait3A_341] : memref<32768x1024xf32, #tpu.memory_space<hbm>> -> memref<32x1024xf32, #tpu.memory_space<hbm>>
    tpu.wait_dma2 semaphore(%arg14 : memref<!tpu.dma_semaphore, #tpu.memory_space<semaphore_mem>>) src(%arg8 : memref<32x1024xf32, #tpu.memory_space<vmem>>) dst(%dma_wait3A_342 : memref<32x1024xf32, #tpu.memory_space<hbm>>)
    %dma_start3A_343 = arith.constant 544 : i32
    %dma_start3A_344 = tpu.memref_slice %arg5[%dma_start3A_343] : memref<1024xi32, #tpu.memory_space<vmem>> -> memref<32xi32, #tpu.memory_space<vmem>>
    %dma_start3A_345 = arith.constant 0 : i32
    %dma_start3A_346 = arith.constant 0 : i32
    %dma_start3A_347 = tpu.memref_slice %arg3[%dma_start3A_345, %dma_start3A_346] : memref<8192x1024xf32, #tpu.memory_space<hbm>> -> memref<8192x1024xf32, #tpu.memory_space<hbm>>
    tpu.enqueue_indirect_dma source(%dma_start3A_347 : memref<8192x1024xf32, #tpu.memory_space<hbm>>) target(%arg8 : memref<32x1024xf32, #tpu.memory_space<vmem>>) offsets(%dma_start3A_344 : memref<32xi32, #tpu.memory_space<vmem>>) semaphore(%arg11 : memref<!tpu.dma_semaphore, #tpu.memory_space<semaphore_mem>>)
    %dma_wait3A_348 = arith.constant 480 : i32
    %dma_wait3A_349 = tpu.memref_slice %arg5[%dma_wait3A_348] : memref<1024xi32, #tpu.memory_space<vmem>> -> memref<32xi32, #tpu.memory_space<vmem>>
    %dma_wait3A_350 = arith.constant 0 : i32
    %dma_wait3A_351 = arith.constant 0 : i32
    %dma_wait3A_352 = tpu.memref_slice %arg3[%dma_wait3A_350, %dma_wait3A_351] : memref<8192x1024xf32, #tpu.memory_space<hbm>> -> memref<8192x1024xf32, #tpu.memory_space<hbm>>
    tpu.wait_indirect_dma semaphore(%arg9 : memref<!tpu.dma_semaphore, #tpu.memory_space<semaphore_mem>>) src(%dma_wait3A_352 : memref<8192x1024xf32, #tpu.memory_space<hbm>>) dst(%arg6 : memref<32x1024xf32, #tpu.memory_space<vmem>>)
    %add3A_353 = arith.constant 480 : i32
    %add3A_354 = arith.addi %mul3A_2, %add3A_353 : i32
    %dma_start3A_355 = arith.constant 0 : i32
    %dma_start3A_356 = tpu.memref_slice %arg4[%add3A_354, %dma_start3A_355] : memref<32768x1024xf32, #tpu.memory_space<hbm>> -> memref<32x1024xf32, #tpu.memory_space<hbm>>
    %dma_start3A_357 = arith.constant 0 : i32
    %dma_start3A_358 = tpu.memref_slice %arg4[%add3A_354, %dma_start3A_357] : memref<32768x1024xf32, #tpu.memory_space<hbm>> -> memref<32x1024xf32, #tpu.memory_space<hbm>>
    tpu.enqueue_dma source(%arg6 : memref<32x1024xf32, #tpu.memory_space<vmem>>) target(%dma_start3A_358 : memref<32x1024xf32, #tpu.memory_space<hbm>>) target_semaphore(%arg12 : memref<!tpu.dma_semaphore, #tpu.memory_space<semaphore_mem>>)
    %dma_wait3A_359 = arith.constant 0 : i32
    %dma_wait3A_360 = tpu.memref_slice %arg4[%add3A_354, %dma_wait3A_359] : memref<32768x1024xf32, #tpu.memory_space<hbm>> -> memref<32x1024xf32, #tpu.memory_space<hbm>>
    %dma_wait3A_361 = arith.constant 0 : i32
    %dma_wait3A_362 = tpu.memref_slice %arg4[%add3A_354, %dma_wait3A_361] : memref<32768x1024xf32, #tpu.memory_space<hbm>> -> memref<32x1024xf32, #tpu.memory_space<hbm>>
    tpu.wait_dma2 semaphore(%arg12 : memref<!tpu.dma_semaphore, #tpu.memory_space<semaphore_mem>>) src(%arg6 : memref<32x1024xf32, #tpu.memory_space<vmem>>) dst(%dma_wait3A_362 : memref<32x1024xf32, #tpu.memory_space<hbm>>)
    %dma_start3A_363 = arith.constant 576 : i32
    %dma_start3A_364 = tpu.memref_slice %arg5[%dma_start3A_363] : memref<1024xi32, #tpu.memory_space<vmem>> -> memref<32xi32, #tpu.memory_space<vmem>>
    %dma_start3A_365 = arith.constant 0 : i32
    %dma_start3A_366 = arith.constant 0 : i32
    %dma_start3A_367 = tpu.memref_slice %arg3[%dma_start3A_365, %dma_start3A_366] : memref<8192x1024xf32, #tpu.memory_space<hbm>> -> memref<8192x1024xf32, #tpu.memory_space<hbm>>
    tpu.enqueue_indirect_dma source(%dma_start3A_367 : memref<8192x1024xf32, #tpu.memory_space<hbm>>) target(%arg6 : memref<32x1024xf32, #tpu.memory_space<vmem>>) offsets(%dma_start3A_364 : memref<32xi32, #tpu.memory_space<vmem>>) semaphore(%arg9 : memref<!tpu.dma_semaphore, #tpu.memory_space<semaphore_mem>>)
    %dma_wait3A_368 = arith.constant 512 : i32
    %dma_wait3A_369 = tpu.memref_slice %arg5[%dma_wait3A_368] : memref<1024xi32, #tpu.memory_space<vmem>> -> memref<32xi32, #tpu.memory_space<vmem>>
    %dma_wait3A_370 = arith.constant 0 : i32
    %dma_wait3A_371 = arith.constant 0 : i32
    %dma_wait3A_372 = tpu.memref_slice %arg3[%dma_wait3A_370, %dma_wait3A_371] : memref<8192x1024xf32, #tpu.memory_space<hbm>> -> memref<8192x1024xf32, #tpu.memory_space<hbm>>
    tpu.wait_indirect_dma semaphore(%arg10 : memref<!tpu.dma_semaphore, #tpu.memory_space<semaphore_mem>>) src(%dma_wait3A_372 : memref<8192x1024xf32, #tpu.memory_space<hbm>>) dst(%arg7 : memref<32x1024xf32, #tpu.memory_space<vmem>>)
    %add3A_373 = arith.constant 512 : i32
    %add3A_374 = arith.addi %mul3A_2, %add3A_373 : i32
    %dma_start3A_375 = arith.constant 0 : i32
    %dma_start3A_376 = tpu.memref_slice %arg4[%add3A_374, %dma_start3A_375] : memref<32768x1024xf32, #tpu.memory_space<hbm>> -> memref<32x1024xf32, #tpu.memory_space<hbm>>
    %dma_start3A_377 = arith.constant 0 : i32
    %dma_start3A_378 = tpu.memref_slice %arg4[%add3A_374, %dma_start3A_377] : memref<32768x1024xf32, #tpu.memory_space<hbm>> -> memref<32x1024xf32, #tpu.memory_space<hbm>>
    tpu.enqueue_dma source(%arg7 : memref<32x1024xf32, #tpu.memory_space<vmem>>) target(%dma_start3A_378 : memref<32x1024xf32, #tpu.memory_space<hbm>>) target_semaphore(%arg13 : memref<!tpu.dma_semaphore, #tpu.memory_space<semaphore_mem>>)
    %dma_wait3A_379 = arith.constant 0 : i32
    %dma_wait3A_380 = tpu.memref_slice %arg4[%add3A_374, %dma_wait3A_379] : memref<32768x1024xf32, #tpu.memory_space<hbm>> -> memref<32x1024xf32, #tpu.memory_space<hbm>>
    %dma_wait3A_381 = arith.constant 0 : i32
    %dma_wait3A_382 = tpu.memref_slice %arg4[%add3A_374, %dma_wait3A_381] : memref<32768x1024xf32, #tpu.memory_space<hbm>> -> memref<32x1024xf32, #tpu.memory_space<hbm>>
    tpu.wait_dma2 semaphore(%arg13 : memref<!tpu.dma_semaphore, #tpu.memory_space<semaphore_mem>>) src(%arg7 : memref<32x1024xf32, #tpu.memory_space<vmem>>) dst(%dma_wait3A_382 : memref<32x1024xf32, #tpu.memory_space<hbm>>)
    %dma_start3A_383 = arith.constant 608 : i32
    %dma_start3A_384 = tpu.memref_slice %arg5[%dma_start3A_383] : memref<1024xi32, #tpu.memory_space<vmem>> -> memref<32xi32, #tpu.memory_space<vmem>>
    %dma_start3A_385 = arith.constant 0 : i32
    %dma_start3A_386 = arith.constant 0 : i32
    %dma_start3A_387 = tpu.memref_slice %arg3[%dma_start3A_385, %dma_start3A_386] : memref<8192x1024xf32, #tpu.memory_space<hbm>> -> memref<8192x1024xf32, #tpu.memory_space<hbm>>
    tpu.enqueue_indirect_dma source(%dma_start3A_387 : memref<8192x1024xf32, #tpu.memory_space<hbm>>) target(%arg7 : memref<32x1024xf32, #tpu.memory_space<vmem>>) offsets(%dma_start3A_384 : memref<32xi32, #tpu.memory_space<vmem>>) semaphore(%arg10 : memref<!tpu.dma_semaphore, #tpu.memory_space<semaphore_mem>>)
    %dma_wait3A_388 = arith.constant 544 : i32
    %dma_wait3A_389 = tpu.memref_slice %arg5[%dma_wait3A_388] : memref<1024xi32, #tpu.memory_space<vmem>> -> memref<32xi32, #tpu.memory_space<vmem>>
    %dma_wait3A_390 = arith.constant 0 : i32
    %dma_wait3A_391 = arith.constant 0 : i32
    %dma_wait3A_392 = tpu.memref_slice %arg3[%dma_wait3A_390, %dma_wait3A_391] : memref<8192x1024xf32, #tpu.memory_space<hbm>> -> memref<8192x1024xf32, #tpu.memory_space<hbm>>
    tpu.wait_indirect_dma semaphore(%arg11 : memref<!tpu.dma_semaphore, #tpu.memory_space<semaphore_mem>>) src(%dma_wait3A_392 : memref<8192x1024xf32, #tpu.memory_space<hbm>>) dst(%arg8 : memref<32x1024xf32, #tpu.memory_space<vmem>>)
    %add3A_393 = arith.constant 544 : i32
    %add3A_394 = arith.addi %mul3A_2, %add3A_393 : i32
    %dma_start3A_395 = arith.constant 0 : i32
    %dma_start3A_396 = tpu.memref_slice %arg4[%add3A_394, %dma_start3A_395] : memref<32768x1024xf32, #tpu.memory_space<hbm>> -> memref<32x1024xf32, #tpu.memory_space<hbm>>
    %dma_start3A_397 = arith.constant 0 : i32
    %dma_start3A_398 = tpu.memref_slice %arg4[%add3A_394, %dma_start3A_397] : memref<32768x1024xf32, #tpu.memory_space<hbm>> -> memref<32x1024xf32, #tpu.memory_space<hbm>>
    tpu.enqueue_dma source(%arg8 : memref<32x1024xf32, #tpu.memory_space<vmem>>) target(%dma_start3A_398 : memref<32x1024xf32, #tpu.memory_space<hbm>>) target_semaphore(%arg14 : memref<!tpu.dma_semaphore, #tpu.memory_space<semaphore_mem>>)
    %dma_wait3A_399 = arith.constant 0 : i32
    %dma_wait3A_400 = tpu.memref_slice %arg4[%add3A_394, %dma_wait3A_399] : memref<32768x1024xf32, #tpu.memory_space<hbm>> -> memref<32x1024xf32, #tpu.memory_space<hbm>>
    %dma_wait3A_401 = arith.constant 0 : i32
    %dma_wait3A_402 = tpu.memref_slice %arg4[%add3A_394, %dma_wait3A_401] : memref<32768x1024xf32, #tpu.memory_space<hbm>> -> memref<32x1024xf32, #tpu.memory_space<hbm>>
    tpu.wait_dma2 semaphore(%arg14 : memref<!tpu.dma_semaphore, #tpu.memory_space<semaphore_mem>>) src(%arg8 : memref<32x1024xf32, #tpu.memory_space<vmem>>) dst(%dma_wait3A_402 : memref<32x1024xf32, #tpu.memory_space<hbm>>)
    %dma_start3A_403 = arith.constant 640 : i32
    %dma_start3A_404 = tpu.memref_slice %arg5[%dma_start3A_403] : memref<1024xi32, #tpu.memory_space<vmem>> -> memref<32xi32, #tpu.memory_space<vmem>>
    %dma_start3A_405 = arith.constant 0 : i32
    %dma_start3A_406 = arith.constant 0 : i32
    %dma_start3A_407 = tpu.memref_slice %arg3[%dma_start3A_405, %dma_start3A_406] : memref<8192x1024xf32, #tpu.memory_space<hbm>> -> memref<8192x1024xf32, #tpu.memory_space<hbm>>
    tpu.enqueue_indirect_dma source(%dma_start3A_407 : memref<8192x1024xf32, #tpu.memory_space<hbm>>) target(%arg8 : memref<32x1024xf32, #tpu.memory_space<vmem>>) offsets(%dma_start3A_404 : memref<32xi32, #tpu.memory_space<vmem>>) semaphore(%arg11 : memref<!tpu.dma_semaphore, #tpu.memory_space<semaphore_mem>>)
    %dma_wait3A_408 = arith.constant 576 : i32
    %dma_wait3A_409 = tpu.memref_slice %arg5[%dma_wait3A_408] : memref<1024xi32, #tpu.memory_space<vmem>> -> memref<32xi32, #tpu.memory_space<vmem>>
    %dma_wait3A_410 = arith.constant 0 : i32
    %dma_wait3A_411 = arith.constant 0 : i32
    %dma_wait3A_412 = tpu.memref_slice %arg3[%dma_wait3A_410, %dma_wait3A_411] : memref<8192x1024xf32, #tpu.memory_space<hbm>> -> memref<8192x1024xf32, #tpu.memory_space<hbm>>
    tpu.wait_indirect_dma semaphore(%arg9 : memref<!tpu.dma_semaphore, #tpu.memory_space<semaphore_mem>>) src(%dma_wait3A_412 : memref<8192x1024xf32, #tpu.memory_space<hbm>>) dst(%arg6 : memref<32x1024xf32, #tpu.memory_space<vmem>>)
    %add3A_413 = arith.constant 576 : i32
    %add3A_414 = arith.addi %mul3A_2, %add3A_413 : i32
    %dma_start3A_415 = arith.constant 0 : i32
    %dma_start3A_416 = tpu.memref_slice %arg4[%add3A_414, %dma_start3A_415] : memref<32768x1024xf32, #tpu.memory_space<hbm>> -> memref<32x1024xf32, #tpu.memory_space<hbm>>
    %dma_start3A_417 = arith.constant 0 : i32
    %dma_start3A_418 = tpu.memref_slice %arg4[%add3A_414, %dma_start3A_417] : memref<32768x1024xf32, #tpu.memory_space<hbm>> -> memref<32x1024xf32, #tpu.memory_space<hbm>>
    tpu.enqueue_dma source(%arg6 : memref<32x1024xf32, #tpu.memory_space<vmem>>) target(%dma_start3A_418 : memref<32x1024xf32, #tpu.memory_space<hbm>>) target_semaphore(%arg12 : memref<!tpu.dma_semaphore, #tpu.memory_space<semaphore_mem>>)
    %dma_wait3A_419 = arith.constant 0 : i32
    %dma_wait3A_420 = tpu.memref_slice %arg4[%add3A_414, %dma_wait3A_419] : memref<32768x1024xf32, #tpu.memory_space<hbm>> -> memref<32x1024xf32, #tpu.memory_space<hbm>>
    %dma_wait3A_421 = arith.constant 0 : i32
    %dma_wait3A_422 = tpu.memref_slice %arg4[%add3A_414, %dma_wait3A_421] : memref<32768x1024xf32, #tpu.memory_space<hbm>> -> memref<32x1024xf32, #tpu.memory_space<hbm>>
    tpu.wait_dma2 semaphore(%arg12 : memref<!tpu.dma_semaphore, #tpu.memory_space<semaphore_mem>>) src(%arg6 : memref<32x1024xf32, #tpu.memory_space<vmem>>) dst(%dma_wait3A_422 : memref<32x1024xf32, #tpu.memory_space<hbm>>)
    %dma_start3A_423 = arith.constant 672 : i32
    %dma_start3A_424 = tpu.memref_slice %arg5[%dma_start3A_423] : memref<1024xi32, #tpu.memory_space<vmem>> -> memref<32xi32, #tpu.memory_space<vmem>>
    %dma_start3A_425 = arith.constant 0 : i32
    %dma_start3A_426 = arith.constant 0 : i32
    %dma_start3A_427 = tpu.memref_slice %arg3[%dma_start3A_425, %dma_start3A_426] : memref<8192x1024xf32, #tpu.memory_space<hbm>> -> memref<8192x1024xf32, #tpu.memory_space<hbm>>
    tpu.enqueue_indirect_dma source(%dma_start3A_427 : memref<8192x1024xf32, #tpu.memory_space<hbm>>) target(%arg6 : memref<32x1024xf32, #tpu.memory_space<vmem>>) offsets(%dma_start3A_424 : memref<32xi32, #tpu.memory_space<vmem>>) semaphore(%arg9 : memref<!tpu.dma_semaphore, #tpu.memory_space<semaphore_mem>>)
    %dma_wait3A_428 = arith.constant 608 : i32
    %dma_wait3A_429 = tpu.memref_slice %arg5[%dma_wait3A_428] : memref<1024xi32, #tpu.memory_space<vmem>> -> memref<32xi32, #tpu.memory_space<vmem>>
    %dma_wait3A_430 = arith.constant 0 : i32
    %dma_wait3A_431 = arith.constant 0 : i32
    %dma_wait3A_432 = tpu.memref_slice %arg3[%dma_wait3A_430, %dma_wait3A_431] : memref<8192x1024xf32, #tpu.memory_space<hbm>> -> memref<8192x1024xf32, #tpu.memory_space<hbm>>
    tpu.wait_indirect_dma semaphore(%arg10 : memref<!tpu.dma_semaphore, #tpu.memory_space<semaphore_mem>>) src(%dma_wait3A_432 : memref<8192x1024xf32, #tpu.memory_space<hbm>>) dst(%arg7 : memref<32x1024xf32, #tpu.memory_space<vmem>>)
    %add3A_433 = arith.constant 608 : i32
    %add3A_434 = arith.addi %mul3A_2, %add3A_433 : i32
    %dma_start3A_435 = arith.constant 0 : i32
    %dma_start3A_436 = tpu.memref_slice %arg4[%add3A_434, %dma_start3A_435] : memref<32768x1024xf32, #tpu.memory_space<hbm>> -> memref<32x1024xf32, #tpu.memory_space<hbm>>
    %dma_start3A_437 = arith.constant 0 : i32
    %dma_start3A_438 = tpu.memref_slice %arg4[%add3A_434, %dma_start3A_437] : memref<32768x1024xf32, #tpu.memory_space<hbm>> -> memref<32x1024xf32, #tpu.memory_space<hbm>>
    tpu.enqueue_dma source(%arg7 : memref<32x1024xf32, #tpu.memory_space<vmem>>) target(%dma_start3A_438 : memref<32x1024xf32, #tpu.memory_space<hbm>>) target_semaphore(%arg13 : memref<!tpu.dma_semaphore, #tpu.memory_space<semaphore_mem>>)
    %dma_wait3A_439 = arith.constant 0 : i32
    %dma_wait3A_440 = tpu.memref_slice %arg4[%add3A_434, %dma_wait3A_439] : memref<32768x1024xf32, #tpu.memory_space<hbm>> -> memref<32x1024xf32, #tpu.memory_space<hbm>>
    %dma_wait3A_441 = arith.constant 0 : i32
    %dma_wait3A_442 = tpu.memref_slice %arg4[%add3A_434, %dma_wait3A_441] : memref<32768x1024xf32, #tpu.memory_space<hbm>> -> memref<32x1024xf32, #tpu.memory_space<hbm>>
    tpu.wait_dma2 semaphore(%arg13 : memref<!tpu.dma_semaphore, #tpu.memory_space<semaphore_mem>>) src(%arg7 : memref<32x1024xf32, #tpu.memory_space<vmem>>) dst(%dma_wait3A_442 : memref<32x1024xf32, #tpu.memory_space<hbm>>)
    %dma_start3A_443 = arith.constant 704 : i32
    %dma_start3A_444 = tpu.memref_slice %arg5[%dma_start3A_443] : memref<1024xi32, #tpu.memory_space<vmem>> -> memref<32xi32, #tpu.memory_space<vmem>>
    %dma_start3A_445 = arith.constant 0 : i32
    %dma_start3A_446 = arith.constant 0 : i32
    %dma_start3A_447 = tpu.memref_slice %arg3[%dma_start3A_445, %dma_start3A_446] : memref<8192x1024xf32, #tpu.memory_space<hbm>> -> memref<8192x1024xf32, #tpu.memory_space<hbm>>
    tpu.enqueue_indirect_dma source(%dma_start3A_447 : memref<8192x1024xf32, #tpu.memory_space<hbm>>) target(%arg7 : memref<32x1024xf32, #tpu.memory_space<vmem>>) offsets(%dma_start3A_444 : memref<32xi32, #tpu.memory_space<vmem>>) semaphore(%arg10 : memref<!tpu.dma_semaphore, #tpu.memory_space<semaphore_mem>>)
    %dma_wait3A_448 = arith.constant 640 : i32
    %dma_wait3A_449 = tpu.memref_slice %arg5[%dma_wait3A_448] : memref<1024xi32, #tpu.memory_space<vmem>> -> memref<32xi32, #tpu.memory_space<vmem>>
    %dma_wait3A_450 = arith.constant 0 : i32
    %dma_wait3A_451 = arith.constant 0 : i32
    %dma_wait3A_452 = tpu.memref_slice %arg3[%dma_wait3A_450, %dma_wait3A_451] : memref<8192x1024xf32, #tpu.memory_space<hbm>> -> memref<8192x1024xf32, #tpu.memory_space<hbm>>
    tpu.wait_indirect_dma semaphore(%arg11 : memref<!tpu.dma_semaphore, #tpu.memory_space<semaphore_mem>>) src(%dma_wait3A_452 : memref<8192x1024xf32, #tpu.memory_space<hbm>>) dst(%arg8 : memref<32x1024xf32, #tpu.memory_space<vmem>>)
    %add3A_453 = arith.constant 640 : i32
    %add3A_454 = arith.addi %mul3A_2, %add3A_453 : i32
    %dma_start3A_455 = arith.constant 0 : i32
    %dma_start3A_456 = tpu.memref_slice %arg4[%add3A_454, %dma_start3A_455] : memref<32768x1024xf32, #tpu.memory_space<hbm>> -> memref<32x1024xf32, #tpu.memory_space<hbm>>
    %dma_start3A_457 = arith.constant 0 : i32
    %dma_start3A_458 = tpu.memref_slice %arg4[%add3A_454, %dma_start3A_457] : memref<32768x1024xf32, #tpu.memory_space<hbm>> -> memref<32x1024xf32, #tpu.memory_space<hbm>>
    tpu.enqueue_dma source(%arg8 : memref<32x1024xf32, #tpu.memory_space<vmem>>) target(%dma_start3A_458 : memref<32x1024xf32, #tpu.memory_space<hbm>>) target_semaphore(%arg14 : memref<!tpu.dma_semaphore, #tpu.memory_space<semaphore_mem>>)
    %dma_wait3A_459 = arith.constant 0 : i32
    %dma_wait3A_460 = tpu.memref_slice %arg4[%add3A_454, %dma_wait3A_459] : memref<32768x1024xf32, #tpu.memory_space<hbm>> -> memref<32x1024xf32, #tpu.memory_space<hbm>>
    %dma_wait3A_461 = arith.constant 0 : i32
    %dma_wait3A_462 = tpu.memref_slice %arg4[%add3A_454, %dma_wait3A_461] : memref<32768x1024xf32, #tpu.memory_space<hbm>> -> memref<32x1024xf32, #tpu.memory_space<hbm>>
    tpu.wait_dma2 semaphore(%arg14 : memref<!tpu.dma_semaphore, #tpu.memory_space<semaphore_mem>>) src(%arg8 : memref<32x1024xf32, #tpu.memory_space<vmem>>) dst(%dma_wait3A_462 : memref<32x1024xf32, #tpu.memory_space<hbm>>)
    %dma_start3A_463 = arith.constant 736 : i32
    %dma_start3A_464 = tpu.memref_slice %arg5[%dma_start3A_463] : memref<1024xi32, #tpu.memory_space<vmem>> -> memref<32xi32, #tpu.memory_space<vmem>>
    %dma_start3A_465 = arith.constant 0 : i32
    %dma_start3A_466 = arith.constant 0 : i32
    %dma_start3A_467 = tpu.memref_slice %arg3[%dma_start3A_465, %dma_start3A_466] : memref<8192x1024xf32, #tpu.memory_space<hbm>> -> memref<8192x1024xf32, #tpu.memory_space<hbm>>
    tpu.enqueue_indirect_dma source(%dma_start3A_467 : memref<8192x1024xf32, #tpu.memory_space<hbm>>) target(%arg8 : memref<32x1024xf32, #tpu.memory_space<vmem>>) offsets(%dma_start3A_464 : memref<32xi32, #tpu.memory_space<vmem>>) semaphore(%arg11 : memref<!tpu.dma_semaphore, #tpu.memory_space<semaphore_mem>>)
    %dma_wait3A_468 = arith.constant 672 : i32
    %dma_wait3A_469 = tpu.memref_slice %arg5[%dma_wait3A_468] : memref<1024xi32, #tpu.memory_space<vmem>> -> memref<32xi32, #tpu.memory_space<vmem>>
    %dma_wait3A_470 = arith.constant 0 : i32
    %dma_wait3A_471 = arith.constant 0 : i32
    %dma_wait3A_472 = tpu.memref_slice %arg3[%dma_wait3A_470, %dma_wait3A_471] : memref<8192x1024xf32, #tpu.memory_space<hbm>> -> memref<8192x1024xf32, #tpu.memory_space<hbm>>
    tpu.wait_indirect_dma semaphore(%arg9 : memref<!tpu.dma_semaphore, #tpu.memory_space<semaphore_mem>>) src(%dma_wait3A_472 : memref<8192x1024xf32, #tpu.memory_space<hbm>>) dst(%arg6 : memref<32x1024xf32, #tpu.memory_space<vmem>>)
    %add3A_473 = arith.constant 672 : i32
    %add3A_474 = arith.addi %mul3A_2, %add3A_473 : i32
    %dma_start3A_475 = arith.constant 0 : i32
    %dma_start3A_476 = tpu.memref_slice %arg4[%add3A_474, %dma_start3A_475] : memref<32768x1024xf32, #tpu.memory_space<hbm>> -> memref<32x1024xf32, #tpu.memory_space<hbm>>
    %dma_start3A_477 = arith.constant 0 : i32
    %dma_start3A_478 = tpu.memref_slice %arg4[%add3A_474, %dma_start3A_477] : memref<32768x1024xf32, #tpu.memory_space<hbm>> -> memref<32x1024xf32, #tpu.memory_space<hbm>>
    tpu.enqueue_dma source(%arg6 : memref<32x1024xf32, #tpu.memory_space<vmem>>) target(%dma_start3A_478 : memref<32x1024xf32, #tpu.memory_space<hbm>>) target_semaphore(%arg12 : memref<!tpu.dma_semaphore, #tpu.memory_space<semaphore_mem>>)
    %dma_wait3A_479 = arith.constant 0 : i32
    %dma_wait3A_480 = tpu.memref_slice %arg4[%add3A_474, %dma_wait3A_479] : memref<32768x1024xf32, #tpu.memory_space<hbm>> -> memref<32x1024xf32, #tpu.memory_space<hbm>>
    %dma_wait3A_481 = arith.constant 0 : i32
    %dma_wait3A_482 = tpu.memref_slice %arg4[%add3A_474, %dma_wait3A_481] : memref<32768x1024xf32, #tpu.memory_space<hbm>> -> memref<32x1024xf32, #tpu.memory_space<hbm>>
    tpu.wait_dma2 semaphore(%arg12 : memref<!tpu.dma_semaphore, #tpu.memory_space<semaphore_mem>>) src(%arg6 : memref<32x1024xf32, #tpu.memory_space<vmem>>) dst(%dma_wait3A_482 : memref<32x1024xf32, #tpu.memory_space<hbm>>)
    %dma_start3A_483 = arith.constant 768 : i32
    %dma_start3A_484 = tpu.memref_slice %arg5[%dma_start3A_483] : memref<1024xi32, #tpu.memory_space<vmem>> -> memref<32xi32, #tpu.memory_space<vmem>>
    %dma_start3A_485 = arith.constant 0 : i32
    %dma_start3A_486 = arith.constant 0 : i32
    %dma_start3A_487 = tpu.memref_slice %arg3[%dma_start3A_485, %dma_start3A_486] : memref<8192x1024xf32, #tpu.memory_space<hbm>> -> memref<8192x1024xf32, #tpu.memory_space<hbm>>
    tpu.enqueue_indirect_dma source(%dma_start3A_487 : memref<8192x1024xf32, #tpu.memory_space<hbm>>) target(%arg6 : memref<32x1024xf32, #tpu.memory_space<vmem>>) offsets(%dma_start3A_484 : memref<32xi32, #tpu.memory_space<vmem>>) semaphore(%arg9 : memref<!tpu.dma_semaphore, #tpu.memory_space<semaphore_mem>>)
    %dma_wait3A_488 = arith.constant 704 : i32
    %dma_wait3A_489 = tpu.memref_slice %arg5[%dma_wait3A_488] : memref<1024xi32, #tpu.memory_space<vmem>> -> memref<32xi32, #tpu.memory_space<vmem>>
    %dma_wait3A_490 = arith.constant 0 : i32
    %dma_wait3A_491 = arith.constant 0 : i32
    %dma_wait3A_492 = tpu.memref_slice %arg3[%dma_wait3A_490, %dma_wait3A_491] : memref<8192x1024xf32, #tpu.memory_space<hbm>> -> memref<8192x1024xf32, #tpu.memory_space<hbm>>
    tpu.wait_indirect_dma semaphore(%arg10 : memref<!tpu.dma_semaphore, #tpu.memory_space<semaphore_mem>>) src(%dma_wait3A_492 : memref<8192x1024xf32, #tpu.memory_space<hbm>>) dst(%arg7 : memref<32x1024xf32, #tpu.memory_space<vmem>>)
    %add3A_493 = arith.constant 704 : i32
    %add3A_494 = arith.addi %mul3A_2, %add3A_493 : i32
    %dma_start3A_495 = arith.constant 0 : i32
    %dma_start3A_496 = tpu.memref_slice %arg4[%add3A_494, %dma_start3A_495] : memref<32768x1024xf32, #tpu.memory_space<hbm>> -> memref<32x1024xf32, #tpu.memory_space<hbm>>
    %dma_start3A_497 = arith.constant 0 : i32
    %dma_start3A_498 = tpu.memref_slice %arg4[%add3A_494, %dma_start3A_497] : memref<32768x1024xf32, #tpu.memory_space<hbm>> -> memref<32x1024xf32, #tpu.memory_space<hbm>>
    tpu.enqueue_dma source(%arg7 : memref<32x1024xf32, #tpu.memory_space<vmem>>) target(%dma_start3A_498 : memref<32x1024xf32, #tpu.memory_space<hbm>>) target_semaphore(%arg13 : memref<!tpu.dma_semaphore, #tpu.memory_space<semaphore_mem>>)
    %dma_wait3A_499 = arith.constant 0 : i32
    %dma_wait3A_500 = tpu.memref_slice %arg4[%add3A_494, %dma_wait3A_499] : memref<32768x1024xf32, #tpu.memory_space<hbm>> -> memref<32x1024xf32, #tpu.memory_space<hbm>>
    %dma_wait3A_501 = arith.constant 0 : i32
    %dma_wait3A_502 = tpu.memref_slice %arg4[%add3A_494, %dma_wait3A_501] : memref<32768x1024xf32, #tpu.memory_space<hbm>> -> memref<32x1024xf32, #tpu.memory_space<hbm>>
    tpu.wait_dma2 semaphore(%arg13 : memref<!tpu.dma_semaphore, #tpu.memory_space<semaphore_mem>>) src(%arg7 : memref<32x1024xf32, #tpu.memory_space<vmem>>) dst(%dma_wait3A_502 : memref<32x1024xf32, #tpu.memory_space<hbm>>)
    %dma_start3A_503 = arith.constant 800 : i32
    %dma_start3A_504 = tpu.memref_slice %arg5[%dma_start3A_503] : memref<1024xi32, #tpu.memory_space<vmem>> -> memref<32xi32, #tpu.memory_space<vmem>>
    %dma_start3A_505 = arith.constant 0 : i32
    %dma_start3A_506 = arith.constant 0 : i32
    %dma_start3A_507 = tpu.memref_slice %arg3[%dma_start3A_505, %dma_start3A_506] : memref<8192x1024xf32, #tpu.memory_space<hbm>> -> memref<8192x1024xf32, #tpu.memory_space<hbm>>
    tpu.enqueue_indirect_dma source(%dma_start3A_507 : memref<8192x1024xf32, #tpu.memory_space<hbm>>) target(%arg7 : memref<32x1024xf32, #tpu.memory_space<vmem>>) offsets(%dma_start3A_504 : memref<32xi32, #tpu.memory_space<vmem>>) semaphore(%arg10 : memref<!tpu.dma_semaphore, #tpu.memory_space<semaphore_mem>>)
    %dma_wait3A_508 = arith.constant 736 : i32
    %dma_wait3A_509 = tpu.memref_slice %arg5[%dma_wait3A_508] : memref<1024xi32, #tpu.memory_space<vmem>> -> memref<32xi32, #tpu.memory_space<vmem>>
    %dma_wait3A_510 = arith.constant 0 : i32
    %dma_wait3A_511 = arith.constant 0 : i32
    %dma_wait3A_512 = tpu.memref_slice %arg3[%dma_wait3A_510, %dma_wait3A_511] : memref<8192x1024xf32, #tpu.memory_space<hbm>> -> memref<8192x1024xf32, #tpu.memory_space<hbm>>
    tpu.wait_indirect_dma semaphore(%arg11 : memref<!tpu.dma_semaphore, #tpu.memory_space<semaphore_mem>>) src(%dma_wait3A_512 : memref<8192x1024xf32, #tpu.memory_space<hbm>>) dst(%arg8 : memref<32x1024xf32, #tpu.memory_space<vmem>>)
    %add3A_513 = arith.constant 736 : i32
    %add3A_514 = arith.addi %mul3A_2, %add3A_513 : i32
    %dma_start3A_515 = arith.constant 0 : i32
    %dma_start3A_516 = tpu.memref_slice %arg4[%add3A_514, %dma_start3A_515] : memref<32768x1024xf32, #tpu.memory_space<hbm>> -> memref<32x1024xf32, #tpu.memory_space<hbm>>
    %dma_start3A_517 = arith.constant 0 : i32
    %dma_start3A_518 = tpu.memref_slice %arg4[%add3A_514, %dma_start3A_517] : memref<32768x1024xf32, #tpu.memory_space<hbm>> -> memref<32x1024xf32, #tpu.memory_space<hbm>>
    tpu.enqueue_dma source(%arg8 : memref<32x1024xf32, #tpu.memory_space<vmem>>) target(%dma_start3A_518 : memref<32x1024xf32, #tpu.memory_space<hbm>>) target_semaphore(%arg14 : memref<!tpu.dma_semaphore, #tpu.memory_space<semaphore_mem>>)
    %dma_wait3A_519 = arith.constant 0 : i32
    %dma_wait3A_520 = tpu.memref_slice %arg4[%add3A_514, %dma_wait3A_519] : memref<32768x1024xf32, #tpu.memory_space<hbm>> -> memref<32x1024xf32, #tpu.memory_space<hbm>>
    %dma_wait3A_521 = arith.constant 0 : i32
    %dma_wait3A_522 = tpu.memref_slice %arg4[%add3A_514, %dma_wait3A_521] : memref<32768x1024xf32, #tpu.memory_space<hbm>> -> memref<32x1024xf32, #tpu.memory_space<hbm>>
    tpu.wait_dma2 semaphore(%arg14 : memref<!tpu.dma_semaphore, #tpu.memory_space<semaphore_mem>>) src(%arg8 : memref<32x1024xf32, #tpu.memory_space<vmem>>) dst(%dma_wait3A_522 : memref<32x1024xf32, #tpu.memory_space<hbm>>)
    %dma_start3A_523 = arith.constant 832 : i32
    %dma_start3A_524 = tpu.memref_slice %arg5[%dma_start3A_523] : memref<1024xi32, #tpu.memory_space<vmem>> -> memref<32xi32, #tpu.memory_space<vmem>>
    %dma_start3A_525 = arith.constant 0 : i32
    %dma_start3A_526 = arith.constant 0 : i32
    %dma_start3A_527 = tpu.memref_slice %arg3[%dma_start3A_525, %dma_start3A_526] : memref<8192x1024xf32, #tpu.memory_space<hbm>> -> memref<8192x1024xf32, #tpu.memory_space<hbm>>
    tpu.enqueue_indirect_dma source(%dma_start3A_527 : memref<8192x1024xf32, #tpu.memory_space<hbm>>) target(%arg8 : memref<32x1024xf32, #tpu.memory_space<vmem>>) offsets(%dma_start3A_524 : memref<32xi32, #tpu.memory_space<vmem>>) semaphore(%arg11 : memref<!tpu.dma_semaphore, #tpu.memory_space<semaphore_mem>>)
    %dma_wait3A_528 = arith.constant 768 : i32
    %dma_wait3A_529 = tpu.memref_slice %arg5[%dma_wait3A_528] : memref<1024xi32, #tpu.memory_space<vmem>> -> memref<32xi32, #tpu.memory_space<vmem>>
    %dma_wait3A_530 = arith.constant 0 : i32
    %dma_wait3A_531 = arith.constant 0 : i32
    %dma_wait3A_532 = tpu.memref_slice %arg3[%dma_wait3A_530, %dma_wait3A_531] : memref<8192x1024xf32, #tpu.memory_space<hbm>> -> memref<8192x1024xf32, #tpu.memory_space<hbm>>
    tpu.wait_indirect_dma semaphore(%arg9 : memref<!tpu.dma_semaphore, #tpu.memory_space<semaphore_mem>>) src(%dma_wait3A_532 : memref<8192x1024xf32, #tpu.memory_space<hbm>>) dst(%arg6 : memref<32x1024xf32, #tpu.memory_space<vmem>>)
    %add3A_533 = arith.constant 768 : i32
    %add3A_534 = arith.addi %mul3A_2, %add3A_533 : i32
    %dma_start3A_535 = arith.constant 0 : i32
    %dma_start3A_536 = tpu.memref_slice %arg4[%add3A_534, %dma_start3A_535] : memref<32768x1024xf32, #tpu.memory_space<hbm>> -> memref<32x1024xf32, #tpu.memory_space<hbm>>
    %dma_start3A_537 = arith.constant 0 : i32
    %dma_start3A_538 = tpu.memref_slice %arg4[%add3A_534, %dma_start3A_537] : memref<32768x1024xf32, #tpu.memory_space<hbm>> -> memref<32x1024xf32, #tpu.memory_space<hbm>>
    tpu.enqueue_dma source(%arg6 : memref<32x1024xf32, #tpu.memory_space<vmem>>) target(%dma_start3A_538 : memref<32x1024xf32, #tpu.memory_space<hbm>>) target_semaphore(%arg12 : memref<!tpu.dma_semaphore, #tpu.memory_space<semaphore_mem>>)
    %dma_wait3A_539 = arith.constant 0 : i32
    %dma_wait3A_540 = tpu.memref_slice %arg4[%add3A_534, %dma_wait3A_539] : memref<32768x1024xf32, #tpu.memory_space<hbm>> -> memref<32x1024xf32, #tpu.memory_space<hbm>>
    %dma_wait3A_541 = arith.constant 0 : i32
    %dma_wait3A_542 = tpu.memref_slice %arg4[%add3A_534, %dma_wait3A_541] : memref<32768x1024xf32, #tpu.memory_space<hbm>> -> memref<32x1024xf32, #tpu.memory_space<hbm>>
    tpu.wait_dma2 semaphore(%arg12 : memref<!tpu.dma_semaphore, #tpu.memory_space<semaphore_mem>>) src(%arg6 : memref<32x1024xf32, #tpu.memory_space<vmem>>) dst(%dma_wait3A_542 : memref<32x1024xf32, #tpu.memory_space<hbm>>)
    %dma_start3A_543 = arith.constant 864 : i32
    %dma_start3A_544 = tpu.memref_slice %arg5[%dma_start3A_543] : memref<1024xi32, #tpu.memory_space<vmem>> -> memref<32xi32, #tpu.memory_space<vmem>>
    %dma_start3A_545 = arith.constant 0 : i32
    %dma_start3A_546 = arith.constant 0 : i32
    %dma_start3A_547 = tpu.memref_slice %arg3[%dma_start3A_545, %dma_start3A_546] : memref<8192x1024xf32, #tpu.memory_space<hbm>> -> memref<8192x1024xf32, #tpu.memory_space<hbm>>
    tpu.enqueue_indirect_dma source(%dma_start3A_547 : memref<8192x1024xf32, #tpu.memory_space<hbm>>) target(%arg6 : memref<32x1024xf32, #tpu.memory_space<vmem>>) offsets(%dma_start3A_544 : memref<32xi32, #tpu.memory_space<vmem>>) semaphore(%arg9 : memref<!tpu.dma_semaphore, #tpu.memory_space<semaphore_mem>>)
    %dma_wait3A_548 = arith.constant 800 : i32
    %dma_wait3A_549 = tpu.memref_slice %arg5[%dma_wait3A_548] : memref<1024xi32, #tpu.memory_space<vmem>> -> memref<32xi32, #tpu.memory_space<vmem>>
    %dma_wait3A_550 = arith.constant 0 : i32
    %dma_wait3A_551 = arith.constant 0 : i32
    %dma_wait3A_552 = tpu.memref_slice %arg3[%dma_wait3A_550, %dma_wait3A_551] : memref<8192x1024xf32, #tpu.memory_space<hbm>> -> memref<8192x1024xf32, #tpu.memory_space<hbm>>
    tpu.wait_indirect_dma semaphore(%arg10 : memref<!tpu.dma_semaphore, #tpu.memory_space<semaphore_mem>>) src(%dma_wait3A_552 : memref<8192x1024xf32, #tpu.memory_space<hbm>>) dst(%arg7 : memref<32x1024xf32, #tpu.memory_space<vmem>>)
    %add3A_553 = arith.constant 800 : i32
    %add3A_554 = arith.addi %mul3A_2, %add3A_553 : i32
    %dma_start3A_555 = arith.constant 0 : i32
    %dma_start3A_556 = tpu.memref_slice %arg4[%add3A_554, %dma_start3A_555] : memref<32768x1024xf32, #tpu.memory_space<hbm>> -> memref<32x1024xf32, #tpu.memory_space<hbm>>
    %dma_start3A_557 = arith.constant 0 : i32
    %dma_start3A_558 = tpu.memref_slice %arg4[%add3A_554, %dma_start3A_557] : memref<32768x1024xf32, #tpu.memory_space<hbm>> -> memref<32x1024xf32, #tpu.memory_space<hbm>>
    tpu.enqueue_dma source(%arg7 : memref<32x1024xf32, #tpu.memory_space<vmem>>) target(%dma_start3A_558 : memref<32x1024xf32, #tpu.memory_space<hbm>>) target_semaphore(%arg13 : memref<!tpu.dma_semaphore, #tpu.memory_space<semaphore_mem>>)
    %dma_wait3A_559 = arith.constant 0 : i32
    %dma_wait3A_560 = tpu.memref_slice %arg4[%add3A_554, %dma_wait3A_559] : memref<32768x1024xf32, #tpu.memory_space<hbm>> -> memref<32x1024xf32, #tpu.memory_space<hbm>>
    %dma_wait3A_561 = arith.constant 0 : i32
    %dma_wait3A_562 = tpu.memref_slice %arg4[%add3A_554, %dma_wait3A_561] : memref<32768x1024xf32, #tpu.memory_space<hbm>> -> memref<32x1024xf32, #tpu.memory_space<hbm>>
    tpu.wait_dma2 semaphore(%arg13 : memref<!tpu.dma_semaphore, #tpu.memory_space<semaphore_mem>>) src(%arg7 : memref<32x1024xf32, #tpu.memory_space<vmem>>) dst(%dma_wait3A_562 : memref<32x1024xf32, #tpu.memory_space<hbm>>)
    %dma_start3A_563 = arith.constant 896 : i32
    %dma_start3A_564 = tpu.memref_slice %arg5[%dma_start3A_563] : memref<1024xi32, #tpu.memory_space<vmem>> -> memref<32xi32, #tpu.memory_space<vmem>>
    %dma_start3A_565 = arith.constant 0 : i32
    %dma_start3A_566 = arith.constant 0 : i32
    %dma_start3A_567 = tpu.memref_slice %arg3[%dma_start3A_565, %dma_start3A_566] : memref<8192x1024xf32, #tpu.memory_space<hbm>> -> memref<8192x1024xf32, #tpu.memory_space<hbm>>
    tpu.enqueue_indirect_dma source(%dma_start3A_567 : memref<8192x1024xf32, #tpu.memory_space<hbm>>) target(%arg7 : memref<32x1024xf32, #tpu.memory_space<vmem>>) offsets(%dma_start3A_564 : memref<32xi32, #tpu.memory_space<vmem>>) semaphore(%arg10 : memref<!tpu.dma_semaphore, #tpu.memory_space<semaphore_mem>>)
    %dma_wait3A_568 = arith.constant 832 : i32
    %dma_wait3A_569 = tpu.memref_slice %arg5[%dma_wait3A_568] : memref<1024xi32, #tpu.memory_space<vmem>> -> memref<32xi32, #tpu.memory_space<vmem>>
    %dma_wait3A_570 = arith.constant 0 : i32
    %dma_wait3A_571 = arith.constant 0 : i32
    %dma_wait3A_572 = tpu.memref_slice %arg3[%dma_wait3A_570, %dma_wait3A_571] : memref<8192x1024xf32, #tpu.memory_space<hbm>> -> memref<8192x1024xf32, #tpu.memory_space<hbm>>
    tpu.wait_indirect_dma semaphore(%arg11 : memref<!tpu.dma_semaphore, #tpu.memory_space<semaphore_mem>>) src(%dma_wait3A_572 : memref<8192x1024xf32, #tpu.memory_space<hbm>>) dst(%arg8 : memref<32x1024xf32, #tpu.memory_space<vmem>>)
    %add3A_573 = arith.constant 832 : i32
    %add3A_574 = arith.addi %mul3A_2, %add3A_573 : i32
    %dma_start3A_575 = arith.constant 0 : i32
    %dma_start3A_576 = tpu.memref_slice %arg4[%add3A_574, %dma_start3A_575] : memref<32768x1024xf32, #tpu.memory_space<hbm>> -> memref<32x1024xf32, #tpu.memory_space<hbm>>
    %dma_start3A_577 = arith.constant 0 : i32
    %dma_start3A_578 = tpu.memref_slice %arg4[%add3A_574, %dma_start3A_577] : memref<32768x1024xf32, #tpu.memory_space<hbm>> -> memref<32x1024xf32, #tpu.memory_space<hbm>>
    tpu.enqueue_dma source(%arg8 : memref<32x1024xf32, #tpu.memory_space<vmem>>) target(%dma_start3A_578 : memref<32x1024xf32, #tpu.memory_space<hbm>>) target_semaphore(%arg14 : memref<!tpu.dma_semaphore, #tpu.memory_space<semaphore_mem>>)
    %dma_wait3A_579 = arith.constant 0 : i32
    %dma_wait3A_580 = tpu.memref_slice %arg4[%add3A_574, %dma_wait3A_579] : memref<32768x1024xf32, #tpu.memory_space<hbm>> -> memref<32x1024xf32, #tpu.memory_space<hbm>>
    %dma_wait3A_581 = arith.constant 0 : i32
    %dma_wait3A_582 = tpu.memref_slice %arg4[%add3A_574, %dma_wait3A_581] : memref<32768x1024xf32, #tpu.memory_space<hbm>> -> memref<32x1024xf32, #tpu.memory_space<hbm>>
    tpu.wait_dma2 semaphore(%arg14 : memref<!tpu.dma_semaphore, #tpu.memory_space<semaphore_mem>>) src(%arg8 : memref<32x1024xf32, #tpu.memory_space<vmem>>) dst(%dma_wait3A_582 : memref<32x1024xf32, #tpu.memory_space<hbm>>)
    %dma_start3A_583 = arith.constant 928 : i32
    %dma_start3A_584 = tpu.memref_slice %arg5[%dma_start3A_583] : memref<1024xi32, #tpu.memory_space<vmem>> -> memref<32xi32, #tpu.memory_space<vmem>>
    %dma_start3A_585 = arith.constant 0 : i32
    %dma_start3A_586 = arith.constant 0 : i32
    %dma_start3A_587 = tpu.memref_slice %arg3[%dma_start3A_585, %dma_start3A_586] : memref<8192x1024xf32, #tpu.memory_space<hbm>> -> memref<8192x1024xf32, #tpu.memory_space<hbm>>
    tpu.enqueue_indirect_dma source(%dma_start3A_587 : memref<8192x1024xf32, #tpu.memory_space<hbm>>) target(%arg8 : memref<32x1024xf32, #tpu.memory_space<vmem>>) offsets(%dma_start3A_584 : memref<32xi32, #tpu.memory_space<vmem>>) semaphore(%arg11 : memref<!tpu.dma_semaphore, #tpu.memory_space<semaphore_mem>>)
    %dma_wait3A_588 = arith.constant 864 : i32
    %dma_wait3A_589 = tpu.memref_slice %arg5[%dma_wait3A_588] : memref<1024xi32, #tpu.memory_space<vmem>> -> memref<32xi32, #tpu.memory_space<vmem>>
    %dma_wait3A_590 = arith.constant 0 : i32
    %dma_wait3A_591 = arith.constant 0 : i32
    %dma_wait3A_592 = tpu.memref_slice %arg3[%dma_wait3A_590, %dma_wait3A_591] : memref<8192x1024xf32, #tpu.memory_space<hbm>> -> memref<8192x1024xf32, #tpu.memory_space<hbm>>
    tpu.wait_indirect_dma semaphore(%arg9 : memref<!tpu.dma_semaphore, #tpu.memory_space<semaphore_mem>>) src(%dma_wait3A_592 : memref<8192x1024xf32, #tpu.memory_space<hbm>>) dst(%arg6 : memref<32x1024xf32, #tpu.memory_space<vmem>>)
    %add3A_593 = arith.constant 864 : i32
    %add3A_594 = arith.addi %mul3A_2, %add3A_593 : i32
    %dma_start3A_595 = arith.constant 0 : i32
    %dma_start3A_596 = tpu.memref_slice %arg4[%add3A_594, %dma_start3A_595] : memref<32768x1024xf32, #tpu.memory_space<hbm>> -> memref<32x1024xf32, #tpu.memory_space<hbm>>
    %dma_start3A_597 = arith.constant 0 : i32
    %dma_start3A_598 = tpu.memref_slice %arg4[%add3A_594, %dma_start3A_597] : memref<32768x1024xf32, #tpu.memory_space<hbm>> -> memref<32x1024xf32, #tpu.memory_space<hbm>>
    tpu.enqueue_dma source(%arg6 : memref<32x1024xf32, #tpu.memory_space<vmem>>) target(%dma_start3A_598 : memref<32x1024xf32, #tpu.memory_space<hbm>>) target_semaphore(%arg12 : memref<!tpu.dma_semaphore, #tpu.memory_space<semaphore_mem>>)
    %dma_wait3A_599 = arith.constant 0 : i32
    %dma_wait3A_600 = tpu.memref_slice %arg4[%add3A_594, %dma_wait3A_599] : memref<32768x1024xf32, #tpu.memory_space<hbm>> -> memref<32x1024xf32, #tpu.memory_space<hbm>>
    %dma_wait3A_601 = arith.constant 0 : i32
    %dma_wait3A_602 = tpu.memref_slice %arg4[%add3A_594, %dma_wait3A_601] : memref<32768x1024xf32, #tpu.memory_space<hbm>> -> memref<32x1024xf32, #tpu.memory_space<hbm>>
    tpu.wait_dma2 semaphore(%arg12 : memref<!tpu.dma_semaphore, #tpu.memory_space<semaphore_mem>>) src(%arg6 : memref<32x1024xf32, #tpu.memory_space<vmem>>) dst(%dma_wait3A_602 : memref<32x1024xf32, #tpu.memory_space<hbm>>)
    %dma_start3A_603 = arith.constant 960 : i32
    %dma_start3A_604 = tpu.memref_slice %arg5[%dma_start3A_603] : memref<1024xi32, #tpu.memory_space<vmem>> -> memref<32xi32, #tpu.memory_space<vmem>>
    %dma_start3A_605 = arith.constant 0 : i32
    %dma_start3A_606 = arith.constant 0 : i32
    %dma_start3A_607 = tpu.memref_slice %arg3[%dma_start3A_605, %dma_start3A_606] : memref<8192x1024xf32, #tpu.memory_space<hbm>> -> memref<8192x1024xf32, #tpu.memory_space<hbm>>
    tpu.enqueue_indirect_dma source(%dma_start3A_607 : memref<8192x1024xf32, #tpu.memory_space<hbm>>) target(%arg6 : memref<32x1024xf32, #tpu.memory_space<vmem>>) offsets(%dma_start3A_604 : memref<32xi32, #tpu.memory_space<vmem>>) semaphore(%arg9 : memref<!tpu.dma_semaphore, #tpu.memory_space<semaphore_mem>>)
    %dma_wait3A_608 = arith.constant 896 : i32
    %dma_wait3A_609 = tpu.memref_slice %arg5[%dma_wait3A_608] : memref<1024xi32, #tpu.memory_space<vmem>> -> memref<32xi32, #tpu.memory_space<vmem>>
    %dma_wait3A_610 = arith.constant 0 : i32
    %dma_wait3A_611 = arith.constant 0 : i32
    %dma_wait3A_612 = tpu.memref_slice %arg3[%dma_wait3A_610, %dma_wait3A_611] : memref<8192x1024xf32, #tpu.memory_space<hbm>> -> memref<8192x1024xf32, #tpu.memory_space<hbm>>
    tpu.wait_indirect_dma semaphore(%arg10 : memref<!tpu.dma_semaphore, #tpu.memory_space<semaphore_mem>>) src(%dma_wait3A_612 : memref<8192x1024xf32, #tpu.memory_space<hbm>>) dst(%arg7 : memref<32x1024xf32, #tpu.memory_space<vmem>>)
    %add3A_613 = arith.constant 896 : i32
    %add3A_614 = arith.addi %mul3A_2, %add3A_613 : i32
    %dma_start3A_615 = arith.constant 0 : i32
    %dma_start3A_616 = tpu.memref_slice %arg4[%add3A_614, %dma_start3A_615] : memref<32768x1024xf32, #tpu.memory_space<hbm>> -> memref<32x1024xf32, #tpu.memory_space<hbm>>
    %dma_start3A_617 = arith.constant 0 : i32
    %dma_start3A_618 = tpu.memref_slice %arg4[%add3A_614, %dma_start3A_617] : memref<32768x1024xf32, #tpu.memory_space<hbm>> -> memref<32x1024xf32, #tpu.memory_space<hbm>>
    tpu.enqueue_dma source(%arg7 : memref<32x1024xf32, #tpu.memory_space<vmem>>) target(%dma_start3A_618 : memref<32x1024xf32, #tpu.memory_space<hbm>>) target_semaphore(%arg13 : memref<!tpu.dma_semaphore, #tpu.memory_space<semaphore_mem>>)
    %dma_wait3A_619 = arith.constant 0 : i32
    %dma_wait3A_620 = tpu.memref_slice %arg4[%add3A_614, %dma_wait3A_619] : memref<32768x1024xf32, #tpu.memory_space<hbm>> -> memref<32x1024xf32, #tpu.memory_space<hbm>>
    %dma_wait3A_621 = arith.constant 0 : i32
    %dma_wait3A_622 = tpu.memref_slice %arg4[%add3A_614, %dma_wait3A_621] : memref<32768x1024xf32, #tpu.memory_space<hbm>> -> memref<32x1024xf32, #tpu.memory_space<hbm>>
    tpu.wait_dma2 semaphore(%arg13 : memref<!tpu.dma_semaphore, #tpu.memory_space<semaphore_mem>>) src(%arg7 : memref<32x1024xf32, #tpu.memory_space<vmem>>) dst(%dma_wait3A_622 : memref<32x1024xf32, #tpu.memory_space<hbm>>)
    %dma_start3A_623 = arith.constant 992 : i32
    %dma_start3A_624 = tpu.memref_slice %arg5[%dma_start3A_623] : memref<1024xi32, #tpu.memory_space<vmem>> -> memref<32xi32, #tpu.memory_space<vmem>>
    %dma_start3A_625 = arith.constant 0 : i32
    %dma_start3A_626 = arith.constant 0 : i32
    %dma_start3A_627 = tpu.memref_slice %arg3[%dma_start3A_625, %dma_start3A_626] : memref<8192x1024xf32, #tpu.memory_space<hbm>> -> memref<8192x1024xf32, #tpu.memory_space<hbm>>
    tpu.enqueue_indirect_dma source(%dma_start3A_627 : memref<8192x1024xf32, #tpu.memory_space<hbm>>) target(%arg7 : memref<32x1024xf32, #tpu.memory_space<vmem>>) offsets(%dma_start3A_624 : memref<32xi32, #tpu.memory_space<vmem>>) semaphore(%arg10 : memref<!tpu.dma_semaphore, #tpu.memory_space<semaphore_mem>>)
    %dma_wait3A_628 = arith.constant 928 : i32
    %dma_wait3A_629 = tpu.memref_slice %arg5[%dma_wait3A_628] : memref<1024xi32, #tpu.memory_space<vmem>> -> memref<32xi32, #tpu.memory_space<vmem>>
    %dma_wait3A_630 = arith.constant 0 : i32
    %dma_wait3A_631 = arith.constant 0 : i32
    %dma_wait3A_632 = tpu.memref_slice %arg3[%dma_wait3A_630, %dma_wait3A_631] : memref<8192x1024xf32, #tpu.memory_space<hbm>> -> memref<8192x1024xf32, #tpu.memory_space<hbm>>
    tpu.wait_indirect_dma semaphore(%arg11 : memref<!tpu.dma_semaphore, #tpu.memory_space<semaphore_mem>>) src(%dma_wait3A_632 : memref<8192x1024xf32, #tpu.memory_space<hbm>>) dst(%arg8 : memref<32x1024xf32, #tpu.memory_space<vmem>>)
    %add3A_633 = arith.constant 928 : i32
    %add3A_634 = arith.addi %mul3A_2, %add3A_633 : i32
    %dma_start3A_635 = arith.constant 0 : i32
    %dma_start3A_636 = tpu.memref_slice %arg4[%add3A_634, %dma_start3A_635] : memref<32768x1024xf32, #tpu.memory_space<hbm>> -> memref<32x1024xf32, #tpu.memory_space<hbm>>
    %dma_start3A_637 = arith.constant 0 : i32
    %dma_start3A_638 = tpu.memref_slice %arg4[%add3A_634, %dma_start3A_637] : memref<32768x1024xf32, #tpu.memory_space<hbm>> -> memref<32x1024xf32, #tpu.memory_space<hbm>>
    tpu.enqueue_dma source(%arg8 : memref<32x1024xf32, #tpu.memory_space<vmem>>) target(%dma_start3A_638 : memref<32x1024xf32, #tpu.memory_space<hbm>>) target_semaphore(%arg14 : memref<!tpu.dma_semaphore, #tpu.memory_space<semaphore_mem>>)
    %dma_wait3A_639 = arith.constant 960 : i32
    %dma_wait3A_640 = tpu.memref_slice %arg5[%dma_wait3A_639] : memref<1024xi32, #tpu.memory_space<vmem>> -> memref<32xi32, #tpu.memory_space<vmem>>
    %dma_wait3A_641 = arith.constant 0 : i32
    %dma_wait3A_642 = arith.constant 0 : i32
    %dma_wait3A_643 = tpu.memref_slice %arg3[%dma_wait3A_641, %dma_wait3A_642] : memref<8192x1024xf32, #tpu.memory_space<hbm>> -> memref<8192x1024xf32, #tpu.memory_space<hbm>>
    tpu.wait_indirect_dma semaphore(%arg9 : memref<!tpu.dma_semaphore, #tpu.memory_space<semaphore_mem>>) src(%dma_wait3A_643 : memref<8192x1024xf32, #tpu.memory_space<hbm>>) dst(%arg6 : memref<32x1024xf32, #tpu.memory_space<vmem>>)
    %add3A_644 = arith.constant 960 : i32
    %add3A_645 = arith.addi %mul3A_2, %add3A_644 : i32
    %dma_start3A_646 = arith.constant 0 : i32
    %dma_start3A_647 = tpu.memref_slice %arg4[%add3A_645, %dma_start3A_646] : memref<32768x1024xf32, #tpu.memory_space<hbm>> -> memref<32x1024xf32, #tpu.memory_space<hbm>>
    %dma_start3A_648 = arith.constant 0 : i32
    %dma_start3A_649 = tpu.memref_slice %arg4[%add3A_645, %dma_start3A_648] : memref<32768x1024xf32, #tpu.memory_space<hbm>> -> memref<32x1024xf32, #tpu.memory_space<hbm>>
    tpu.enqueue_dma source(%arg6 : memref<32x1024xf32, #tpu.memory_space<vmem>>) target(%dma_start3A_649 : memref<32x1024xf32, #tpu.memory_space<hbm>>) target_semaphore(%arg12 : memref<!tpu.dma_semaphore, #tpu.memory_space<semaphore_mem>>)
    %dma_wait3A_650 = arith.constant 992 : i32
    %dma_wait3A_651 = tpu.memref_slice %arg5[%dma_wait3A_650] : memref<1024xi32, #tpu.memory_space<vmem>> -> memref<32xi32, #tpu.memory_space<vmem>>
    %dma_wait3A_652 = arith.constant 0 : i32
    %dma_wait3A_653 = arith.constant 0 : i32
    %dma_wait3A_654 = tpu.memref_slice %arg3[%dma_wait3A_652, %dma_wait3A_653] : memref<8192x1024xf32, #tpu.memory_space<hbm>> -> memref<8192x1024xf32, #tpu.memory_space<hbm>>
    tpu.wait_indirect_dma semaphore(%arg10 : memref<!tpu.dma_semaphore, #tpu.memory_space<semaphore_mem>>) src(%dma_wait3A_654 : memref<8192x1024xf32, #tpu.memory_space<hbm>>) dst(%arg7 : memref<32x1024xf32, #tpu.memory_space<vmem>>)
    %add3A_655 = arith.constant 992 : i32
    %add3A_656 = arith.addi %mul3A_2, %add3A_655 : i32
    %dma_start3A_657 = arith.constant 0 : i32
    %dma_start3A_658 = tpu.memref_slice %arg4[%add3A_656, %dma_start3A_657] : memref<32768x1024xf32, #tpu.memory_space<hbm>> -> memref<32x1024xf32, #tpu.memory_space<hbm>>
    %dma_start3A_659 = arith.constant 0 : i32
    %dma_start3A_660 = tpu.memref_slice %arg4[%add3A_656, %dma_start3A_659] : memref<32768x1024xf32, #tpu.memory_space<hbm>> -> memref<32x1024xf32, #tpu.memory_space<hbm>>
    tpu.enqueue_dma source(%arg7 : memref<32x1024xf32, #tpu.memory_space<vmem>>) target(%dma_start3A_660 : memref<32x1024xf32, #tpu.memory_space<hbm>>) target_semaphore(%arg13 : memref<!tpu.dma_semaphore, #tpu.memory_space<semaphore_mem>>)
    %dma_wait3A_661 = arith.constant 0 : i32
    %dma_wait3A_662 = tpu.memref_slice %arg4[%add3A_634, %dma_wait3A_661] : memref<32768x1024xf32, #tpu.memory_space<hbm>> -> memref<32x1024xf32, #tpu.memory_space<hbm>>
    %dma_wait3A_663 = arith.constant 0 : i32
    %dma_wait3A_664 = tpu.memref_slice %arg4[%add3A_634, %dma_wait3A_663] : memref<32768x1024xf32, #tpu.memory_space<hbm>> -> memref<32x1024xf32, #tpu.memory_space<hbm>>
    tpu.wait_dma2 semaphore(%arg14 : memref<!tpu.dma_semaphore, #tpu.memory_space<semaphore_mem>>) src(%arg8 : memref<32x1024xf32, #tpu.memory_space<vmem>>) dst(%dma_wait3A_664 : memref<32x1024xf32, #tpu.memory_space<hbm>>)
    %dma_wait3A_665 = arith.constant 0 : i32
    %dma_wait3A_666 = tpu.memref_slice %arg4[%add3A_645, %dma_wait3A_665] : memref<32768x1024xf32, #tpu.memory_space<hbm>> -> memref<32x1024xf32, #tpu.memory_space<hbm>>
    %dma_wait3A_667 = arith.constant 0 : i32
    %dma_wait3A_668 = tpu.memref_slice %arg4[%add3A_645, %dma_wait3A_667] : memref<32768x1024xf32, #tpu.memory_space<hbm>> -> memref<32x1024xf32, #tpu.memory_space<hbm>>
    tpu.wait_dma2 semaphore(%arg12 : memref<!tpu.dma_semaphore, #tpu.memory_space<semaphore_mem>>) src(%arg6 : memref<32x1024xf32, #tpu.memory_space<vmem>>) dst(%dma_wait3A_668 : memref<32x1024xf32, #tpu.memory_space<hbm>>)
    %dma_wait3A_669 = arith.constant 0 : i32
    %dma_wait3A_670 = tpu.memref_slice %arg4[%add3A_656, %dma_wait3A_669] : memref<32768x1024xf32, #tpu.memory_space<hbm>> -> memref<32x1024xf32, #tpu.memory_space<hbm>>
    %dma_wait3A_671 = arith.constant 0 : i32
    %dma_wait3A_672 = tpu.memref_slice %arg4[%add3A_656, %dma_wait3A_671] : memref<32768x1024xf32, #tpu.memory_space<hbm>> -> memref<32x1024xf32, #tpu.memory_space<hbm>>
    tpu.wait_dma2 semaphore(%arg13 : memref<!tpu.dma_semaphore, #tpu.memory_space<semaphore_mem>>) src(%arg7 : memref<32x1024xf32, #tpu.memory_space<vmem>>) dst(%dma_wait3A_672 : memref<32x1024xf32, #tpu.memory_space<hbm>>)
    return
  }
}

</mosaic_0001>

<sc_bundles>
// kernel: kernel.3.cloned.1.call-start
scs
__scs_entry_jumppad:
0x0: {  	(pc) =	sbr.rel $0x88, $3  }
0x1: {  	(tag) =	ssettag $0x0;
	lr =	simm.s32 $0x1  }
0x2: {  	[smem:$0x3F9F] =	sst lr;
	_ =	strace $0xD0000000  }
0x3: {  	_ = 	snop  }
0x4: {  	_ = 	snop  }
0x5: {  	_ = 	snop  }
0x6: {  	_ = 	snop  }
0x7: {  	_ = 	snop  }
__scs_overlays_trampoline_lowered:
0x8: {  	[smem:$0x3FAE] =	sst s0  }
0x9: {  	[smem:$0x3FAF] =	sst s1  }
0xa: {  	[smem:$0x3FB0] =	sst s2  }
0xb: {  	[smem:$0x3FB1] =	sst s3  }
0xc: {  	[smem:$0x3FB2] =	sst s4  }
0xd: {  	[smem:$0x3FB3] =	sst s5  }
0xe: {  	[smem:$0x3FB4] =	sst s6  }
0xf: {  	[smem:$0x3FB5] =	sst s7  }
0x10: {  	[smem:$0x3FB6] =	sst s8  }
0x11: {  	[smem:$0x3FB7] =	sst s9;
	s0 =	simm.s32 @!p0 $0x0  }
0x12: {  	s1 =	sld [smem:$0x3F9D];
	s0 =	simm.s32 @p0 $0x1  }
0x13: {  	[smem:$0x3FB8] =	sst s0;
	s0 =	simm.s32 @!p1 $0x0  }
0x14: {  	s2 =	sld [smem:$0x3F9C];
	s0 =	simm.s32 @p1 $0x1  }
0x15: {  	[smem:$0x3FB9] =	sst s0;
	s0 =	simm.s32 @!p2 $0x0  }
0x16: {  	s3 =	sld [smem:$0x3FDB];
	s0 =	simm.s32 @p2 $0x1  }
0x17: {  	s4 =	simm.s32 $0x1BF5;
	[smem:$0x3FBB] =	sst s0  }
0x18: {  	s0 =	sld [smem:$0x3F9E];
	_ =	swait.ge [sflag:s4], $0x0  }
0x19: {  	s7 =	sld [smem:$0x3F9F]  }
0x1a: {  	s8 =	sadd.s32 $0xFFFFE003, lr  }
0x1b: {  	s9 =	sadd.s32 $0xFFFFFEF7, lr;
	s5 =	simm.s32 $0xFFFFFFFF;
	p2 =	slt.u32 s8, $0xFFFFF086  }
0x1c: {  	p1 =	slt.u32 s9, $0xF7A;
	s5 =	simm.s32 @!p2 $0x0  }
0x1d: {  	s5 =	simm.s32 @p1 $0x1;
	p0 =	seq.s32 s7, s2  }
0x1e: {  	s7 =	smul.u32 @!p0 $0xF7A, s2;
	p2 =	seq.s32 @!p0 s5, $0x0  }
0x1f: {  	s9 =	smul.u32 $0xF7A, s1;
	s8 =	simm.s32 @!p0 $0x1BF5;
	p2 =	por !p2, p0  }
0x20: {  	[sflag:s8] =	ssyncset.s32 @!p0 $0xFFFFF086;
	s6 =	sadd.s32 @!p0 s3, s7;
	s7 =	simm.s32 @!p0 $0x108  }
0x21: {  	s3 =	sadd.s32 s3, s9;
	s6 =	sadd.s32 @!p0 $0x88, s6;
	s7 =	simm.s32 @p2 $0x1082  }
0x22: {  	[simem:s7], [sflag:s8] =	dma.local @!p0 [hbm:s6], $0xF7A  }
0x23: {  	s9 =	sor.u32 $0xD0000000, s2;
	s6 =	simm.s32 $0x108;
	_ =	swait.ge @!p0 [sflag:s8], $0x0  }
0x24: {  	s3 =	sadd.s32 $0x88, s3;
	s6 =	simm.s32 @!p1 $0x1082;
	[sflag:s4] =	ssyncset.s32 $0xFFFFF086  }
0x25: {  	[simem:s6], [sflag:s4] =	dma.local [hbm:s3], $0xF7A  }
0x26: {  	[smem:$0x3F9F] =	sst s1;
	(tag) =	ssettag s2;
	_ =	strace s9  }
0x27: {  	s1 =	sld [smem:$0x3FAF]  }
0x28: {  	s2 =	sld [smem:$0x3FB0]  }
0x29: {  	s4 =	sld [smem:$0x3FB2]  }
0x2a: {  	p0 =	seq.s32 s5, $0x0;
	s5 =	sld [smem:$0x3FB3]  }
0x2b: {  	s6 =	sld [smem:$0x3FB4]  }
0x2c: {  	s7 =	sld [smem:$0x3FB5]  }
0x2d: {  	s3 =	simm.s32 $0x108;
	s8 =	sld [smem:$0x3FB6]  }
0x2e: {  	s3 =	simm.s32 @!p0 $0x1082;
	s9 =	sld [smem:$0x3FB7]  }
0x2f: {  	lr =	sadd.s32 s0, s3;
	s0 =	sld [smem:$0x3FAE]  }
0x30: {  	s3 =	sld [smem:$0x3FB1]  }
0x31: {  	[smem:$0x3FBA] =	sst s10  }
0x32: {  	s10 =	sld [smem:$0x3FB8];
	_ =	sdelay $0x3  }
0x33: {  	p0 =	seq.s32 s10, $0x1;
	s10 =	sld [smem:$0x3FBA];
	_ =	sdelay $0x3  }
0x34: {  	[smem:$0x3FBA] =	sst s10  }
0x35: {  	s10 =	sld [smem:$0x3FB9];
	_ =	sdelay $0x3  }
0x36: {  	p1 =	seq.s32 s10, $0x1;
	s10 =	sld [smem:$0x3FBA];
	_ =	sdelay $0x3  }
0x37: {  	[smem:$0x3FBA] =	sst s10  }
0x38: {  	s10 =	sld [smem:$0x3FBB]  }
0x39: {  	_ = 	snop;
	(pc) =	sbr.ind lr, $3  }
0x3a: {  	_ = 	snop  }
0x3b: {  	_ = 	snop  }
0x3c: {  	p2 =	seq.s32 s10, $0x1;
	s10 =	sld [smem:$0x3FBA]  }
0x3d: {  	_ =	shalt  }
0x3e: {  	_ =	shalt  }
0x3f: {  	_ =	shalt  }
0x40: {  	_ =	shalt  }
0x41: {  	_ =	shalt  }
0x42: {  	_ =	shalt  }
0x43: {  	_ =	shalt  }
0x44: {  	_ =	shalt  }
0x45: {  	_ =	shalt  }
0x46: {  	_ =	shalt  }
0x47: {  	_ =	shalt  }
0x48: {  	_ =	shalt  }
0x49: {  	_ =	shalt  }
0x4a: {  	_ =	shalt  }
0x4b: {  	_ =	shalt  }
0x4c: {  	_ =	shalt  }
0x4d: {  	_ =	shalt  }
0x4e: {  	_ =	shalt  }
0x4f: {  	_ =	shalt  }
0x50: {  	_ =	shalt  }
0x51: {  	_ =	shalt  }
0x52: {  	_ =	shalt  }
0x53: {  	_ =	shalt  }
0x54: {  	_ =	shalt  }
0x55: {  	_ =	shalt  }
0x56: {  	_ =	shalt  }
0x57: {  	_ =	shalt  }
0x58: {  	_ =	shalt  }
0x59: {  	_ =	shalt  }
0x5a: {  	_ =	shalt  }
0x5b: {  	_ =	shalt  }
0x5c: {  	_ =	shalt  }
0x5d: {  	_ =	shalt  }
0x5e: {  	_ =	shalt  }
0x5f: {  	_ =	shalt  }
0x60: {  	_ =	shalt  }
0x61: {  	_ =	shalt  }
0x62: {  	_ =	shalt  }
0x63: {  	_ =	shalt  }
0x64: {  	_ =	shalt  }
0x65: {  	_ =	shalt  }
0x66: {  	_ =	shalt  }
0x67: {  	_ =	shalt  }
0x68: {  	_ =	shalt  }
0x69: {  	_ =	shalt  }
0x6a: {  	_ =	shalt  }
0x6b: {  	_ =	shalt  }
0x6c: {  	_ =	shalt  }
0x6d: {  	_ =	shalt  }
0x6e: {  	_ =	shalt  }
0x6f: {  	_ =	shalt  }
0x70: {  	_ =	shalt  }
0x71: {  	_ =	shalt  }
0x72: {  	_ =	shalt  }
0x73: {  	_ =	shalt  }
0x74: {  	_ =	shalt  }
0x75: {  	_ =	shalt  }
0x76: {  	_ =	shalt  }
0x77: {  	_ =	shalt  }
0x78: {  	_ =	shalt  }
0x79: {  	_ =	shalt  }
0x7a: {  	_ =	shalt  }
0x7b: {  	_ =	shalt  }
0x7c: {  	_ =	shalt  }
0x7d: {  	_ =	shalt  }
0x7e: {  	_ =	shalt  }
0x7f: {  	_ =	shalt  }
0x80: {  	_ =	shalt  }
0x81: {  	_ =	shalt  }
0x82: {  	_ =	shalt  }
0x83: {  	_ =	shalt  }
0x84: {  	_ =	shalt  }
0x85: {  	_ =	shalt  }
0x86: {  	_ =	shalt  }
0x87: {  	_ =	shalt  }
.Lfunc_end0:
.L_simem_size_0:
called_computation_lowered:
.L_overlay_start_0:
0x88: {  	s2 =	sld [smem:$0x3FD9]  }
0x89: {  	s3 =	sld [smem:$0x3FFE];
	_ =	sdelay $0x1  }
0x8a: {  	s1 =	srdreg.scid  }
0x8b: {  	s0 =	sand.u32 $0x1, s1  }
0x8c: {  	s18 =	sshll.u32 s0, $0xA;
	s2 =	sadd.s32 s3, s2  }
0x8d: {  	s2 =	sadd.s32 s2, s18  }
0x8e: {  	[smem:$0x3FC6] =	sst s2  }
0x8f: {  	_ = 	snop  }
0x90: {  	s2 =	sld [smem:$0x3FC9]  }
0x91: {  	s19 =	sld [smem:$0x3FC8]  }
0x92: {  	s4 =	sld [smem:$0x3FD0];
	(tm) =	ssettm $0x1  }
0x93: {  	s5 =	sld [smem:$0x3FFB];
	_ =	sdelay $0x3  }
0x94: {  	_ =	strace s5  }
0x95: {  	s5 =	sld [smem:$0x3FFC];
	_ =	sdelay $0x3  }
0x96: {  	_ =	strace s5  }
0x97: {  	s5 =	sld [smem:$0x3FFD];
	_ =	sdelay $0x3  }
0x98: {  	_ =	strace s5  }
0x99: {  	_ =	strace $0x8FFFFFFF  }
0x9a: {  	s20 =	sld [smem:$0x3FDB];
	_ =	sdelay $0x1  }
0x9b: {  	s6 =	simm.s32 $_scs_section_size  }
0x9c: {  	s7 =	simm.s32 $_size__tile_overlayer_lowered;
	s8 =	simm.s32 $_tile_overlayer_lowered  }
0x9d: {  	s23 =	simm.s32 $0x1BFF;
	s22 =	sshll.u32 s8, $0x1;
	s5 =	sadd.s32 s6, s20  }
0x9e: {  	s9 =	simm.s32 $0x0;
	s21 =	sshll.u32 s7, $0x1;
	s7 =	sadd.s32 s22, s5  }
0x9f: {  	[timem:s9], [sflag:s23] =	dma.local [hbm:s7], s21  }
0xa0: {  	_ =	swait.ge [sflag:s23], s21  }
0xa1: {  	s6 =	ssub.s32 $0x0, s21;
	[sflag:s23] =	ssyncset.done $0x0  }
0xa2: {  	[sflag:s23] =	ssyncadd.s32 s6;
	_ =	sdelay $0x1  }
0xa3: {  	s24 =	simm.s32 $0x1B8B  }
0xa4: {  	_ =	swait.ge [sflag:s24], $0x1  }
0xa5: {  	[sflag:s24] =	ssyncset.done $0x0  }
0xa6: {  	s25 =	simm.s32 $0x1B8E;
	[sflag:s24] =	ssyncadd.s32 $0xFFFFFFFF  }
0xa7: {  	s26 =	simm.s32 $execute0_lowered;
	[smem:$0x3FD2] =	sst s25  }
0xa8: {  	s6 =	sshll.u32 s26, $0x1;
	_ =	strace $0x80000046;
	[dreg:$0x1] =	wrdreg $0xFFFFFFFF  }
0xa9: {  	s28 =	simm.s32 $_size_execute0_lowered;
	s5 =	sadd.s32 s5, s6;
	[dreg:$0x0] =	wrdreg $0x0  }
0xaa: {  	s6 =	sshll.u32 s28, $0x1;
	[dreg:$0x2] =	wrdreg s5  }
0xab: {  	[dreg:$0x3] =	wrdreg s6  }
0xac: {  	[dreg:$0x4] =	wrdreg $0xC0  }
0xad: {  	_ =	task [dreg:s9], $0x5FFFF  }
0xae: {  	[dreg:$0x1] =	wrdreg $0xFFFFFFFF  }
0xaf: {  	[dreg:$0x0] =	wrdreg $0x60  }
0xb0: {  	[dreg:$0x2] =	wrdreg s2  }
0xb1: {  	[dreg:$0x3] =	wrdreg s19  }
0xb2: {  	[dreg:$0x4] =	wrdreg s4  }
0xb3: {  	[dreg:$0x5] =	wrdreg $0x9  }
0xb4: {  	_ =	task.clear_ibuf [dreg:s9], $0x6FFFF;
	_ =	strace $0x90000046  }
0xb5: {  	s29 =	simm.s32 $0x9;
	_ =	strace $0x80000048  }
0xb6: {  	_ =	swait.ge [sflag:s29], $0x1  }
0xb7: {  	[sflag:s29] =	ssyncadd.s32 $0xFFFFFFFF  }
0xb8: {  	_ =	strace $0x90000048  }
0xb9: {  	_ =	sfence  }
0xba: {  	s30 =	sld [smem:$0x0];
	_ =	sdelay $0x2  }
0xbb: {  	s31 =	sshll.u32 s1, $0xD;
	s1 =	sshrl.u32 s1, $0x2  }
0xbc: {  	s3 =	sand.u32 $0x4000, s31;
	s1 =	sadd.s32 s1, s30  }
0xbd: {  	s0 =	sor.u32 s3, s0;
	s1 =	sshll.u32 s1, $0x11  }
0xbe: {  	s0 =	sor.u32 s1, s0  }
0xbf: {  	s0 =	sadd.s32 $0x8F2B, s0  }
0xc0: {  	[sflag:s0] =	ssyncadd.remote.s32 $0x1  }
0xc1: {  	_ =	sfence.sel $0xFFFF  }
0xc2: {  	[dreg:$0x0] =	wrdreg $0xFFFFFFFF;
	(pc) =	sbr.abs _section_cstart, $3  }
0xc3: {  	[dreg:$0x1] =	wrdreg $0xFFFFFFFF  }
0xc4: {  	_ =	task.clear_ibuf [dreg:s9], $0x2FFFF;
	_ =	strace $0x9FFFFFFF  }
0xc5: {  	(tm) =	ssettm $0x7FFFFFFF  }
tec
execute0_lowered:
.L_overlay_start_1:
0x0: {  	(tag) =	ssettag $0x1  }
0x1: {  	s1 =	rddreg [dreg:$0x0]  }
0x2: {  	s2 =	rddreg [dreg:$0x1]  }
0x3: {  	s4 =	rddreg [dreg:$0x2]  }
0x4: {  	s0 =	srdreg.scid;
	s6 =	stileid.u32  }
0x5: {  	s3 =	simm.s32 $0x0;
	s0 =	sand.u32 $0x1, s0;
	s5 =	sshll.u32 s6, $0x1  }
0x6: {  	s6 =	sshll.u32 s6, $0x2;
	[smem:$0x7FF] =	sst s3;
	s5 =	sor.u32 s0, s5  }
0x7: {  	s6 =	sand.u32 $0x30, s6;
	s7 =	sshll.u32 s5, $0x9;
	s5 =	sshll.u32 s5, $0x11  }
0x8: {  	s1 =	sadd.s32 s1, s6;
	s7 =	sand.u32 $0xE00, s7;
	s6 =	sadd.s32 s4, s5  }
0x9: {  	_ =	strace $0x80000047;
	s1 =	sadd.s32 s7, s1;
	[smem:$0x7FA] =	sst s6  }
0xa: {  	s23 =	sadd.s32 $0x1000, s6;
	[dreg:$0x4] =	wrdreg s1  }
0xb: {  	s24 =	sadd.s32 $0x2000, s6;
	[dreg:$0x5] =	wrdreg s23  }
0xc: {  	s25 =	sadd.s32 $0x3000, s6;
	[dreg:$0x6] =	wrdreg s24  }
0xd: {  	s26 =	sadd.s32 $0x4000, s6;
	[dreg:$0x7] =	wrdreg s25  }
0xe: {  	s28 =	sadd.s32 $0x5000, s6;
	[dreg:$0x8] =	wrdreg s26  }
0xf: {  	s29 =	sadd.s32 $0x6000, s6;
	[dreg:$0x9] =	wrdreg s28  }
0x10: {  	s30 =	sadd.s32 $0x7000, s6;
	[dreg:$0xa] =	wrdreg s29  }
0x11: {  	s31 =	sadd.s32 $0x8000, s6;
	[dreg:$0xb] =	wrdreg s30  }
0x12: {  	s4 =	sadd.s32 $0x9000, s6;
	[dreg:$0xc] =	wrdreg s31  }
0x13: {  	s5 =	sadd.s32 $0xA000, s6;
	[dreg:$0xd] =	wrdreg s4  }
0x14: {  	s7 =	sadd.s32 $0xB000, s6;
	[dreg:$0xe] =	wrdreg s5  }
0x15: {  	s8 =	sadd.s32 $0xC000, s6;
	[dreg:$0xf] =	wrdreg s7  }
0x16: {  	s9 =	sadd.s32 $0xD000, s6;
	[dreg:$0x10] =	wrdreg s8  }
0x17: {  	s10 =	sadd.s32 $0xE000, s6;
	[dreg:$0x11] =	wrdreg s9  }
0x18: {  	s11 =	sadd.s32 $0xF000, s6;
	[dreg:$0x12] =	wrdreg s10  }
0x19: {  	s12 =	sadd.s32 $0x10000, s6;
	[dreg:$0x13] =	wrdreg s11  }
0x1a: {  	s13 =	sadd.s32 $0x11000, s6;
	[dreg:$0x14] =	wrdreg s12  }
0x1b: {  	s14 =	sadd.s32 $0x12000, s6;
	[dreg:$0x15] =	wrdreg s13  }
0x1c: {  	s15 =	sadd.s32 $0x13000, s6;
	[dreg:$0x16] =	wrdreg s14  }
0x1d: {  	s16 =	sadd.s32 $0x14000, s6;
	[dreg:$0x17] =	wrdreg s15  }
0x1e: {  	s17 =	sadd.s32 $0x15000, s6;
	[dreg:$0x18] =	wrdreg s16  }
0x1f: {  	s18 =	sadd.s32 $0x16000, s6;
	[dreg:$0x19] =	wrdreg s17  }
0x20: {  	s19 =	sadd.s32 $0x17000, s6;
	[dreg:$0x1a] =	wrdreg s18  }
0x21: {  	s20 =	sadd.s32 $0x18000, s6;
	[dreg:$0x1b] =	wrdreg s19  }
0x22: {  	s21 =	sadd.s32 $0x19000, s6;
	[dreg:$0x1c] =	wrdreg s20  }
0x23: {  	s0 =	ssub.s32 $0x2, s0;
	s22 =	sadd.s32 $0x1A000, s6;
	[dreg:$0x1d] =	wrdreg s21  }
0x24: {  	[dreg:$0x1e] =	wrdreg s22;
	s23 =	sadd.s32 $0x1B000, s6;
	s24 =	sadd.s32 $0x1C000, s6  }
0x25: {  	s25 =	sshrl.u32 s0, $0x1;
	s26 =	sadd.s32 $0x1D000, s6;
	[dreg:$0x1f] =	wrdreg s23  }
0x26: {  	s28 =	sadd.s32 $0x1E000, s6;
	s5 =	sadd.s32 $0x100, s2;
	[smem:$0x7F7] =	sst s24  }
0x27: {  	s29 =	sadd.s32 $0x1F000, s6;
	s6 =	sadd.s32 $0x200, s2;
	[smem:$0x7F8] =	sst s26  }
0x28: {  	s30 =	simm.s32 $0x80;
	s7 =	sadd.s32 $0x300, s2;
	[smem:$0x7F9] =	sst s28  }
0x29: {  	s31 =	simm.s32 $0x200;
	s19 =	simm.s32 $0x1;
	[smem:$0x7FB] =	sst s29  }
0x2a: {  	v2 =	vlaneseq.u32;
	s20 =	simm.s32 $0x4;
	s21 =	simm.s32 $0x2;
	[smem:$0x7FC] =	sst s30  }
0x2b: {  	vm0 =	vmmov $0xffff;
	v1 =	vshrl.u32 v2, $0x3;
	s22 =	simm.s32 $0x5;
	s0 =	ssub.s32 s0, s25;
	[smem:$0x7FD] =	sst s31  }
0x2c: {  	v0 =	vand.u32 $0x7, v2;
	v2 =	vor.u32 $0x8, v2;
	v1 =	vmul.u32 $0x8, v1;
	s23 =	simm.s32 $0x3;
	s24 =	simm.s32 $0x6;
	s0 =	smax.u32 s0, $0x1  }
.LBB2_1:
0x2d: {  	s28 =	sld [smem:$0x7FC]  }
0x2e: {  	s29 =	sld [smem:$0x7FD]  }
0x2f: {  	[smem:$0x7F6] =	sst s0  }
0x30: {  	s25 =	rddreg [dreg:$0x4];
	s18 =	simm.s32 $0x7  }
0x31: {  	[tilespmem:s3], [sflag:$0x7] =	stream.strided.gather [hbm4b:s25+s28], $0x400, s29, s28, $0x38;
	[tilespmem:$0x18400] =	vst v63  }
0x32: {  	_ =	swait.ge [sflag:s18], $0x400  }
0x33: {  	[sflag:s18] =	ssyncset.done $0x0  }
0x34: {  	[sflag:s18] =	ssyncadd.s32 $0xFFFFFC00  }
0x35: {  	v3 =	vld [tilespmem:$0x0];
	_ =	sdelay $0x4  }
0x36: {  	v4 =	vshll.u32 v3, $0x3  }
0x37: {  	v3 =	vand.u32 $0x7, v3;
	v4 =	vand.u32 $0xFFFFFFC0, v4  }
0x38: {  	v3 =	vor.u32 v3, v4  }
0x39: {  	v4 =	vperm.xlane v3, v0;
	_ =	sdelay $0x1  }
0x3a: {  	v4 =	vadd.s32 v1, v4;
	_ =	sdelay $0x3  }
0x3b: {  	s25 =	simm.s32 $0x400  }
0x3c: {  	[tilespmem:s25], [sflag:$0x1] =	stream.indirect_vreg.gather [hbm4b:s2+s3], $0x80, v4, vm0, $0xb8;
	[tilespmem:$0x18400] =	vst v63  }
0x3d: {  	s1 =	simm.s32 $0xC00;
	v3 =	vperm.xlane v3, v2  }
0x3e: {  	[tilespmem:s1], [sflag:$0x1] =	stream.indirect_vreg.gather [hbm4b:s5+s3], $0x80, v4, vm0, $0xb8;
	[tilespmem:$0x18400] =	vst v63  }
0x3f: {  	s26 =	simm.s32 $0x1400;
	v3 =	vadd.s32 v1, v3  }
0x40: {  	[tilespmem:s26], [sflag:$0x1] =	stream.indirect_vreg.gather [hbm4b:s6+s3], $0x80, v4, vm0, $0xb8;
	[tilespmem:$0x18400] =	vst v63  }
0x41: {  	s28 =	simm.s32 $0x1C00  }
0x42: {  	[tilespmem:s28], [sflag:$0x1] =	stream.indirect_vreg.gather [hbm4b:s7+s3], $0x80, v4, vm0, $0xb8;
	[tilespmem:$0x18400] =	vst v63  }
0x43: {  	s29 =	simm.s32 $0x2400  }
0x44: {  	[tilespmem:s29], [sflag:$0x1] =	stream.indirect_vreg.gather [hbm4b:s2+s3], $0x80, v3, vm0, $0xb8;
	[tilespmem:$0x18400] =	vst v63  }
0x45: {  	s30 =	simm.s32 $0x2C00  }
0x46: {  	[tilespmem:s30], [sflag:$0x1] =	stream.indirect_vreg.gather [hbm4b:s5+s3], $0x80, v3, vm0, $0xb8;
	[tilespmem:$0x18400] =	vst v63  }
0x47: {  	s31 =	simm.s32 $0x3400  }
0x48: {  	[tilespmem:s31], [sflag:$0x1] =	stream.indirect_vreg.gather [hbm4b:s6+s3], $0x80, v3, vm0, $0xb8;
	[tilespmem:$0x18400] =	vst v63  }
0x49: {  	s0 =	simm.s32 $0x3C00  }
0x4a: {  	[tilespmem:s0], [sflag:$0x1] =	stream.indirect_vreg.gather [hbm4b:s7+s3], $0x80, v3, vm0, $0xb8;
	[tilespmem:$0x18400] =	vst v63  }
0x4b: {  	v3 =	vld [tilespmem:$0x10];
	_ =	sdelay $0x4  }
0x4c: {  	v57 =	vshll.u32 v3, $0x3  }
0x4d: {  	v3 =	vand.u32 $0x7, v3;
	v4 =	vand.u32 $0xFFFFFFC0, v57  }
0x4e: {  	v3 =	vor.u32 v3, v4  }
0x4f: {  	v4 =	vperm.xlane v3, v0;
	_ =	sdelay $0x1  }
0x50: {  	v4 =	vadd.s32 v1, v4;
	_ =	sdelay $0x3  }
0x51: {  	s8 =	simm.s32 $0x4400  }
0x52: {  	[tilespmem:s8], [sflag:$0x1] =	stream.indirect_vreg.gather [hbm4b:s2+s3], $0x80, v4, vm0, $0xb8;
	[tilespmem:$0x18400] =	vst v63  }
0x53: {  	s9 =	simm.s32 $0x4C00;
	v3 =	vperm.xlane v3, v2  }
0x54: {  	[tilespmem:s9], [sflag:$0x1] =	stream.indirect_vreg.gather [hbm4b:s5+s3], $0x80, v4, vm0, $0xb8;
	[tilespmem:$0x18400] =	vst v63  }
0x55: {  	s10 =	simm.s32 $0x5400;
	v3 =	vadd.s32 v1, v3  }
0x56: {  	[tilespmem:s10], [sflag:$0x1] =	stream.indirect_vreg.gather [hbm4b:s6+s3], $0x80, v4, vm0, $0xb8;
	[tilespmem:$0x18400] =	vst v63  }
0x57: {  	s11 =	simm.s32 $0x5C00  }
0x58: {  	[tilespmem:s11], [sflag:$0x1] =	stream.indirect_vreg.gather [hbm4b:s7+s3], $0x80, v4, vm0, $0xb8;
	[tilespmem:$0x18400] =	vst v63  }
0x59: {  	s12 =	simm.s32 $0x6400  }
0x5a: {  	[tilespmem:s12], [sflag:$0x1] =	stream.indirect_vreg.gather [hbm4b:s2+s3], $0x80, v3, vm0, $0xb8;
	[tilespmem:$0x18400] =	vst v63  }
0x5b: {  	s16 =	simm.s32 $0x6C00  }
0x5c: {  	[tilespmem:s16], [sflag:$0x1] =	stream.indirect_vreg.gather [hbm4b:s5+s3], $0x80, v3, vm0, $0xb8;
	[tilespmem:$0x18400] =	vst v63  }
0x5d: {  	s17 =	simm.s32 $0x7400  }
0x5e: {  	[tilespmem:s17], [sflag:$0x1] =	stream.indirect_vreg.gather [hbm4b:s6+s3], $0x80, v3, vm0, $0xb8;
	[tilespmem:$0x18400] =	vst v63  }
0x5f: {  	s18 =	simm.s32 $0x7C00  }
0x60: {  	[tilespmem:s18], [sflag:$0x1] =	stream.indirect_vreg.gather [hbm4b:s7+s3], $0x80, v3, vm0, $0xb8;
	[tilespmem:$0x18400] =	vst v63  }
0x61: {  	v3 =	vld [tilespmem:$0x20];
	_ =	sdelay $0x4  }
0x62: {  	v58 =	vshll.u32 v3, $0x3  }
0x63: {  	v3 =	vand.u32 $0x7, v3;
	v4 =	vand.u32 $0xFFFFFFC0, v58  }
0x64: {  	v3 =	vor.u32 v3, v4  }
0x65: {  	v4 =	vperm.xlane v3, v0;
	_ =	sdelay $0x1  }
0x66: {  	v4 =	vadd.s32 v1, v4;
	_ =	sdelay $0x3  }
0x67: {  	s25 =	simm.s32 $0x8400  }
0x68: {  	[tilespmem:s25], [sflag:$0x2] =	stream.indirect_vreg.gather [hbm4b:s2+s3], $0x80, v4, vm0, $0xb8;
	[tilespmem:$0x18400] =	vst v63  }
0x69: {  	s26 =	simm.s32 $0x8C00;
	v3 =	vperm.xlane v3, v2  }
0x6a: {  	[tilespmem:s26], [sflag:$0x2] =	stream.indirect_vreg.gather [hbm4b:s5+s3], $0x80, v4, vm0, $0xb8;
	[tilespmem:$0x18400] =	vst v63  }
0x6b: {  	s28 =	simm.s32 $0x9400;
	v3 =	vadd.s32 v1, v3  }
0x6c: {  	[tilespmem:s28], [sflag:$0x2] =	stream.indirect_vreg.gather [hbm4b:s6+s3], $0x80, v4, vm0, $0xb8;
	[tilespmem:$0x18400] =	vst v63  }
0x6d: {  	s29 =	simm.s32 $0x9C00  }
0x6e: {  	[tilespmem:s29], [sflag:$0x2] =	stream.indirect_vreg.gather [hbm4b:s7+s3], $0x80, v4, vm0, $0xb8;
	[tilespmem:$0x18400] =	vst v63  }
0x6f: {  	s30 =	simm.s32 $0xA400  }
0x70: {  	[tilespmem:s30], [sflag:$0x2] =	stream.indirect_vreg.gather [hbm4b:s2+s3], $0x80, v3, vm0, $0xb8;
	[tilespmem:$0x18400] =	vst v63  }
0x71: {  	s31 =	simm.s32 $0xAC00  }
0x72: {  	[tilespmem:s31], [sflag:$0x2] =	stream.indirect_vreg.gather [hbm4b:s5+s3], $0x80, v3, vm0, $0xb8;
	[tilespmem:$0x18400] =	vst v63  }
0x73: {  	s8 =	simm.s32 $0xB400  }
0x74: {  	[tilespmem:s8], [sflag:$0x2] =	stream.indirect_vreg.gather [hbm4b:s6+s3], $0x80, v3, vm0, $0xb8;
	[tilespmem:$0x18400] =	vst v63  }
0x75: {  	s9 =	simm.s32 $0xBC00  }
0x76: {  	[tilespmem:s9], [sflag:$0x2] =	stream.indirect_vreg.gather [hbm4b:s7+s3], $0x80, v3, vm0, $0xb8;
	[tilespmem:$0x18400] =	vst v63  }
0x77: {  	v3 =	vld [tilespmem:$0x30];
	_ =	sdelay $0x4  }
0x78: {  	v59 =	vshll.u32 v3, $0x3  }
0x79: {  	v3 =	vand.u32 $0x7, v3;
	v4 =	vand.u32 $0xFFFFFFC0, v59  }
0x7a: {  	v3 =	vor.u32 v3, v4  }
0x7b: {  	v4 =	vperm.xlane v3, v0;
	_ =	sdelay $0x1  }
0x7c: {  	v4 =	vadd.s32 v1, v4;
	_ =	sdelay $0x3  }
0x7d: {  	s11 =	simm.s32 $0xC400  }
0x7e: {  	[tilespmem:s11], [sflag:$0x2] =	stream.indirect_vreg.gather [hbm4b:s2+s3], $0x80, v4, vm0, $0xb8;
	[tilespmem:$0x18400] =	vst v63  }
0x7f: {  	s12 =	simm.s32 $0xCC00;
	v3 =	vperm.xlane v3, v2  }
0x80: {  	[tilespmem:s12], [sflag:$0x2] =	stream.indirect_vreg.gather [hbm4b:s5+s3], $0x80, v4, vm0, $0xb8;
	[tilespmem:$0x18400] =	vst v63  }
0x81: {  	s16 =	simm.s32 $0xD400;
	v3 =	vadd.s32 v1, v3  }
0x82: {  	[tilespmem:s16], [sflag:$0x2] =	stream.indirect_vreg.gather [hbm4b:s6+s3], $0x80, v4, vm0, $0xb8;
	[tilespmem:$0x18400] =	vst v63  }
0x83: {  	s17 =	simm.s32 $0xDC00  }
0x84: {  	[tilespmem:s17], [sflag:$0x2] =	stream.indirect_vreg.gather [hbm4b:s7+s3], $0x80, v4, vm0, $0xb8;
	[tilespmem:$0x18400] =	vst v63  }
0x85: {  	s18 =	simm.s32 $0xE400  }
0x86: {  	[tilespmem:s18], [sflag:$0x2] =	stream.indirect_vreg.gather [hbm4b:s2+s3], $0x80, v3, vm0, $0xb8;
	[tilespmem:$0x18400] =	vst v63  }
0x87: {  	s25 =	simm.s32 $0xEC00  }
0x88: {  	[tilespmem:s25], [sflag:$0x2] =	stream.indirect_vreg.gather [hbm4b:s5+s3], $0x80, v3, vm0, $0xb8;
	[tilespmem:$0x18400] =	vst v63  }
0x89: {  	s26 =	simm.s32 $0xF400  }
0x8a: {  	[tilespmem:s26], [sflag:$0x2] =	stream.indirect_vreg.gather [hbm4b:s6+s3], $0x80, v3, vm0, $0xb8;
	[tilespmem:$0x18400] =	vst v63  }
0x8b: {  	s28 =	simm.s32 $0xFC00  }
0x8c: {  	[tilespmem:s28], [sflag:$0x2] =	stream.indirect_vreg.gather [hbm4b:s7+s3], $0x80, v3, vm0, $0xb8;
	[tilespmem:$0x18400] =	vst v63  }
0x8d: {  	v3 =	vld [tilespmem:$0x40];
	_ =	sdelay $0x4  }
0x8e: {  	v60 =	vshll.u32 v3, $0x3  }
0x8f: {  	v3 =	vand.u32 $0x7, v3;
	v4 =	vand.u32 $0xFFFFFFC0, v60  }
0x90: {  	v3 =	vor.u32 v3, v4  }
0x91: {  	v4 =	vperm.xlane v3, v0;
	_ =	sdelay $0x1  }
0x92: {  	v4 =	vadd.s32 v1, v4;
	_ =	sdelay $0x3  }
0x93: {  	s29 =	simm.s32 $0x10400  }
0x94: {  	[tilespmem:s29], [sflag:$0x3] =	stream.indirect_vreg.gather [hbm4b:s2+s3], $0x80, v4, vm0, $0xb8;
	[tilespmem:$0x18400] =	vst v63  }
0x95: {  	s8 =	simm.s32 $0x10C00;
	v3 =	vperm.xlane v3, v2  }
0x96: {  	[tilespmem:s8], [sflag:$0x3] =	stream.indirect_vreg.gather [hbm4b:s5+s3], $0x80, v4, vm0, $0xb8;
	[tilespmem:$0x18400] =	vst v63  }
0x97: {  	s9 =	simm.s32 $0x11400;
	v3 =	vadd.s32 v1, v3  }
0x98: {  	[tilespmem:s9], [sflag:$0x3] =	stream.indirect_vreg.gather [hbm4b:s6+s3], $0x80, v4, vm0, $0xb8;
	[tilespmem:$0x18400] =	vst v63  }
0x99: {  	s11 =	simm.s32 $0x11C00  }
0x9a: {  	[tilespmem:s11], [sflag:$0x3] =	stream.indirect_vreg.gather [hbm4b:s7+s3], $0x80, v4, vm0, $0xb8;
	[tilespmem:$0x18400] =	vst v63  }
0x9b: {  	s12 =	simm.s32 $0x12400  }
0x9c: {  	[tilespmem:s12], [sflag:$0x3] =	stream.indirect_vreg.gather [hbm4b:s2+s3], $0x80, v3, vm0, $0xb8;
	[tilespmem:$0x18400] =	vst v63  }
0x9d: {  	s16 =	simm.s32 $0x12C00  }
0x9e: {  	[tilespmem:s16], [sflag:$0x3] =	stream.indirect_vreg.gather [hbm4b:s5+s3], $0x80, v3, vm0, $0xb8;
	[tilespmem:$0x18400] =	vst v63  }
0x9f: {  	s17 =	simm.s32 $0x13400  }
0xa0: {  	[tilespmem:s17], [sflag:$0x3] =	stream.indirect_vreg.gather [hbm4b:s6+s3], $0x80, v3, vm0, $0xb8;
	[tilespmem:$0x18400] =	vst v63  }
0xa1: {  	s18 =	simm.s32 $0x13C00  }
0xa2: {  	[tilespmem:s18], [sflag:$0x3] =	stream.indirect_vreg.gather [hbm4b:s7+s3], $0x80, v3, vm0, $0xb8;
	[tilespmem:$0x18400] =	vst v63  }
0xa3: {  	v3 =	vld [tilespmem:$0x50];
	_ =	sdelay $0x4  }
0xa4: {  	v61 =	vshll.u32 v3, $0x3  }
0xa5: {  	v3 =	vand.u32 $0x7, v3;
	v4 =	vand.u32 $0xFFFFFFC0, v61  }
0xa6: {  	v3 =	vor.u32 v3, v4  }
0xa7: {  	v4 =	vperm.xlane v3, v0;
	_ =	sdelay $0x1  }
0xa8: {  	v4 =	vadd.s32 v1, v4;
	_ =	sdelay $0x3  }
0xa9: {  	s25 =	simm.s32 $0x14400  }
0xaa: {  	[tilespmem:s25], [sflag:$0x3] =	stream.indirect_vreg.gather [hbm4b:s2+s3], $0x80, v4, vm0, $0xb8;
	[tilespmem:$0x18400] =	vst v63  }
0xab: {  	s29 =	simm.s32 $0x14C00;
	v3 =	vperm.xlane v3, v2  }
0xac: {  	[tilespmem:s29], [sflag:$0x3] =	stream.indirect_vreg.gather [hbm4b:s5+s3], $0x80, v4, vm0, $0xb8;
	[tilespmem:$0x18400] =	vst v63  }
0xad: {  	s8 =	simm.s32 $0x15400;
	v3 =	vadd.s32 v1, v3  }
0xae: {  	[tilespmem:s8], [sflag:$0x3] =	stream.indirect_vreg.gather [hbm4b:s6+s3], $0x80, v4, vm0, $0xb8;
	[tilespmem:$0x18400] =	vst v63  }
0xaf: {  	s9 =	simm.s32 $0x15C00  }
0xb0: {  	[tilespmem:s9], [sflag:$0x3] =	stream.indirect_vreg.gather [hbm4b:s7+s3], $0x80, v4, vm0, $0xb8;
	[tilespmem:$0x18400] =	vst v63  }
0xb1: {  	s11 =	simm.s32 $0x16400  }
0xb2: {  	[tilespmem:s11], [sflag:$0x3] =	stream.indirect_vreg.gather [hbm4b:s2+s3], $0x80, v3, vm0, $0xb8;
	[tilespmem:$0x18400] =	vst v63  }
0xb3: {  	s12 =	simm.s32 $0x16C00  }
0xb4: {  	[tilespmem:s12], [sflag:$0x3] =	stream.indirect_vreg.gather [hbm4b:s5+s3], $0x80, v3, vm0, $0xb8;
	[tilespmem:$0x18400] =	vst v63  }
0xb5: {  	s16 =	simm.s32 $0x17400  }
0xb6: {  	[tilespmem:s16], [sflag:$0x3] =	stream.indirect_vreg.gather [hbm4b:s6+s3], $0x80, v3, vm0, $0xb8;
	[tilespmem:$0x18400] =	vst v63  }
0xb7: {  	s17 =	simm.s32 $0x17C00  }
0xb8: {  	[tilespmem:s17], [sflag:$0x3] =	stream.indirect_vreg.gather [hbm4b:s7+s3], $0x80, v3, vm0, $0xb8;
	[tilespmem:$0x18400] =	vst v63  }
0xb9: {  	_ =	swait.ge [sflag:s19], $0x8000  }
0xba: {  	s18 =	sld [smem:$0x7FA]  }
0xbb: {  	[sflag:s19] =	ssyncset.done $0x0  }
0xbc: {  	s29 =	simm.s32 $0x400;
	[sflag:s19] =	ssyncadd.s32 $0xFFFF8000  }
0xbd: {  	[hbm4b:s18+s3] =	stream.linear.scatter [tilespmem:s29], [sflag:$0x4], $0x8000, $0x38;
	[tilespmem:$0x18400] =	vst v63  }
0xbe: {  	_ =	swait.ge [sflag:s20], $0x8000  }
0xbf: {  	[sflag:s20] =	ssyncset.done $0x0  }
0xc0: {  	[sflag:s20] =	ssyncadd.s32 $0xFFFF8000  }
0xc1: {  	v3 =	vld [tilespmem:$0x60];
	_ =	sdelay $0x4  }
0xc2: {  	v62 =	vshll.u32 v3, $0x3  }
0xc3: {  	v3 =	vand.u32 $0x7, v3;
	v4 =	vand.u32 $0xFFFFFFC0, v62  }
0xc4: {  	v3 =	vor.u32 v3, v4  }
0xc5: {  	v4 =	vperm.xlane v3, v0;
	_ =	sdelay $0x1  }
0xc6: {  	v4 =	vadd.s32 v1, v4;
	_ =	sdelay $0x4  }
0xc7: {  	[tilespmem:s29], [sflag:$0x1] =	stream.indirect_vreg.gather [hbm4b:s2+s3], $0x80, v4, vm0, $0xb8;
	[tilespmem:$0x18400] =	vst v63  }
0xc8: {  	s4 =	simm.s32 $0xC00;
	v3 =	vperm.xlane v3, v2  }
0xc9: {  	[tilespmem:s4], [sflag:$0x1] =	stream.indirect_vreg.gather [hbm4b:s5+s3], $0x80, v4, vm0, $0xb8;
	[tilespmem:$0x18400] =	vst v63  }
0xca: {  	s18 =	simm.s32 $0x1400;
	v3 =	vadd.s32 v1, v3  }
0xcb: {  	[tilespmem:s18], [sflag:$0x1] =	stream.indirect_vreg.gather [hbm4b:s6+s3], $0x80, v4, vm0, $0xb8;
	[tilespmem:$0x18400] =	vst v63  }
0xcc: {  	s8 =	simm.s32 $0x1C00  }
0xcd: {  	[tilespmem:s8], [sflag:$0x1] =	stream.indirect_vreg.gather [hbm4b:s7+s3], $0x80, v4, vm0, $0xb8;
	[tilespmem:$0x18400] =	vst v63  }
0xce: {  	s9 =	simm.s32 $0x2400  }
0xcf: {  	[tilespmem:s9], [sflag:$0x1] =	stream.indirect_vreg.gather [hbm4b:s2+s3], $0x80, v3, vm0, $0xb8;
	[tilespmem:$0x18400] =	vst v63  }
0xd0: {  	s11 =	simm.s32 $0x2C00  }
0xd1: {  	[tilespmem:s11], [sflag:$0x1] =	stream.indirect_vreg.gather [hbm4b:s5+s3], $0x80, v3, vm0, $0xb8;
	[tilespmem:$0x18400] =	vst v63  }
0xd2: {  	s12 =	simm.s32 $0x3400  }
0xd3: {  	[tilespmem:s12], [sflag:$0x1] =	stream.indirect_vreg.gather [hbm4b:s6+s3], $0x80, v3, vm0, $0xb8;
	[tilespmem:$0x18400] =	vst v63  }
0xd4: {  	s13 =	simm.s32 $0x3C00  }
0xd5: {  	[tilespmem:s13], [sflag:$0x1] =	stream.indirect_vreg.gather [hbm4b:s7+s3], $0x80, v3, vm0, $0xb8;
	[tilespmem:$0x18400] =	vst v63  }
0xd6: {  	v3 =	vld [tilespmem:$0x70];
	_ =	sdelay $0x4  }
0xd7: {  	v63 =	vshll.u32 v3, $0x3  }
0xd8: {  	v3 =	vand.u32 $0x7, v3;
	v4 =	vand.u32 $0xFFFFFFC0, v63  }
0xd9: {  	v3 =	vor.u32 v3, v4  }
0xda: {  	v4 =	vperm.xlane v3, v0;
	_ =	sdelay $0x1  }
0xdb: {  	v4 =	vadd.s32 v1, v4;
	_ =	sdelay $0x3  }
0xdc: {  	s14 =	simm.s32 $0x4400  }
0xdd: {  	[tilespmem:s14], [sflag:$0x1] =	stream.indirect_vreg.gather [hbm4b:s2+s3], $0x80, v4, vm0, $0xb8;
	[tilespmem:$0x18400] =	vst v63  }
0xde: {  	s15 =	simm.s32 $0x4C00;
	v3 =	vperm.xlane v3, v2  }
0xdf: {  	[tilespmem:s15], [sflag:$0x1] =	stream.indirect_vreg.gather [hbm4b:s5+s3], $0x80, v4, vm0, $0xb8;
	[tilespmem:$0x18400] =	vst v63  }
0xe0: {  	s13 =	simm.s32 $0x5400;
	v3 =	vadd.s32 v1, v3  }
0xe1: {  	[tilespmem:s13], [sflag:$0x1] =	stream.indirect_vreg.gather [hbm4b:s6+s3], $0x80, v4, vm0, $0xb8;
	[tilespmem:$0x18400] =	vst v63  }
0xe2: {  	s14 =	simm.s32 $0x5C00  }
0xe3: {  	[tilespmem:s14], [sflag:$0x1] =	stream.indirect_vreg.gather [hbm4b:s7+s3], $0x80, v4, vm0, $0xb8;
	[tilespmem:$0x18400] =	vst v63  }
0xe4: {  	s15 =	simm.s32 $0x6400  }
0xe5: {  	[tilespmem:s15], [sflag:$0x1] =	stream.indirect_vreg.gather [hbm4b:s2+s3], $0x80, v3, vm0, $0xb8;
	[tilespmem:$0x18400] =	vst v63  }
0xe6: {  	s4 =	simm.s32 $0x6C00  }
0xe7: {  	[tilespmem:s4], [sflag:$0x1] =	stream.indirect_vreg.gather [hbm4b:s5+s3], $0x80, v3, vm0, $0xb8;
	[tilespmem:$0x18400] =	vst v63  }
0xe8: {  	s16 =	simm.s32 $0x7400  }
0xe9: {  	[tilespmem:s16], [sflag:$0x1] =	stream.indirect_vreg.gather [hbm4b:s6+s3], $0x80, v3, vm0, $0xb8;
	[tilespmem:$0x18400] =	vst v63  }
0xea: {  	s17 =	simm.s32 $0x7C00  }
0xeb: {  	[tilespmem:s17], [sflag:$0x1] =	stream.indirect_vreg.gather [hbm4b:s7+s3], $0x80, v3, vm0, $0xb8;
	[tilespmem:$0x18400] =	vst v63  }
0xec: {  	_ =	swait.ge [sflag:s21], $0x8000  }
0xed: {  	[sflag:s21] =	ssyncset.done $0x0  }
0xee: {  	s1 =	simm.s32 $0x8400;
	s0 =	rddreg [dreg:$0x5];
	[sflag:s21] =	ssyncadd.s32 $0xFFFF8000  }
0xef: {  	[hbm4b:s0+s3] =	stream.linear.scatter [tilespmem:s1], [sflag:$0x5], $0x8000, $0x38;
	[tilespmem:$0x18400] =	vst v63  }
0xf0: {  	_ =	swait.ge [sflag:s22], $0x8000  }
0xf1: {  	[sflag:s22] =	ssyncset.done $0x0  }
0xf2: {  	[sflag:s22] =	ssyncadd.s32 $0xFFFF8000  }
0xf3: {  	v3 =	vld [tilespmem:$0x80];
	_ =	sdelay $0x4  }
0xf4: {  	v8 =	vshll.u32 v3, $0x3  }
0xf5: {  	v3 =	vand.u32 $0x7, v3;
	v4 =	vand.u32 $0xFFFFFFC0, v8  }
0xf6: {  	v3 =	vor.u32 v3, v4  }
0xf7: {  	v4 =	vperm.xlane v3, v0;
	_ =	sdelay $0x1  }
0xf8: {  	v4 =	vadd.s32 v1, v4;
	_ =	sdelay $0x4  }
0xf9: {  	[tilespmem:s1], [sflag:$0x2] =	stream.indirect_vreg.gather [hbm4b:s2+s3], $0x80, v4, vm0, $0xb8;
	[tilespmem:$0x18400] =	vst v63  }
0xfa: {  	s10 =	simm.s32 $0x8C00;
	v3 =	vperm.xlane v3, v2  }
0xfb: {  	[tilespmem:s10], [sflag:$0x2] =	stream.indirect_vreg.gather [hbm4b:s5+s3], $0x80, v4, vm0, $0xb8;
	[tilespmem:$0x18400] =	vst v63  }
0xfc: {  	s29 =	simm.s32 $0x9400;
	v3 =	vadd.s32 v1, v3  }
0xfd: {  	[tilespmem:s29], [sflag:$0x2] =	stream.indirect_vreg.gather [hbm4b:s6+s3], $0x80, v4, vm0, $0xb8;
	[tilespmem:$0x18400] =	vst v63  }
0xfe: {  	s1 =	simm.s32 $0x9C00  }
0xff: {  	[tilespmem:s1], [sflag:$0x2] =	stream.indirect_vreg.gather [hbm4b:s7+s3], $0x80, v4, vm0, $0xb8;
	[tilespmem:$0x18400] =	vst v63  }
0x100: {  	s10 =	simm.s32 $0xA400  }
0x101: {  	[tilespmem:s10], [sflag:$0x2] =	stream.indirect_vreg.gather [hbm4b:s2+s3], $0x80, v3, vm0, $0xb8;
	[tilespmem:$0x18400] =	vst v63  }
0x102: {  	s25 =	simm.s32 $0xAC00  }
0x103: {  	[tilespmem:s25], [sflag:$0x2] =	stream.indirect_vreg.gather [hbm4b:s5+s3], $0x80, v3, vm0, $0xb8;
	[tilespmem:$0x18400] =	vst v63  }
0x104: {  	s1 =	simm.s32 $0xB400  }
0x105: {  	[tilespmem:s1], [sflag:$0x2] =	stream.indirect_vreg.gather [hbm4b:s6+s3], $0x80, v3, vm0, $0xb8;
	[tilespmem:$0x18400] =	vst v63  }
0x106: {  	s10 =	simm.s32 $0xBC00  }
0x107: {  	[tilespmem:s10], [sflag:$0x2] =	stream.indirect_vreg.gather [hbm4b:s7+s3], $0x80, v3, vm0, $0xb8;
	[tilespmem:$0x18400] =	vst v63  }
0x108: {  	v3 =	vld [tilespmem:$0x90];
	_ =	sdelay $0x4  }
0x109: {  	v9 =	vshll.u32 v3, $0x3  }
0x10a: {  	v3 =	vand.u32 $0x7, v3;
	v4 =	vand.u32 $0xFFFFFFC0, v9  }
0x10b: {  	v3 =	vor.u32 v3, v4  }
0x10c: {  	v4 =	vperm.xlane v3, v0;
	_ =	sdelay $0x1  }
0x10d: {  	v4 =	vadd.s32 v1, v4;
	_ =	sdelay $0x3  }
0x10e: {  	s25 =	simm.s32 $0xC400  }
0x10f: {  	[tilespmem:s25], [sflag:$0x2] =	stream.indirect_vreg.gather [hbm4b:s2+s3], $0x80, v4, vm0, $0xb8;
	[tilespmem:$0x18400] =	vst v63  }
0x110: {  	s30 =	simm.s32 $0xCC00;
	v3 =	vperm.xlane v3, v2  }
0x111: {  	[tilespmem:s30], [sflag:$0x2] =	stream.indirect_vreg.gather [hbm4b:s5+s3], $0x80, v4, vm0, $0xb8;
	[tilespmem:$0x18400] =	vst v63  }
0x112: {  	v3 =	vadd.s32 v1, v3;
	s30 =	simm.s32 $0xD400  }
0x113: {  	[tilespmem:s30], [sflag:$0x2] =	stream.indirect_vreg.gather [hbm4b:s6+s3], $0x80, v4, vm0, $0xb8;
	[tilespmem:$0x18400] =	vst v63  }
0x114: {  	s1 =	simm.s32 $0xDC00  }
0x115: {  	[tilespmem:s1], [sflag:$0x2] =	stream.indirect_vreg.gather [hbm4b:s7+s3], $0x80, v4, vm0, $0xb8;
	[tilespmem:$0x18400] =	vst v63  }
0x116: {  	s10 =	simm.s32 $0xE400  }
0x117: {  	[tilespmem:s10], [sflag:$0x2] =	stream.indirect_vreg.gather [hbm4b:s2+s3], $0x80, v3, vm0, $0xb8;
	[tilespmem:$0x18400] =	vst v63  }
0x118: {  	s25 =	simm.s32 $0xEC00  }
0x119: {  	[tilespmem:s25], [sflag:$0x2] =	stream.indirect_vreg.gather [hbm4b:s5+s3], $0x80, v3, vm0, $0xb8;
	[tilespmem:$0x18400] =	vst v63  }
0x11a: {  	s30 =	simm.s32 $0xF400  }
0x11b: {  	[tilespmem:s30], [sflag:$0x2] =	stream.indirect_vreg.gather [hbm4b:s6+s3], $0x80, v3, vm0, $0xb8;
	[tilespmem:$0x18400] =	vst v63  }
0x11c: {  	s31 =	simm.s32 $0xFC00  }
0x11d: {  	[tilespmem:s31], [sflag:$0x2] =	stream.indirect_vreg.gather [hbm4b:s7+s3], $0x80, v3, vm0, $0xb8;
	[tilespmem:$0x18400] =	vst v63  }
0x11e: {  	_ =	swait.ge [sflag:s23], $0x8000  }
0x11f: {  	[sflag:s23] =	ssyncset.done $0x0  }
0x120: {  	s10 =	simm.s32 $0x10400;
	s1 =	rddreg [dreg:$0x6];
	[sflag:s23] =	ssyncadd.s32 $0xFFFF8000  }
0x121: {  	[hbm4b:s1+s3] =	stream.linear.scatter [tilespmem:s10], [sflag:$0x6], $0x8000, $0x38;
	[tilespmem:$0x18400] =	vst v63  }
0x122: {  	_ =	swait.ge [sflag:s24], $0x8000  }
0x123: {  	[sflag:s24] =	ssyncset.done $0x0  }
0x124: {  	[sflag:s24] =	ssyncadd.s32 $0xFFFF8000  }
0x125: {  	v3 =	vld [tilespmem:$0xA0];
	_ =	sdelay $0x4  }
0x126: {  	v10 =	vshll.u32 v3, $0x3  }
0x127: {  	v3 =	vand.u32 $0x7, v3;
	v4 =	vand.u32 $0xFFFFFFC0, v10  }
0x128: {  	v3 =	vor.u32 v3, v4  }
0x129: {  	v4 =	vperm.xlane v3, v0;
	_ =	sdelay $0x1  }
0x12a: {  	v4 =	vadd.s32 v1, v4;
	_ =	sdelay $0x4  }
0x12b: {  	[tilespmem:s10], [sflag:$0x3] =	stream.indirect_vreg.gather [hbm4b:s2+s3], $0x80, v4, vm0, $0xb8;
	[tilespmem:$0x18400] =	vst v63  }
0x12c: {  	s26 =	simm.s32 $0x10C00;
	v3 =	vperm.xlane v3, v2  }
0x12d: {  	[tilespmem:s26], [sflag:$0x3] =	stream.indirect_vreg.gather [hbm4b:s5+s3], $0x80, v4, vm0, $0xb8;
	[tilespmem:$0x18400] =	vst v63  }
0x12e: {  	s30 =	simm.s32 $0x11400;
	v3 =	vadd.s32 v1, v3  }
0x12f: {  	[tilespmem:s30], [sflag:$0x3] =	stream.indirect_vreg.gather [hbm4b:s6+s3], $0x80, v4, vm0, $0xb8;
	[tilespmem:$0x18400] =	vst v63  }
0x130: {  	s31 =	simm.s32 $0x11C00  }
0x131: {  	[tilespmem:s31], [sflag:$0x3] =	stream.indirect_vreg.gather [hbm4b:s7+s3], $0x80, v4, vm0, $0xb8;
	[tilespmem:$0x18400] =	vst v63  }
0x132: {  	s10 =	simm.s32 $0x12400  }
0x133: {  	[tilespmem:s10], [sflag:$0x3] =	stream.indirect_vreg.gather [hbm4b:s2+s3], $0x80, v3, vm0, $0xb8;
	[tilespmem:$0x18400] =	vst v63  }
0x134: {  	s1 =	simm.s32 $0x12C00  }
0x135: {  	[tilespmem:s1], [sflag:$0x3] =	stream.indirect_vreg.gather [hbm4b:s5+s3], $0x80, v3, vm0, $0xb8;
	[tilespmem:$0x18400] =	vst v63  }
0x136: {  	s26 =	simm.s32 $0x13400  }
0x137: {  	[tilespmem:s26], [sflag:$0x3] =	stream.indirect_vreg.gather [hbm4b:s6+s3], $0x80, v3, vm0, $0xb8;
	[tilespmem:$0x18400] =	vst v63  }
0x138: {  	s28 =	simm.s32 $0x13C00  }
0x139: {  	[tilespmem:s28], [sflag:$0x3] =	stream.indirect_vreg.gather [hbm4b:s7+s3], $0x80, v3, vm0, $0xb8;
	[tilespmem:$0x18400] =	vst v63  }
0x13a: {  	v3 =	vld [tilespmem:$0xB0];
	_ =	sdelay $0x4  }
0x13b: {  	v11 =	vshll.u32 v3, $0x3  }
0x13c: {  	v3 =	vand.u32 $0x7, v3;
	v4 =	vand.u32 $0xFFFFFFC0, v11  }
0x13d: {  	v3 =	vor.u32 v3, v4  }
0x13e: {  	v4 =	vperm.xlane v3, v0;
	_ =	sdelay $0x1  }
0x13f: {  	v4 =	vadd.s32 v1, v4;
	_ =	sdelay $0x3  }
0x140: {  	s25 =	simm.s32 $0x14400  }
0x141: {  	[tilespmem:s25], [sflag:$0x3] =	stream.indirect_vreg.gather [hbm4b:s2+s3], $0x80, v4, vm0, $0xb8;
	[tilespmem:$0x18400] =	vst v63  }
0x142: {  	s28 =	simm.s32 $0x14C00;
	v3 =	vperm.xlane v3, v2  }
0x143: {  	[tilespmem:s28], [sflag:$0x3] =	stream.indirect_vreg.gather [hbm4b:s5+s3], $0x80, v4, vm0, $0xb8;
	[tilespmem:$0x18400] =	vst v63  }
0x144: {  	v3 =	vadd.s32 v1, v3;
	s28 =	simm.s32 $0x15400  }
0x145: {  	[tilespmem:s28], [sflag:$0x3] =	stream.indirect_vreg.gather [hbm4b:s6+s3], $0x80, v4, vm0, $0xb8;
	[tilespmem:$0x18400] =	vst v63  }
0x146: {  	s25 =	simm.s32 $0x15C00  }
0x147: {  	[tilespmem:s25], [sflag:$0x3] =	stream.indirect_vreg.gather [hbm4b:s7+s3], $0x80, v4, vm0, $0xb8;
	[tilespmem:$0x18400] =	vst v63  }
0x148: {  	s25 =	simm.s32 $0x16400  }
0x149: {  	[tilespmem:s25], [sflag:$0x3] =	stream.indirect_vreg.gather [hbm4b:s2+s3], $0x80, v3, vm0, $0xb8;
	[tilespmem:$0x18400] =	vst v63  }
0x14a: {  	s25 =	simm.s32 $0x16C00  }
0x14b: {  	[tilespmem:s25], [sflag:$0x3] =	stream.indirect_vreg.gather [hbm4b:s5+s3], $0x80, v3, vm0, $0xb8;
	[tilespmem:$0x18400] =	vst v63  }
0x14c: {  	s25 =	simm.s32 $0x17400  }
0x14d: {  	[tilespmem:s25], [sflag:$0x3] =	stream.indirect_vreg.gather [hbm4b:s6+s3], $0x80, v3, vm0, $0xb8;
	[tilespmem:$0x18400] =	vst v63  }
0x14e: {  	s25 =	simm.s32 $0x17C00  }
0x14f: {  	[tilespmem:s25], [sflag:$0x3] =	stream.indirect_vreg.gather [hbm4b:s7+s3], $0x80, v3, vm0, $0xb8;
	[tilespmem:$0x18400] =	vst v63  }
0x150: {  	_ =	swait.ge [sflag:s19], $0x8000  }
0x151: {  	[sflag:s19] =	ssyncset.done $0x0  }
0x152: {  	s0 =	simm.s32 $0x400;
	s25 =	rddreg [dreg:$0x7];
	[sflag:s19] =	ssyncadd.s32 $0xFFFF8000  }
0x153: {  	[hbm4b:s25+s3] =	stream.linear.scatter [tilespmem:s0], [sflag:$0x4], $0x8000, $0x38;
	[tilespmem:$0x18400] =	vst v63  }
0x154: {  	_ =	swait.ge [sflag:s20], $0x8000  }
0x155: {  	[sflag:s20] =	ssyncset.done $0x0  }
0x156: {  	[sflag:s20] =	ssyncadd.s32 $0xFFFF8000  }
0x157: {  	v3 =	vld [tilespmem:$0xC0];
	_ =	sdelay $0x4  }
0x158: {  	v12 =	vshll.u32 v3, $0x3  }
0x159: {  	v3 =	vand.u32 $0x7, v3;
	v4 =	vand.u32 $0xFFFFFFC0, v12  }
0x15a: {  	v3 =	vor.u32 v3, v4  }
0x15b: {  	v4 =	vperm.xlane v3, v0;
	_ =	sdelay $0x1  }
0x15c: {  	v4 =	vadd.s32 v1, v4;
	_ =	sdelay $0x4  }
0x15d: {  	[tilespmem:s0], [sflag:$0x1] =	stream.indirect_vreg.gather [hbm4b:s2+s3], $0x80, v4, vm0, $0xb8;
	[tilespmem:$0x18400] =	vst v63  }
0x15e: {  	s25 =	simm.s32 $0xC00;
	v3 =	vperm.xlane v3, v2  }
0x15f: {  	[tilespmem:s25], [sflag:$0x1] =	stream.indirect_vreg.gather [hbm4b:s5+s3], $0x80, v4, vm0, $0xb8;
	[tilespmem:$0x18400] =	vst v63  }
0x160: {  	v3 =	vadd.s32 v1, v3  }
0x161: {  	[tilespmem:s18], [sflag:$0x1] =	stream.indirect_vreg.gather [hbm4b:s6+s3], $0x80, v4, vm0, $0xb8;
	[tilespmem:$0x18400] =	vst v63  }
0x162: {  	_ = 	snop  }
0x163: {  	[tilespmem:s8], [sflag:$0x1] =	stream.indirect_vreg.gather [hbm4b:s7+s3], $0x80, v4, vm0, $0xb8;
	[tilespmem:$0x18400] =	vst v63  }
0x164: {  	_ = 	snop  }
0x165: {  	[tilespmem:s9], [sflag:$0x1] =	stream.indirect_vreg.gather [hbm4b:s2+s3], $0x80, v3, vm0, $0xb8;
	[tilespmem:$0x18400] =	vst v63  }
0x166: {  	_ = 	snop  }
0x167: {  	[tilespmem:s11], [sflag:$0x1] =	stream.indirect_vreg.gather [hbm4b:s5+s3], $0x80, v3, vm0, $0xb8;
	[tilespmem:$0x18400] =	vst v63  }
0x168: {  	_ = 	snop  }
0x169: {  	[tilespmem:s12], [sflag:$0x1] =	stream.indirect_vreg.gather [hbm4b:s6+s3], $0x80, v3, vm0, $0xb8;
	[tilespmem:$0x18400] =	vst v63  }
0x16a: {  	s12 =	simm.s32 $0x3C00  }
0x16b: {  	[tilespmem:s12], [sflag:$0x1] =	stream.indirect_vreg.gather [hbm4b:s7+s3], $0x80, v3, vm0, $0xb8;
	[tilespmem:$0x18400] =	vst v63  }
0x16c: {  	v3 =	vld [tilespmem:$0xD0];
	_ =	sdelay $0x4  }
0x16d: {  	v13 =	vshll.u32 v3, $0x3  }
0x16e: {  	v3 =	vand.u32 $0x7, v3;
	v4 =	vand.u32 $0xFFFFFFC0, v13  }
0x16f: {  	v3 =	vor.u32 v3, v4  }
0x170: {  	v4 =	vperm.xlane v3, v0;
	_ =	sdelay $0x1  }
0x171: {  	v4 =	vadd.s32 v1, v4;
	_ =	sdelay $0x3  }
0x172: {  	s18 =	simm.s32 $0x4400  }
0x173: {  	[tilespmem:s18], [sflag:$0x1] =	stream.indirect_vreg.gather [hbm4b:s2+s3], $0x80, v4, vm0, $0xb8;
	[tilespmem:$0x18400] =	vst v63  }
0x174: {  	s25 =	simm.s32 $0x4C00;
	v3 =	vperm.xlane v3, v2  }
0x175: {  	[tilespmem:s25], [sflag:$0x1] =	stream.indirect_vreg.gather [hbm4b:s5+s3], $0x80, v4, vm0, $0xb8;
	[tilespmem:$0x18400] =	vst v63  }
0x176: {  	v3 =	vadd.s32 v1, v3  }
0x177: {  	[tilespmem:s13], [sflag:$0x1] =	stream.indirect_vreg.gather [hbm4b:s6+s3], $0x80, v4, vm0, $0xb8;
	[tilespmem:$0x18400] =	vst v63  }
0x178: {  	_ = 	snop  }
0x179: {  	[tilespmem:s14], [sflag:$0x1] =	stream.indirect_vreg.gather [hbm4b:s7+s3], $0x80, v4, vm0, $0xb8;
	[tilespmem:$0x18400] =	vst v63  }
0x17a: {  	_ = 	snop  }
0x17b: {  	[tilespmem:s15], [sflag:$0x1] =	stream.indirect_vreg.gather [hbm4b:s2+s3], $0x80, v3, vm0, $0xb8;
	[tilespmem:$0x18400] =	vst v63  }
0x17c: {  	_ = 	snop  }
0x17d: {  	[tilespmem:s4], [sflag:$0x1] =	stream.indirect_vreg.gather [hbm4b:s5+s3], $0x80, v3, vm0, $0xb8;
	[tilespmem:$0x18400] =	vst v63  }
0x17e: {  	_ = 	snop  }
0x17f: {  	[tilespmem:s16], [sflag:$0x1] =	stream.indirect_vreg.gather [hbm4b:s6+s3], $0x80, v3, vm0, $0xb8;
	[tilespmem:$0x18400] =	vst v63  }
0x180: {  	_ = 	snop  }
0x181: {  	[tilespmem:s17], [sflag:$0x1] =	stream.indirect_vreg.gather [hbm4b:s7+s3], $0x80, v3, vm0, $0xb8;
	[tilespmem:$0x18400] =	vst v63  }
0x182: {  	_ =	swait.ge [sflag:s21], $0x8000  }
0x183: {  	[sflag:s21] =	ssyncset.done $0x0  }
0x184: {  	s4 =	simm.s32 $0x8400;
	s0 =	rddreg [dreg:$0x8];
	[sflag:s21] =	ssyncadd.s32 $0xFFFF8000  }
0x185: {  	[hbm4b:s0+s3] =	stream.linear.scatter [tilespmem:s4], [sflag:$0x5], $0x8000, $0x38;
	[tilespmem:$0x18400] =	vst v63  }
0x186: {  	_ =	swait.ge [sflag:s22], $0x8000  }
0x187: {  	[sflag:s22] =	ssyncset.done $0x0  }
0x188: {  	[sflag:s22] =	ssyncadd.s32 $0xFFFF8000  }
0x189: {  	v3 =	vld [tilespmem:$0xE0];
	_ =	sdelay $0x4  }
0x18a: {  	v14 =	vshll.u32 v3, $0x3  }
0x18b: {  	v3 =	vand.u32 $0x7, v3;
	v4 =	vand.u32 $0xFFFFFFC0, v14  }
0x18c: {  	v3 =	vor.u32 v3, v4  }
0x18d: {  	v4 =	vperm.xlane v3, v0;
	_ =	sdelay $0x1  }
0x18e: {  	v4 =	vadd.s32 v1, v4;
	_ =	sdelay $0x4  }
0x18f: {  	[tilespmem:s4], [sflag:$0x2] =	stream.indirect_vreg.gather [hbm4b:s2+s3], $0x80, v4, vm0, $0xb8;
	[tilespmem:$0x18400] =	vst v63  }
0x190: {  	s8 =	simm.s32 $0x8C00;
	v3 =	vperm.xlane v3, v2  }
0x191: {  	[tilespmem:s8], [sflag:$0x2] =	stream.indirect_vreg.gather [hbm4b:s5+s3], $0x80, v4, vm0, $0xb8;
	[tilespmem:$0x18400] =	vst v63  }
0x192: {  	v3 =	vadd.s32 v1, v3  }
0x193: {  	[tilespmem:s29], [sflag:$0x2] =	stream.indirect_vreg.gather [hbm4b:s6+s3], $0x80, v4, vm0, $0xb8;
	[tilespmem:$0x18400] =	vst v63  }
0x194: {  	s9 =	simm.s32 $0x9C00  }
0x195: {  	[tilespmem:s9], [sflag:$0x2] =	stream.indirect_vreg.gather [hbm4b:s7+s3], $0x80, v4, vm0, $0xb8;
	[tilespmem:$0x18400] =	vst v63  }
0x196: {  	s11 =	simm.s32 $0xA400  }
0x197: {  	[tilespmem:s11], [sflag:$0x2] =	stream.indirect_vreg.gather [hbm4b:s2+s3], $0x80, v3, vm0, $0xb8;
	[tilespmem:$0x18400] =	vst v63  }
0x198: {  	s12 =	simm.s32 $0xAC00  }
0x199: {  	[tilespmem:s12], [sflag:$0x2] =	stream.indirect_vreg.gather [hbm4b:s5+s3], $0x80, v3, vm0, $0xb8;
	[tilespmem:$0x18400] =	vst v63  }
0x19a: {  	s13 =	simm.s32 $0xB400  }
0x19b: {  	[tilespmem:s13], [sflag:$0x2] =	stream.indirect_vreg.gather [hbm4b:s6+s3], $0x80, v3, vm0, $0xb8;
	[tilespmem:$0x18400] =	vst v63  }
0x19c: {  	s15 =	simm.s32 $0xBC00  }
0x19d: {  	[tilespmem:s15], [sflag:$0x2] =	stream.indirect_vreg.gather [hbm4b:s7+s3], $0x80, v3, vm0, $0xb8;
	[tilespmem:$0x18400] =	vst v63  }
0x19e: {  	v3 =	vld [tilespmem:$0xF0];
	_ =	sdelay $0x4  }
0x19f: {  	v15 =	vshll.u32 v3, $0x3  }
0x1a0: {  	v3 =	vand.u32 $0x7, v3;
	v4 =	vand.u32 $0xFFFFFFC0, v15  }
0x1a1: {  	v3 =	vor.u32 v3, v4  }
0x1a2: {  	v4 =	vperm.xlane v3, v0;
	_ =	sdelay $0x1  }
0x1a3: {  	v4 =	vadd.s32 v1, v4;
	_ =	sdelay $0x3  }
0x1a4: {  	s16 =	simm.s32 $0xC400  }
0x1a5: {  	[tilespmem:s16], [sflag:$0x2] =	stream.indirect_vreg.gather [hbm4b:s2+s3], $0x80, v4, vm0, $0xb8;
	[tilespmem:$0x18400] =	vst v63  }
0x1a6: {  	s18 =	simm.s32 $0xCC00;
	v3 =	vperm.xlane v3, v2  }
0x1a7: {  	[tilespmem:s18], [sflag:$0x2] =	stream.indirect_vreg.gather [hbm4b:s5+s3], $0x80, v4, vm0, $0xb8;
	[tilespmem:$0x18400] =	vst v63  }
0x1a8: {  	s25 =	simm.s32 $0xD400;
	v3 =	vadd.s32 v1, v3  }
0x1a9: {  	[tilespmem:s25], [sflag:$0x2] =	stream.indirect_vreg.gather [hbm4b:s6+s3], $0x80, v4, vm0, $0xb8;
	[tilespmem:$0x18400] =	vst v63  }
0x1aa: {  	s29 =	simm.s32 $0xDC00  }
0x1ab: {  	[tilespmem:s29], [sflag:$0x2] =	stream.indirect_vreg.gather [hbm4b:s7+s3], $0x80, v4, vm0, $0xb8;
	[tilespmem:$0x18400] =	vst v63  }
0x1ac: {  	s4 =	simm.s32 $0xE400  }
0x1ad: {  	[tilespmem:s4], [sflag:$0x2] =	stream.indirect_vreg.gather [hbm4b:s2+s3], $0x80, v3, vm0, $0xb8;
	[tilespmem:$0x18400] =	vst v63  }
0x1ae: {  	s8 =	simm.s32 $0xEC00  }
0x1af: {  	[tilespmem:s8], [sflag:$0x2] =	stream.indirect_vreg.gather [hbm4b:s5+s3], $0x80, v3, vm0, $0xb8;
	[tilespmem:$0x18400] =	vst v63  }
0x1b0: {  	s9 =	simm.s32 $0xF400  }
0x1b1: {  	[tilespmem:s9], [sflag:$0x2] =	stream.indirect_vreg.gather [hbm4b:s6+s3], $0x80, v3, vm0, $0xb8;
	[tilespmem:$0x18400] =	vst v63  }
0x1b2: {  	s11 =	simm.s32 $0xFC00  }
0x1b3: {  	[tilespmem:s11], [sflag:$0x2] =	stream.indirect_vreg.gather [hbm4b:s7+s3], $0x80, v3, vm0, $0xb8;
	[tilespmem:$0x18400] =	vst v63  }
0x1b4: {  	_ =	swait.ge [sflag:s23], $0x8000  }
0x1b5: {  	[sflag:s23] =	ssyncset.done $0x0  }
0x1b6: {  	s13 =	simm.s32 $0x10400;
	s12 =	rddreg [dreg:$0x9];
	[sflag:s23] =	ssyncadd.s32 $0xFFFF8000  }
0x1b7: {  	[hbm4b:s12+s3] =	stream.linear.scatter [tilespmem:s13], [sflag:$0x6], $0x8000, $0x38;
	[tilespmem:$0x18400] =	vst v63  }
0x1b8: {  	_ =	swait.ge [sflag:s24], $0x8000  }
0x1b9: {  	[sflag:s24] =	ssyncset.done $0x0  }
0x1ba: {  	[sflag:s24] =	ssyncadd.s32 $0xFFFF8000  }
0x1bb: {  	v3 =	vld [tilespmem:$0x100];
	_ =	sdelay $0x4  }
0x1bc: {  	v16 =	vshll.u32 v3, $0x3  }
0x1bd: {  	v3 =	vand.u32 $0x7, v3;
	v4 =	vand.u32 $0xFFFFFFC0, v16  }
0x1be: {  	v3 =	vor.u32 v3, v4  }
0x1bf: {  	v4 =	vperm.xlane v3, v0;
	_ =	sdelay $0x1  }
0x1c0: {  	v4 =	vadd.s32 v1, v4;
	_ =	sdelay $0x4  }
0x1c1: {  	[tilespmem:s13], [sflag:$0x3] =	stream.indirect_vreg.gather [hbm4b:s2+s3], $0x80, v4, vm0, $0xb8;
	[tilespmem:$0x18400] =	vst v63  }
0x1c2: {  	s15 =	simm.s32 $0x10C00;
	v3 =	vperm.xlane v3, v2  }
0x1c3: {  	[tilespmem:s15], [sflag:$0x3] =	stream.indirect_vreg.gather [hbm4b:s5+s3], $0x80, v4, vm0, $0xb8;
	[tilespmem:$0x18400] =	vst v63  }
0x1c4: {  	v3 =	vadd.s32 v1, v3  }
0x1c5: {  	[tilespmem:s30], [sflag:$0x3] =	stream.indirect_vreg.gather [hbm4b:s6+s3], $0x80, v4, vm0, $0xb8;
	[tilespmem:$0x18400] =	vst v63  }
0x1c6: {  	_ = 	snop  }
0x1c7: {  	[tilespmem:s31], [sflag:$0x3] =	stream.indirect_vreg.gather [hbm4b:s7+s3], $0x80, v4, vm0, $0xb8;
	[tilespmem:$0x18400] =	vst v63  }
0x1c8: {  	_ = 	snop  }
0x1c9: {  	[tilespmem:s10], [sflag:$0x3] =	stream.indirect_vreg.gather [hbm4b:s2+s3], $0x80, v3, vm0, $0xb8;
	[tilespmem:$0x18400] =	vst v63  }
0x1ca: {  	_ = 	snop  }
0x1cb: {  	[tilespmem:s1], [sflag:$0x3] =	stream.indirect_vreg.gather [hbm4b:s5+s3], $0x80, v3, vm0, $0xb8;
	[tilespmem:$0x18400] =	vst v63  }
0x1cc: {  	_ = 	snop  }
0x1cd: {  	[tilespmem:s26], [sflag:$0x3] =	stream.indirect_vreg.gather [hbm4b:s6+s3], $0x80, v3, vm0, $0xb8;
	[tilespmem:$0x18400] =	vst v63  }
0x1ce: {  	s16 =	simm.s32 $0x13C00  }
0x1cf: {  	[tilespmem:s16], [sflag:$0x3] =	stream.indirect_vreg.gather [hbm4b:s7+s3], $0x80, v3, vm0, $0xb8;
	[tilespmem:$0x18400] =	vst v63  }
0x1d0: {  	v3 =	vld [tilespmem:$0x110];
	_ =	sdelay $0x4  }
0x1d1: {  	v17 =	vshll.u32 v3, $0x3  }
0x1d2: {  	v3 =	vand.u32 $0x7, v3;
	v4 =	vand.u32 $0xFFFFFFC0, v17  }
0x1d3: {  	v3 =	vor.u32 v3, v4  }
0x1d4: {  	v4 =	vperm.xlane v3, v0;
	_ =	sdelay $0x1  }
0x1d5: {  	v4 =	vadd.s32 v1, v4;
	_ =	sdelay $0x3  }
0x1d6: {  	s9 =	simm.s32 $0x14400  }
0x1d7: {  	[tilespmem:s9], [sflag:$0x3] =	stream.indirect_vreg.gather [hbm4b:s2+s3], $0x80, v4, vm0, $0xb8;
	[tilespmem:$0x18400] =	vst v63  }
0x1d8: {  	s10 =	simm.s32 $0x14C00;
	v3 =	vperm.xlane v3, v2  }
0x1d9: {  	[tilespmem:s10], [sflag:$0x3] =	stream.indirect_vreg.gather [hbm4b:s5+s3], $0x80, v4, vm0, $0xb8;
	[tilespmem:$0x18400] =	vst v63  }
0x1da: {  	v3 =	vadd.s32 v1, v3  }
0x1db: {  	[tilespmem:s28], [sflag:$0x3] =	stream.indirect_vreg.gather [hbm4b:s6+s3], $0x80, v4, vm0, $0xb8;
	[tilespmem:$0x18400] =	vst v63  }
0x1dc: {  	s28 =	simm.s32 $0x15C00  }
0x1dd: {  	[tilespmem:s28], [sflag:$0x3] =	stream.indirect_vreg.gather [hbm4b:s7+s3], $0x80, v4, vm0, $0xb8;
	[tilespmem:$0x18400] =	vst v63  }
0x1de: {  	s1 =	simm.s32 $0x16400  }
0x1df: {  	[tilespmem:s1], [sflag:$0x3] =	stream.indirect_vreg.gather [hbm4b:s2+s3], $0x80, v3, vm0, $0xb8;
	[tilespmem:$0x18400] =	vst v63  }
0x1e0: {  	s4 =	simm.s32 $0x16C00  }
0x1e1: {  	[tilespmem:s4], [sflag:$0x3] =	stream.indirect_vreg.gather [hbm4b:s5+s3], $0x80, v3, vm0, $0xb8;
	[tilespmem:$0x18400] =	vst v63  }
0x1e2: {  	s8 =	simm.s32 $0x17400  }
0x1e3: {  	[tilespmem:s8], [sflag:$0x3] =	stream.indirect_vreg.gather [hbm4b:s6+s3], $0x80, v3, vm0, $0xb8;
	[tilespmem:$0x18400] =	vst v63  }
0x1e4: {  	s11 =	simm.s32 $0x17C00  }
0x1e5: {  	[tilespmem:s11], [sflag:$0x3] =	stream.indirect_vreg.gather [hbm4b:s7+s3], $0x80, v3, vm0, $0xb8;
	[tilespmem:$0x18400] =	vst v63  }
0x1e6: {  	_ =	swait.ge [sflag:s19], $0x8000  }
0x1e7: {  	[sflag:s19] =	ssyncset.done $0x0  }
0x1e8: {  	s26 =	simm.s32 $0x400;
	s18 =	rddreg [dreg:$0xa];
	[sflag:s19] =	ssyncadd.s32 $0xFFFF8000  }
0x1e9: {  	[hbm4b:s18+s3] =	stream.linear.scatter [tilespmem:s26], [sflag:$0x4], $0x8000, $0x38;
	[tilespmem:$0x18400] =	vst v63  }
0x1ea: {  	_ =	swait.ge [sflag:s20], $0x8000  }
0x1eb: {  	[sflag:s20] =	ssyncset.done $0x0  }
0x1ec: {  	[sflag:s20] =	ssyncadd.s32 $0xFFFF8000  }
0x1ed: {  	v3 =	vld [tilespmem:$0x120];
	_ =	sdelay $0x4  }
0x1ee: {  	v18 =	vshll.u32 v3, $0x3  }
0x1ef: {  	v3 =	vand.u32 $0x7, v3;
	v4 =	vand.u32 $0xFFFFFFC0, v18  }
0x1f0: {  	v3 =	vor.u32 v3, v4  }
0x1f1: {  	v4 =	vperm.xlane v3, v0;
	_ =	sdelay $0x1  }
0x1f2: {  	v4 =	vadd.s32 v1, v4;
	_ =	sdelay $0x4  }
0x1f3: {  	[tilespmem:s26], [sflag:$0x1] =	stream.indirect_vreg.gather [hbm4b:s2+s3], $0x80, v4, vm0, $0xb8;
	[tilespmem:$0x18400] =	vst v63  }
0x1f4: {  	s29 =	simm.s32 $0xC00;
	v3 =	vperm.xlane v3, v2  }
0x1f5: {  	[tilespmem:s29], [sflag:$0x1] =	stream.indirect_vreg.gather [hbm4b:s5+s3], $0x80, v4, vm0, $0xb8;
	[tilespmem:$0x18400] =	vst v63  }
0x1f6: {  	s15 =	simm.s32 $0x1400;
	v3 =	vadd.s32 v1, v3  }
0x1f7: {  	[tilespmem:s15], [sflag:$0x1] =	stream.indirect_vreg.gather [hbm4b:s6+s3], $0x80, v4, vm0, $0xb8;
	[tilespmem:$0x18400] =	vst v63  }
0x1f8: {  	s16 =	simm.s32 $0x1C00  }
0x1f9: {  	[tilespmem:s16], [sflag:$0x1] =	stream.indirect_vreg.gather [hbm4b:s7+s3], $0x80, v4, vm0, $0xb8;
	[tilespmem:$0x18400] =	vst v63  }
0x1fa: {  	s18 =	simm.s32 $0x2400  }
0x1fb: {  	[tilespmem:s18], [sflag:$0x1] =	stream.indirect_vreg.gather [hbm4b:s2+s3], $0x80, v3, vm0, $0xb8;
	[tilespmem:$0x18400] =	vst v63  }
0x1fc: {  	s26 =	simm.s32 $0x2C00  }
0x1fd: {  	[tilespmem:s26], [sflag:$0x1] =	stream.indirect_vreg.gather [hbm4b:s5+s3], $0x80, v3, vm0, $0xb8;
	[tilespmem:$0x18400] =	vst v63  }
0x1fe: {  	s29 =	simm.s32 $0x3400  }
0x1ff: {  	[tilespmem:s29], [sflag:$0x1] =	stream.indirect_vreg.gather [hbm4b:s6+s3], $0x80, v3, vm0, $0xb8;
	[tilespmem:$0x18400] =	vst v63  }
0x200: {  	s30 =	simm.s32 $0x3C00  }
0x201: {  	[tilespmem:s30], [sflag:$0x1] =	stream.indirect_vreg.gather [hbm4b:s7+s3], $0x80, v3, vm0, $0xb8;
	[tilespmem:$0x18400] =	vst v63  }
0x202: {  	v3 =	vld [tilespmem:$0x130];
	_ =	sdelay $0x4  }
0x203: {  	v19 =	vshll.u32 v3, $0x3  }
0x204: {  	v3 =	vand.u32 $0x7, v3;
	v4 =	vand.u32 $0xFFFFFFC0, v19  }
0x205: {  	v3 =	vor.u32 v3, v4  }
0x206: {  	v4 =	vperm.xlane v3, v0;
	_ =	sdelay $0x1  }
0x207: {  	v4 =	vadd.s32 v1, v4;
	_ =	sdelay $0x3  }
0x208: {  	s31 =	simm.s32 $0x4400  }
0x209: {  	[tilespmem:s31], [sflag:$0x1] =	stream.indirect_vreg.gather [hbm4b:s2+s3], $0x80, v4, vm0, $0xb8;
	[tilespmem:$0x18400] =	vst v63  }
0x20a: {  	s12 =	simm.s32 $0x4C00;
	v3 =	vperm.xlane v3, v2  }
0x20b: {  	[tilespmem:s12], [sflag:$0x1] =	stream.indirect_vreg.gather [hbm4b:s5+s3], $0x80, v4, vm0, $0xb8;
	[tilespmem:$0x18400] =	vst v63  }
0x20c: {  	s30 =	simm.s32 $0x5400;
	v3 =	vadd.s32 v1, v3  }
0x20d: {  	[tilespmem:s30], [sflag:$0x1] =	stream.indirect_vreg.gather [hbm4b:s6+s3], $0x80, v4, vm0, $0xb8;
	[tilespmem:$0x18400] =	vst v63  }
0x20e: {  	s14 =	simm.s32 $0x5C00  }
0x20f: {  	[tilespmem:s14], [sflag:$0x1] =	stream.indirect_vreg.gather [hbm4b:s7+s3], $0x80, v4, vm0, $0xb8;
	[tilespmem:$0x18400] =	vst v63  }
0x210: {  	s31 =	simm.s32 $0x6400  }
0x211: {  	[tilespmem:s31], [sflag:$0x1] =	stream.indirect_vreg.gather [hbm4b:s2+s3], $0x80, v3, vm0, $0xb8;
	[tilespmem:$0x18400] =	vst v63  }
0x212: {  	s13 =	simm.s32 $0x6C00  }
0x213: {  	[tilespmem:s13], [sflag:$0x1] =	stream.indirect_vreg.gather [hbm4b:s5+s3], $0x80, v3, vm0, $0xb8;
	[tilespmem:$0x18400] =	vst v63  }
0x214: {  	s12 =	simm.s32 $0x7400  }
0x215: {  	[tilespmem:s12], [sflag:$0x1] =	stream.indirect_vreg.gather [hbm4b:s6+s3], $0x80, v3, vm0, $0xb8;
	[tilespmem:$0x18400] =	vst v63  }
0x216: {  	s13 =	simm.s32 $0x7C00  }
0x217: {  	[tilespmem:s13], [sflag:$0x1] =	stream.indirect_vreg.gather [hbm4b:s7+s3], $0x80, v3, vm0, $0xb8;
	[tilespmem:$0x18400] =	vst v63  }
0x218: {  	_ =	swait.ge [sflag:s21], $0x8000  }
0x219: {  	[sflag:s21] =	ssyncset.done $0x0  }
0x21a: {  	s0 =	simm.s32 $0x8400;
	s14 =	rddreg [dreg:$0xb];
	[sflag:s21] =	ssyncadd.s32 $0xFFFF8000  }
0x21b: {  	[hbm4b:s14+s3] =	stream.linear.scatter [tilespmem:s0], [sflag:$0x5], $0x8000, $0x38;
	[tilespmem:$0x18400] =	vst v63  }
0x21c: {  	_ =	swait.ge [sflag:s22], $0x8000  }
0x21d: {  	[sflag:s22] =	ssyncset.done $0x0  }
0x21e: {  	[sflag:s22] =	ssyncadd.s32 $0xFFFF8000  }
0x21f: {  	v3 =	vld [tilespmem:$0x140];
	_ =	sdelay $0x4  }
0x220: {  	v20 =	vshll.u32 v3, $0x3  }
0x221: {  	v3 =	vand.u32 $0x7, v3;
	v4 =	vand.u32 $0xFFFFFFC0, v20  }
0x222: {  	v3 =	vor.u32 v3, v4  }
0x223: {  	v4 =	vperm.xlane v3, v0;
	_ =	sdelay $0x1  }
0x224: {  	v4 =	vadd.s32 v1, v4;
	_ =	sdelay $0x4  }
0x225: {  	[tilespmem:s0], [sflag:$0x2] =	stream.indirect_vreg.gather [hbm4b:s2+s3], $0x80, v4, vm0, $0xb8;
	[tilespmem:$0x18400] =	vst v63  }
0x226: {  	s17 =	simm.s32 $0x8C00;
	v3 =	vperm.xlane v3, v2  }
0x227: {  	[tilespmem:s17], [sflag:$0x2] =	stream.indirect_vreg.gather [hbm4b:s5+s3], $0x80, v4, vm0, $0xb8;
	[tilespmem:$0x18400] =	vst v63  }
0x228: {  	s14 =	simm.s32 $0x9400;
	v3 =	vadd.s32 v1, v3  }
0x229: {  	[tilespmem:s14], [sflag:$0x2] =	stream.indirect_vreg.gather [hbm4b:s6+s3], $0x80, v4, vm0, $0xb8;
	[tilespmem:$0x18400] =	vst v63  }
0x22a: {  	s17 =	simm.s32 $0x9C00  }
0x22b: {  	[tilespmem:s17], [sflag:$0x2] =	stream.indirect_vreg.gather [hbm4b:s7+s3], $0x80, v4, vm0, $0xb8;
	[tilespmem:$0x18400] =	vst v63  }
0x22c: {  	s25 =	simm.s32 $0xA400  }
0x22d: {  	[tilespmem:s25], [sflag:$0x2] =	stream.indirect_vreg.gather [hbm4b:s2+s3], $0x80, v3, vm0, $0xb8;
	[tilespmem:$0x18400] =	vst v63  }
0x22e: {  	s25 =	simm.s32 $0xAC00  }
0x22f: {  	[tilespmem:s25], [sflag:$0x2] =	stream.indirect_vreg.gather [hbm4b:s5+s3], $0x80, v3, vm0, $0xb8;
	[tilespmem:$0x18400] =	vst v63  }
0x230: {  	s25 =	simm.s32 $0xB400  }
0x231: {  	[tilespmem:s25], [sflag:$0x2] =	stream.indirect_vreg.gather [hbm4b:s6+s3], $0x80, v3, vm0, $0xb8;
	[tilespmem:$0x18400] =	vst v63  }
0x232: {  	s25 =	simm.s32 $0xBC00  }
0x233: {  	[tilespmem:s25], [sflag:$0x2] =	stream.indirect_vreg.gather [hbm4b:s7+s3], $0x80, v3, vm0, $0xb8;
	[tilespmem:$0x18400] =	vst v63  }
0x234: {  	v3 =	vld [tilespmem:$0x150];
	_ =	sdelay $0x4  }
0x235: {  	v21 =	vshll.u32 v3, $0x3  }
0x236: {  	v3 =	vand.u32 $0x7, v3;
	v4 =	vand.u32 $0xFFFFFFC0, v21  }
0x237: {  	v3 =	vor.u32 v3, v4  }
0x238: {  	v4 =	vperm.xlane v3, v0;
	_ =	sdelay $0x1  }
0x239: {  	v4 =	vadd.s32 v1, v4;
	_ =	sdelay $0x3  }
0x23a: {  	s25 =	simm.s32 $0xC400  }
0x23b: {  	[tilespmem:s25], [sflag:$0x2] =	stream.indirect_vreg.gather [hbm4b:s2+s3], $0x80, v4, vm0, $0xb8;
	[tilespmem:$0x18400] =	vst v63  }
0x23c: {  	v3 =	vperm.xlane v3, v2;
	s25 =	simm.s32 $0xCC00  }
0x23d: {  	[tilespmem:s25], [sflag:$0x2] =	stream.indirect_vreg.gather [hbm4b:s5+s3], $0x80, v4, vm0, $0xb8;
	[tilespmem:$0x18400] =	vst v63  }
0x23e: {  	v3 =	vadd.s32 v1, v3;
	s25 =	simm.s32 $0xD400  }
0x23f: {  	[tilespmem:s25], [sflag:$0x2] =	stream.indirect_vreg.gather [hbm4b:s6+s3], $0x80, v4, vm0, $0xb8;
	[tilespmem:$0x18400] =	vst v63  }
0x240: {  	s25 =	simm.s32 $0xDC00  }
0x241: {  	[tilespmem:s25], [sflag:$0x2] =	stream.indirect_vreg.gather [hbm4b:s7+s3], $0x80, v4, vm0, $0xb8;
	[tilespmem:$0x18400] =	vst v63  }
0x242: {  	s25 =	simm.s32 $0xE400  }
0x243: {  	[tilespmem:s25], [sflag:$0x2] =	stream.indirect_vreg.gather [hbm4b:s2+s3], $0x80, v3, vm0, $0xb8;
	[tilespmem:$0x18400] =	vst v63  }
0x244: {  	s25 =	simm.s32 $0xEC00  }
0x245: {  	[tilespmem:s25], [sflag:$0x2] =	stream.indirect_vreg.gather [hbm4b:s5+s3], $0x80, v3, vm0, $0xb8;
	[tilespmem:$0x18400] =	vst v63  }
0x246: {  	s25 =	simm.s32 $0xF400  }
0x247: {  	[tilespmem:s25], [sflag:$0x2] =	stream.indirect_vreg.gather [hbm4b:s6+s3], $0x80, v3, vm0, $0xb8;
	[tilespmem:$0x18400] =	vst v63  }
0x248: {  	s25 =	simm.s32 $0xFC00  }
0x249: {  	[tilespmem:s25], [sflag:$0x2] =	stream.indirect_vreg.gather [hbm4b:s7+s3], $0x80, v3, vm0, $0xb8;
	[tilespmem:$0x18400] =	vst v63  }
0x24a: {  	_ =	swait.ge [sflag:s23], $0x8000  }
0x24b: {  	[sflag:s23] =	ssyncset.done $0x0  }
0x24c: {  	s0 =	simm.s32 $0x10400;
	s25 =	rddreg [dreg:$0xc];
	[sflag:s23] =	ssyncadd.s32 $0xFFFF8000  }
0x24d: {  	[hbm4b:s25+s3] =	stream.linear.scatter [tilespmem:s0], [sflag:$0x6], $0x8000, $0x38;
	[tilespmem:$0x18400] =	vst v63  }
0x24e: {  	_ =	swait.ge [sflag:s24], $0x8000  }
0x24f: {  	[sflag:s24] =	ssyncset.done $0x0  }
0x250: {  	[sflag:s24] =	ssyncadd.s32 $0xFFFF8000  }
0x251: {  	v3 =	vld [tilespmem:$0x160];
	_ =	sdelay $0x4  }
0x252: {  	v22 =	vshll.u32 v3, $0x3  }
0x253: {  	v3 =	vand.u32 $0x7, v3;
	v4 =	vand.u32 $0xFFFFFFC0, v22  }
0x254: {  	v3 =	vor.u32 v3, v4  }
0x255: {  	v4 =	vperm.xlane v3, v0;
	_ =	sdelay $0x1  }
0x256: {  	v4 =	vadd.s32 v1, v4;
	_ =	sdelay $0x4  }
0x257: {  	[tilespmem:s0], [sflag:$0x3] =	stream.indirect_vreg.gather [hbm4b:s2+s3], $0x80, v4, vm0, $0xb8;
	[tilespmem:$0x18400] =	vst v63  }
0x258: {  	s25 =	simm.s32 $0x10C00;
	v3 =	vperm.xlane v3, v2  }
0x259: {  	[tilespmem:s25], [sflag:$0x3] =	stream.indirect_vreg.gather [hbm4b:s5+s3], $0x80, v4, vm0, $0xb8;
	[tilespmem:$0x18400] =	vst v63  }
0x25a: {  	v3 =	vadd.s32 v1, v3;
	s25 =	simm.s32 $0x11400  }
0x25b: {  	[tilespmem:s25], [sflag:$0x3] =	stream.indirect_vreg.gather [hbm4b:s6+s3], $0x80, v4, vm0, $0xb8;
	[tilespmem:$0x18400] =	vst v63  }
0x25c: {  	s25 =	simm.s32 $0x11C00  }
0x25d: {  	[tilespmem:s25], [sflag:$0x3] =	stream.indirect_vreg.gather [hbm4b:s7+s3], $0x80, v4, vm0, $0xb8;
	[tilespmem:$0x18400] =	vst v63  }
0x25e: {  	s25 =	simm.s32 $0x12400  }
0x25f: {  	[tilespmem:s25], [sflag:$0x3] =	stream.indirect_vreg.gather [hbm4b:s2+s3], $0x80, v3, vm0, $0xb8;
	[tilespmem:$0x18400] =	vst v63  }
0x260: {  	s25 =	simm.s32 $0x12C00  }
0x261: {  	[tilespmem:s25], [sflag:$0x3] =	stream.indirect_vreg.gather [hbm4b:s5+s3], $0x80, v3, vm0, $0xb8;
	[tilespmem:$0x18400] =	vst v63  }
0x262: {  	s25 =	simm.s32 $0x13400  }
0x263: {  	[tilespmem:s25], [sflag:$0x3] =	stream.indirect_vreg.gather [hbm4b:s6+s3], $0x80, v3, vm0, $0xb8;
	[tilespmem:$0x18400] =	vst v63  }
0x264: {  	s25 =	simm.s32 $0x13C00  }
0x265: {  	[tilespmem:s25], [sflag:$0x3] =	stream.indirect_vreg.gather [hbm4b:s7+s3], $0x80, v3, vm0, $0xb8;
	[tilespmem:$0x18400] =	vst v63  }
0x266: {  	v3 =	vld [tilespmem:$0x170];
	_ =	sdelay $0x4  }
0x267: {  	v23 =	vshll.u32 v3, $0x3  }
0x268: {  	v3 =	vand.u32 $0x7, v3;
	v4 =	vand.u32 $0xFFFFFFC0, v23  }
0x269: {  	v3 =	vor.u32 v3, v4  }
0x26a: {  	v4 =	vperm.xlane v3, v0;
	_ =	sdelay $0x1  }
0x26b: {  	v4 =	vadd.s32 v1, v4;
	_ =	sdelay $0x4  }
0x26c: {  	[tilespmem:s9], [sflag:$0x3] =	stream.indirect_vreg.gather [hbm4b:s2+s3], $0x80, v4, vm0, $0xb8;
	[tilespmem:$0x18400] =	vst v63  }
0x26d: {  	v3 =	vperm.xlane v3, v2  }
0x26e: {  	[tilespmem:s10], [sflag:$0x3] =	stream.indirect_vreg.gather [hbm4b:s5+s3], $0x80, v4, vm0, $0xb8;
	[tilespmem:$0x18400] =	vst v63  }
0x26f: {  	v3 =	vadd.s32 v1, v3;
	s10 =	simm.s32 $0x15400  }
0x270: {  	[tilespmem:s10], [sflag:$0x3] =	stream.indirect_vreg.gather [hbm4b:s6+s3], $0x80, v4, vm0, $0xb8;
	[tilespmem:$0x18400] =	vst v63  }
0x271: {  	_ = 	snop  }
0x272: {  	[tilespmem:s28], [sflag:$0x3] =	stream.indirect_vreg.gather [hbm4b:s7+s3], $0x80, v4, vm0, $0xb8;
	[tilespmem:$0x18400] =	vst v63  }
0x273: {  	_ = 	snop  }
0x274: {  	[tilespmem:s1], [sflag:$0x3] =	stream.indirect_vreg.gather [hbm4b:s2+s3], $0x80, v3, vm0, $0xb8;
	[tilespmem:$0x18400] =	vst v63  }
0x275: {  	_ = 	snop  }
0x276: {  	[tilespmem:s4], [sflag:$0x3] =	stream.indirect_vreg.gather [hbm4b:s5+s3], $0x80, v3, vm0, $0xb8;
	[tilespmem:$0x18400] =	vst v63  }
0x277: {  	_ = 	snop  }
0x278: {  	[tilespmem:s8], [sflag:$0x3] =	stream.indirect_vreg.gather [hbm4b:s6+s3], $0x80, v3, vm0, $0xb8;
	[tilespmem:$0x18400] =	vst v63  }
0x279: {  	_ = 	snop  }
0x27a: {  	[tilespmem:s11], [sflag:$0x3] =	stream.indirect_vreg.gather [hbm4b:s7+s3], $0x80, v3, vm0, $0xb8;
	[tilespmem:$0x18400] =	vst v63  }
0x27b: {  	_ =	swait.ge [sflag:s19], $0x8000  }
0x27c: {  	[sflag:s19] =	ssyncset.done $0x0  }
0x27d: {  	s8 =	simm.s32 $0x400;
	s4 =	rddreg [dreg:$0xd];
	[sflag:s19] =	ssyncadd.s32 $0xFFFF8000  }
0x27e: {  	[hbm4b:s4+s3] =	stream.linear.scatter [tilespmem:s8], [sflag:$0x4], $0x8000, $0x38;
	[tilespmem:$0x18400] =	vst v63  }
0x27f: {  	_ =	swait.ge [sflag:s20], $0x8000  }
0x280: {  	[sflag:s20] =	ssyncset.done $0x0  }
0x281: {  	[sflag:s20] =	ssyncadd.s32 $0xFFFF8000  }
0x282: {  	v3 =	vld [tilespmem:$0x180];
	_ =	sdelay $0x4  }
0x283: {  	v24 =	vshll.u32 v3, $0x3  }
0x284: {  	v3 =	vand.u32 $0x7, v3;
	v4 =	vand.u32 $0xFFFFFFC0, v24  }
0x285: {  	v3 =	vor.u32 v3, v4  }
0x286: {  	v4 =	vperm.xlane v3, v0;
	_ =	sdelay $0x1  }
0x287: {  	v4 =	vadd.s32 v1, v4;
	_ =	sdelay $0x4  }
0x288: {  	[tilespmem:s8], [sflag:$0x1] =	stream.indirect_vreg.gather [hbm4b:s2+s3], $0x80, v4, vm0, $0xb8;
	[tilespmem:$0x18400] =	vst v63  }
0x289: {  	s11 =	simm.s32 $0xC00;
	v3 =	vperm.xlane v3, v2  }
0x28a: {  	[tilespmem:s11], [sflag:$0x1] =	stream.indirect_vreg.gather [hbm4b:s5+s3], $0x80, v4, vm0, $0xb8;
	[tilespmem:$0x18400] =	vst v63  }
0x28b: {  	v3 =	vadd.s32 v1, v3  }
0x28c: {  	[tilespmem:s15], [sflag:$0x1] =	stream.indirect_vreg.gather [hbm4b:s6+s3], $0x80, v4, vm0, $0xb8;
	[tilespmem:$0x18400] =	vst v63  }
0x28d: {  	_ = 	snop  }
0x28e: {  	[tilespmem:s16], [sflag:$0x1] =	stream.indirect_vreg.gather [hbm4b:s7+s3], $0x80, v4, vm0, $0xb8;
	[tilespmem:$0x18400] =	vst v63  }
0x28f: {  	_ = 	snop  }
0x290: {  	[tilespmem:s18], [sflag:$0x1] =	stream.indirect_vreg.gather [hbm4b:s2+s3], $0x80, v3, vm0, $0xb8;
	[tilespmem:$0x18400] =	vst v63  }
0x291: {  	_ = 	snop  }
0x292: {  	[tilespmem:s26], [sflag:$0x1] =	stream.indirect_vreg.gather [hbm4b:s5+s3], $0x80, v3, vm0, $0xb8;
	[tilespmem:$0x18400] =	vst v63  }
0x293: {  	_ = 	snop  }
0x294: {  	[tilespmem:s29], [sflag:$0x1] =	stream.indirect_vreg.gather [hbm4b:s6+s3], $0x80, v3, vm0, $0xb8;
	[tilespmem:$0x18400] =	vst v63  }
0x295: {  	s0 =	simm.s32 $0x3C00  }
0x296: {  	[tilespmem:s0], [sflag:$0x1] =	stream.indirect_vreg.gather [hbm4b:s7+s3], $0x80, v3, vm0, $0xb8;
	[tilespmem:$0x18400] =	vst v63  }
0x297: {  	v3 =	vld [tilespmem:$0x190];
	_ =	sdelay $0x4  }
0x298: {  	v25 =	vshll.u32 v3, $0x3  }
0x299: {  	v3 =	vand.u32 $0x7, v3;
	v4 =	vand.u32 $0xFFFFFFC0, v25  }
0x29a: {  	v3 =	vor.u32 v3, v4  }
0x29b: {  	v4 =	vperm.xlane v3, v0;
	_ =	sdelay $0x1  }
0x29c: {  	v4 =	vadd.s32 v1, v4;
	_ =	sdelay $0x3  }
0x29d: {  	s4 =	simm.s32 $0x4400  }
0x29e: {  	[tilespmem:s4], [sflag:$0x1] =	stream.indirect_vreg.gather [hbm4b:s2+s3], $0x80, v4, vm0, $0xb8;
	[tilespmem:$0x18400] =	vst v63  }
0x29f: {  	s8 =	simm.s32 $0x4C00;
	v3 =	vperm.xlane v3, v2  }
0x2a0: {  	[tilespmem:s8], [sflag:$0x1] =	stream.indirect_vreg.gather [hbm4b:s5+s3], $0x80, v4, vm0, $0xb8;
	[tilespmem:$0x18400] =	vst v63  }
0x2a1: {  	v3 =	vadd.s32 v1, v3  }
0x2a2: {  	[tilespmem:s30], [sflag:$0x1] =	stream.indirect_vreg.gather [hbm4b:s6+s3], $0x80, v4, vm0, $0xb8;
	[tilespmem:$0x18400] =	vst v63  }
0x2a3: {  	s26 =	simm.s32 $0x5C00  }
0x2a4: {  	[tilespmem:s26], [sflag:$0x1] =	stream.indirect_vreg.gather [hbm4b:s7+s3], $0x80, v4, vm0, $0xb8;
	[tilespmem:$0x18400] =	vst v63  }
0x2a5: {  	_ = 	snop  }
0x2a6: {  	[tilespmem:s31], [sflag:$0x1] =	stream.indirect_vreg.gather [hbm4b:s2+s3], $0x80, v3, vm0, $0xb8;
	[tilespmem:$0x18400] =	vst v63  }
0x2a7: {  	s9 =	simm.s32 $0x6C00  }
0x2a8: {  	[tilespmem:s9], [sflag:$0x1] =	stream.indirect_vreg.gather [hbm4b:s5+s3], $0x80, v3, vm0, $0xb8;
	[tilespmem:$0x18400] =	vst v63  }
0x2a9: {  	_ = 	snop  }
0x2aa: {  	[tilespmem:s12], [sflag:$0x1] =	stream.indirect_vreg.gather [hbm4b:s6+s3], $0x80, v3, vm0, $0xb8;
	[tilespmem:$0x18400] =	vst v63  }
0x2ab: {  	_ = 	snop  }
0x2ac: {  	[tilespmem:s13], [sflag:$0x1] =	stream.indirect_vreg.gather [hbm4b:s7+s3], $0x80, v3, vm0, $0xb8;
	[tilespmem:$0x18400] =	vst v63  }
0x2ad: {  	_ =	swait.ge [sflag:s21], $0x8000  }
0x2ae: {  	[sflag:s21] =	ssyncset.done $0x0  }
0x2af: {  	s18 =	simm.s32 $0x8400;
	s16 =	rddreg [dreg:$0xe];
	[sflag:s21] =	ssyncadd.s32 $0xFFFF8000  }
0x2b0: {  	[hbm4b:s16+s3] =	stream.linear.scatter [tilespmem:s18], [sflag:$0x5], $0x8000, $0x38;
	[tilespmem:$0x18400] =	vst v63  }
0x2b1: {  	_ =	swait.ge [sflag:s22], $0x8000  }
0x2b2: {  	[sflag:s22] =	ssyncset.done $0x0  }
0x2b3: {  	[sflag:s22] =	ssyncadd.s32 $0xFFFF8000  }
0x2b4: {  	v3 =	vld [tilespmem:$0x1A0];
	_ =	sdelay $0x4  }
0x2b5: {  	v26 =	vshll.u32 v3, $0x3  }
0x2b6: {  	v3 =	vand.u32 $0x7, v3;
	v4 =	vand.u32 $0xFFFFFFC0, v26  }
0x2b7: {  	v3 =	vor.u32 v3, v4  }
0x2b8: {  	v4 =	vperm.xlane v3, v0;
	_ =	sdelay $0x1  }
0x2b9: {  	v4 =	vadd.s32 v1, v4;
	_ =	sdelay $0x4  }
0x2ba: {  	[tilespmem:s18], [sflag:$0x2] =	stream.indirect_vreg.gather [hbm4b:s2+s3], $0x80, v4, vm0, $0xb8;
	[tilespmem:$0x18400] =	vst v63  }
0x2bb: {  	s28 =	simm.s32 $0x8C00;
	v3 =	vperm.xlane v3, v2  }
0x2bc: {  	[tilespmem:s28], [sflag:$0x2] =	stream.indirect_vreg.gather [hbm4b:s5+s3], $0x80, v4, vm0, $0xb8;
	[tilespmem:$0x18400] =	vst v63  }
0x2bd: {  	v3 =	vadd.s32 v1, v3  }
0x2be: {  	[tilespmem:s14], [sflag:$0x2] =	stream.indirect_vreg.gather [hbm4b:s6+s3], $0x80, v4, vm0, $0xb8;
	[tilespmem:$0x18400] =	vst v63  }
0x2bf: {  	_ = 	snop  }
0x2c0: {  	[tilespmem:s17], [sflag:$0x2] =	stream.indirect_vreg.gather [hbm4b:s7+s3], $0x80, v4, vm0, $0xb8;
	[tilespmem:$0x18400] =	vst v63  }
0x2c1: {  	s25 =	simm.s32 $0xA400  }
0x2c2: {  	[tilespmem:s25], [sflag:$0x2] =	stream.indirect_vreg.gather [hbm4b:s2+s3], $0x80, v3, vm0, $0xb8;
	[tilespmem:$0x18400] =	vst v63  }
0x2c3: {  	s29 =	simm.s32 $0xAC00  }
0x2c4: {  	[tilespmem:s29], [sflag:$0x2] =	stream.indirect_vreg.gather [hbm4b:s5+s3], $0x80, v3, vm0, $0xb8;
	[tilespmem:$0x18400] =	vst v63  }
0x2c5: {  	s30 =	simm.s32 $0xB400  }
0x2c6: {  	[tilespmem:s30], [sflag:$0x2] =	stream.indirect_vreg.gather [hbm4b:s6+s3], $0x80, v3, vm0, $0xb8;
	[tilespmem:$0x18400] =	vst v63  }
0x2c7: {  	s9 =	simm.s32 $0xBC00  }
0x2c8: {  	[tilespmem:s9], [sflag:$0x2] =	stream.indirect_vreg.gather [hbm4b:s7+s3], $0x80, v3, vm0, $0xb8;
	[tilespmem:$0x18400] =	vst v63  }
0x2c9: {  	v3 =	vld [tilespmem:$0x1B0];
	_ =	sdelay $0x4  }
0x2ca: {  	v27 =	vshll.u32 v3, $0x3  }
0x2cb: {  	v3 =	vand.u32 $0x7, v3;
	v4 =	vand.u32 $0xFFFFFFC0, v27  }
0x2cc: {  	v3 =	vor.u32 v3, v4  }
0x2cd: {  	v4 =	vperm.xlane v3, v0;
	_ =	sdelay $0x1  }
0x2ce: {  	v4 =	vadd.s32 v1, v4;
	_ =	sdelay $0x3  }
0x2cf: {  	s12 =	simm.s32 $0xC400  }
0x2d0: {  	[tilespmem:s12], [sflag:$0x2] =	stream.indirect_vreg.gather [hbm4b:s2+s3], $0x80, v4, vm0, $0xb8;
	[tilespmem:$0x18400] =	vst v63  }
0x2d1: {  	s13 =	simm.s32 $0xCC00;
	v3 =	vperm.xlane v3, v2  }
0x2d2: {  	[tilespmem:s13], [sflag:$0x2] =	stream.indirect_vreg.gather [hbm4b:s5+s3], $0x80, v4, vm0, $0xb8;
	[tilespmem:$0x18400] =	vst v63  }
0x2d3: {  	s16 =	simm.s32 $0xD400;
	v3 =	vadd.s32 v1, v3  }
0x2d4: {  	[tilespmem:s16], [sflag:$0x2] =	stream.indirect_vreg.gather [hbm4b:s6+s3], $0x80, v4, vm0, $0xb8;
	[tilespmem:$0x18400] =	vst v63  }
0x2d5: {  	s17 =	simm.s32 $0xDC00  }
0x2d6: {  	[tilespmem:s17], [sflag:$0x2] =	stream.indirect_vreg.gather [hbm4b:s7+s3], $0x80, v4, vm0, $0xb8;
	[tilespmem:$0x18400] =	vst v63  }
0x2d7: {  	s18 =	simm.s32 $0xE400  }
0x2d8: {  	[tilespmem:s18], [sflag:$0x2] =	stream.indirect_vreg.gather [hbm4b:s2+s3], $0x80, v3, vm0, $0xb8;
	[tilespmem:$0x18400] =	vst v63  }
0x2d9: {  	s25 =	simm.s32 $0xEC00  }
0x2da: {  	[tilespmem:s25], [sflag:$0x2] =	stream.indirect_vreg.gather [hbm4b:s5+s3], $0x80, v3, vm0, $0xb8;
	[tilespmem:$0x18400] =	vst v63  }
0x2db: {  	s9 =	simm.s32 $0xF400  }
0x2dc: {  	[tilespmem:s9], [sflag:$0x2] =	stream.indirect_vreg.gather [hbm4b:s6+s3], $0x80, v3, vm0, $0xb8;
	[tilespmem:$0x18400] =	vst v63  }
0x2dd: {  	s12 =	simm.s32 $0xFC00  }
0x2de: {  	[tilespmem:s12], [sflag:$0x2] =	stream.indirect_vreg.gather [hbm4b:s7+s3], $0x80, v3, vm0, $0xb8;
	[tilespmem:$0x18400] =	vst v63  }
0x2df: {  	_ =	swait.ge [sflag:s23], $0x8000  }
0x2e0: {  	[sflag:s23] =	ssyncset.done $0x0  }
0x2e1: {  	s16 =	simm.s32 $0x10400;
	s13 =	rddreg [dreg:$0xf];
	[sflag:s23] =	ssyncadd.s32 $0xFFFF8000  }
0x2e2: {  	[hbm4b:s13+s3] =	stream.linear.scatter [tilespmem:s16], [sflag:$0x6], $0x8000, $0x38;
	[tilespmem:$0x18400] =	vst v63  }
0x2e3: {  	_ =	swait.ge [sflag:s24], $0x8000  }
0x2e4: {  	[sflag:s24] =	ssyncset.done $0x0  }
0x2e5: {  	[sflag:s24] =	ssyncadd.s32 $0xFFFF8000  }
0x2e6: {  	v3 =	vld [tilespmem:$0x1C0];
	_ =	sdelay $0x4  }
0x2e7: {  	v28 =	vshll.u32 v3, $0x3  }
0x2e8: {  	v3 =	vand.u32 $0x7, v3;
	v4 =	vand.u32 $0xFFFFFFC0, v28  }
0x2e9: {  	v3 =	vor.u32 v3, v4  }
0x2ea: {  	v4 =	vperm.xlane v3, v0;
	_ =	sdelay $0x1  }
0x2eb: {  	v4 =	vadd.s32 v1, v4;
	_ =	sdelay $0x4  }
0x2ec: {  	[tilespmem:s16], [sflag:$0x3] =	stream.indirect_vreg.gather [hbm4b:s2+s3], $0x80, v4, vm0, $0xb8;
	[tilespmem:$0x18400] =	vst v63  }
0x2ed: {  	s17 =	simm.s32 $0x10C00;
	v3 =	vperm.xlane v3, v2  }
0x2ee: {  	[tilespmem:s17], [sflag:$0x3] =	stream.indirect_vreg.gather [hbm4b:s5+s3], $0x80, v4, vm0, $0xb8;
	[tilespmem:$0x18400] =	vst v63  }
0x2ef: {  	s12 =	simm.s32 $0x11400;
	v3 =	vadd.s32 v1, v3  }
0x2f0: {  	[tilespmem:s12], [sflag:$0x3] =	stream.indirect_vreg.gather [hbm4b:s6+s3], $0x80, v4, vm0, $0xb8;
	[tilespmem:$0x18400] =	vst v63  }
0x2f1: {  	s18 =	simm.s32 $0x11C00  }
0x2f2: {  	[tilespmem:s18], [sflag:$0x3] =	stream.indirect_vreg.gather [hbm4b:s7+s3], $0x80, v4, vm0, $0xb8;
	[tilespmem:$0x18400] =	vst v63  }
0x2f3: {  	s25 =	simm.s32 $0x12400  }
0x2f4: {  	[tilespmem:s25], [sflag:$0x3] =	stream.indirect_vreg.gather [hbm4b:s2+s3], $0x80, v3, vm0, $0xb8;
	[tilespmem:$0x18400] =	vst v63  }
0x2f5: {  	s9 =	simm.s32 $0x12C00  }
0x2f6: {  	[tilespmem:s9], [sflag:$0x3] =	stream.indirect_vreg.gather [hbm4b:s5+s3], $0x80, v3, vm0, $0xb8;
	[tilespmem:$0x18400] =	vst v63  }
0x2f7: {  	s13 =	simm.s32 $0x13400  }
0x2f8: {  	[tilespmem:s13], [sflag:$0x3] =	stream.indirect_vreg.gather [hbm4b:s6+s3], $0x80, v3, vm0, $0xb8;
	[tilespmem:$0x18400] =	vst v63  }
0x2f9: {  	s16 =	simm.s32 $0x13C00  }
0x2fa: {  	[tilespmem:s16], [sflag:$0x3] =	stream.indirect_vreg.gather [hbm4b:s7+s3], $0x80, v3, vm0, $0xb8;
	[tilespmem:$0x18400] =	vst v63  }
0x2fb: {  	v3 =	vld [tilespmem:$0x1D0];
	_ =	sdelay $0x4  }
0x2fc: {  	v29 =	vshll.u32 v3, $0x3  }
0x2fd: {  	v3 =	vand.u32 $0x7, v3;
	v4 =	vand.u32 $0xFFFFFFC0, v29  }
0x2fe: {  	v3 =	vor.u32 v3, v4  }
0x2ff: {  	v4 =	vperm.xlane v3, v0;
	_ =	sdelay $0x1  }
0x300: {  	v4 =	vadd.s32 v1, v4;
	_ =	sdelay $0x3  }
0x301: {  	s17 =	simm.s32 $0x14400  }
0x302: {  	[tilespmem:s17], [sflag:$0x3] =	stream.indirect_vreg.gather [hbm4b:s2+s3], $0x80, v4, vm0, $0xb8;
	[tilespmem:$0x18400] =	vst v63  }
0x303: {  	s18 =	simm.s32 $0x14C00;
	v3 =	vperm.xlane v3, v2  }
0x304: {  	[tilespmem:s18], [sflag:$0x3] =	stream.indirect_vreg.gather [hbm4b:s5+s3], $0x80, v4, vm0, $0xb8;
	[tilespmem:$0x18400] =	vst v63  }
0x305: {  	v3 =	vadd.s32 v1, v3  }
0x306: {  	[tilespmem:s10], [sflag:$0x3] =	stream.indirect_vreg.gather [hbm4b:s6+s3], $0x80, v4, vm0, $0xb8;
	[tilespmem:$0x18400] =	vst v63  }
0x307: {  	s1 =	simm.s32 $0x15C00  }
0x308: {  	[tilespmem:s1], [sflag:$0x3] =	stream.indirect_vreg.gather [hbm4b:s7+s3], $0x80, v4, vm0, $0xb8;
	[tilespmem:$0x18400] =	vst v63  }
0x309: {  	s25 =	simm.s32 $0x16400  }
0x30a: {  	[tilespmem:s25], [sflag:$0x3] =	stream.indirect_vreg.gather [hbm4b:s2+s3], $0x80, v3, vm0, $0xb8;
	[tilespmem:$0x18400] =	vst v63  }
0x30b: {  	s10 =	simm.s32 $0x16C00  }
0x30c: {  	[tilespmem:s10], [sflag:$0x3] =	stream.indirect_vreg.gather [hbm4b:s5+s3], $0x80, v3, vm0, $0xb8;
	[tilespmem:$0x18400] =	vst v63  }
0x30d: {  	s13 =	simm.s32 $0x17400  }
0x30e: {  	[tilespmem:s13], [sflag:$0x3] =	stream.indirect_vreg.gather [hbm4b:s6+s3], $0x80, v3, vm0, $0xb8;
	[tilespmem:$0x18400] =	vst v63  }
0x30f: {  	s16 =	simm.s32 $0x17C00  }
0x310: {  	[tilespmem:s16], [sflag:$0x3] =	stream.indirect_vreg.gather [hbm4b:s7+s3], $0x80, v3, vm0, $0xb8;
	[tilespmem:$0x18400] =	vst v63  }
0x311: {  	_ =	swait.ge [sflag:s19], $0x8000  }
0x312: {  	[sflag:s19] =	ssyncset.done $0x0  }
0x313: {  	s18 =	simm.s32 $0x400;
	s17 =	rddreg [dreg:$0x10];
	[sflag:s19] =	ssyncadd.s32 $0xFFFF8000  }
0x314: {  	[hbm4b:s17+s3] =	stream.linear.scatter [tilespmem:s18], [sflag:$0x4], $0x8000, $0x38;
	[tilespmem:$0x18400] =	vst v63  }
0x315: {  	_ =	swait.ge [sflag:s20], $0x8000  }
0x316: {  	[sflag:s20] =	ssyncset.done $0x0  }
0x317: {  	[sflag:s20] =	ssyncadd.s32 $0xFFFF8000  }
0x318: {  	v3 =	vld [tilespmem:$0x1E0];
	_ =	sdelay $0x4  }
0x319: {  	v30 =	vshll.u32 v3, $0x3  }
0x31a: {  	v3 =	vand.u32 $0x7, v3;
	v4 =	vand.u32 $0xFFFFFFC0, v30  }
0x31b: {  	v3 =	vor.u32 v3, v4  }
0x31c: {  	v4 =	vperm.xlane v3, v0;
	_ =	sdelay $0x1  }
0x31d: {  	v4 =	vadd.s32 v1, v4;
	_ =	sdelay $0x4  }
0x31e: {  	[tilespmem:s18], [sflag:$0x1] =	stream.indirect_vreg.gather [hbm4b:s2+s3], $0x80, v4, vm0, $0xb8;
	[tilespmem:$0x18400] =	vst v63  }
0x31f: {  	v3 =	vperm.xlane v3, v2  }
0x320: {  	[tilespmem:s11], [sflag:$0x1] =	stream.indirect_vreg.gather [hbm4b:s5+s3], $0x80, v4, vm0, $0xb8;
	[tilespmem:$0x18400] =	vst v63  }
0x321: {  	s15 =	simm.s32 $0x1400;
	v3 =	vadd.s32 v1, v3  }
0x322: {  	[tilespmem:s15], [sflag:$0x1] =	stream.indirect_vreg.gather [hbm4b:s6+s3], $0x80, v4, vm0, $0xb8;
	[tilespmem:$0x18400] =	vst v63  }
0x323: {  	s16 =	simm.s32 $0x1C00  }
0x324: {  	[tilespmem:s16], [sflag:$0x1] =	stream.indirect_vreg.gather [hbm4b:s7+s3], $0x80, v4, vm0, $0xb8;
	[tilespmem:$0x18400] =	vst v63  }
0x325: {  	s17 =	simm.s32 $0x2400  }
0x326: {  	[tilespmem:s17], [sflag:$0x1] =	stream.indirect_vreg.gather [hbm4b:s2+s3], $0x80, v3, vm0, $0xb8;
	[tilespmem:$0x18400] =	vst v63  }
0x327: {  	s18 =	simm.s32 $0x2C00  }
0x328: {  	[tilespmem:s18], [sflag:$0x1] =	stream.indirect_vreg.gather [hbm4b:s5+s3], $0x80, v3, vm0, $0xb8;
	[tilespmem:$0x18400] =	vst v63  }
0x329: {  	s10 =	simm.s32 $0x3400  }
0x32a: {  	[tilespmem:s10], [sflag:$0x1] =	stream.indirect_vreg.gather [hbm4b:s6+s3], $0x80, v3, vm0, $0xb8;
	[tilespmem:$0x18400] =	vst v63  }
0x32b: {  	_ = 	snop  }
0x32c: {  	[tilespmem:s0], [sflag:$0x1] =	stream.indirect_vreg.gather [hbm4b:s7+s3], $0x80, v3, vm0, $0xb8;
	[tilespmem:$0x18400] =	vst v63  }
0x32d: {  	v3 =	vld [tilespmem:$0x1F0];
	_ =	sdelay $0x4  }
0x32e: {  	v31 =	vshll.u32 v3, $0x3  }
0x32f: {  	v3 =	vand.u32 $0x7, v3;
	v4 =	vand.u32 $0xFFFFFFC0, v31  }
0x330: {  	v3 =	vor.u32 v3, v4  }
0x331: {  	v4 =	vperm.xlane v3, v0;
	_ =	sdelay $0x1  }
0x332: {  	v4 =	vadd.s32 v1, v4;
	_ =	sdelay $0x4  }
0x333: {  	[tilespmem:s4], [sflag:$0x1] =	stream.indirect_vreg.gather [hbm4b:s2+s3], $0x80, v4, vm0, $0xb8;
	[tilespmem:$0x18400] =	vst v63  }
0x334: {  	v3 =	vperm.xlane v3, v2  }
0x335: {  	[tilespmem:s8], [sflag:$0x1] =	stream.indirect_vreg.gather [hbm4b:s5+s3], $0x80, v4, vm0, $0xb8;
	[tilespmem:$0x18400] =	vst v63  }
0x336: {  	s15 =	simm.s32 $0x5400;
	v3 =	vadd.s32 v1, v3  }
0x337: {  	[tilespmem:s15], [sflag:$0x1] =	stream.indirect_vreg.gather [hbm4b:s6+s3], $0x80, v4, vm0, $0xb8;
	[tilespmem:$0x18400] =	vst v63  }
0x338: {  	_ = 	snop  }
0x339: {  	[tilespmem:s26], [sflag:$0x1] =	stream.indirect_vreg.gather [hbm4b:s7+s3], $0x80, v4, vm0, $0xb8;
	[tilespmem:$0x18400] =	vst v63  }
0x33a: {  	s9 =	simm.s32 $0x6400  }
0x33b: {  	[tilespmem:s9], [sflag:$0x1] =	stream.indirect_vreg.gather [hbm4b:s2+s3], $0x80, v3, vm0, $0xb8;
	[tilespmem:$0x18400] =	vst v63  }
0x33c: {  	s31 =	simm.s32 $0x6C00  }
0x33d: {  	[tilespmem:s31], [sflag:$0x1] =	stream.indirect_vreg.gather [hbm4b:s5+s3], $0x80, v3, vm0, $0xb8;
	[tilespmem:$0x18400] =	vst v63  }
0x33e: {  	s31 =	simm.s32 $0x7400  }
0x33f: {  	[tilespmem:s31], [sflag:$0x1] =	stream.indirect_vreg.gather [hbm4b:s6+s3], $0x80, v3, vm0, $0xb8;
	[tilespmem:$0x18400] =	vst v63  }
0x340: {  	s13 =	simm.s32 $0x7C00  }
0x341: {  	[tilespmem:s13], [sflag:$0x1] =	stream.indirect_vreg.gather [hbm4b:s7+s3], $0x80, v3, vm0, $0xb8;
	[tilespmem:$0x18400] =	vst v63  }
0x342: {  	_ =	swait.ge [sflag:s21], $0x8000  }
0x343: {  	[sflag:s21] =	ssyncset.done $0x0  }
0x344: {  	s8 =	simm.s32 $0x8400;
	s4 =	rddreg [dreg:$0x11];
	[sflag:s21] =	ssyncadd.s32 $0xFFFF8000  }
0x345: {  	[hbm4b:s4+s3] =	stream.linear.scatter [tilespmem:s8], [sflag:$0x5], $0x8000, $0x38;
	[tilespmem:$0x18400] =	vst v63  }
0x346: {  	_ =	swait.ge [sflag:s22], $0x8000  }
0x347: {  	[sflag:s22] =	ssyncset.done $0x0  }
0x348: {  	[sflag:s22] =	ssyncadd.s32 $0xFFFF8000  }
0x349: {  	v3 =	vld [tilespmem:$0x200];
	_ =	sdelay $0x4  }
0x34a: {  	v32 =	vshll.u32 v3, $0x3  }
0x34b: {  	v3 =	vand.u32 $0x7, v3;
	v4 =	vand.u32 $0xFFFFFFC0, v32  }
0x34c: {  	v3 =	vor.u32 v3, v4  }
0x34d: {  	v4 =	vperm.xlane v3, v0;
	_ =	sdelay $0x1  }
0x34e: {  	v4 =	vadd.s32 v1, v4;
	_ =	sdelay $0x4  }
0x34f: {  	[tilespmem:s8], [sflag:$0x2] =	stream.indirect_vreg.gather [hbm4b:s2+s3], $0x80, v4, vm0, $0xb8;
	[tilespmem:$0x18400] =	vst v63  }
0x350: {  	v3 =	vperm.xlane v3, v2  }
0x351: {  	[tilespmem:s28], [sflag:$0x2] =	stream.indirect_vreg.gather [hbm4b:s5+s3], $0x80, v4, vm0, $0xb8;
	[tilespmem:$0x18400] =	vst v63  }
0x352: {  	s11 =	simm.s32 $0x9400;
	v3 =	vadd.s32 v1, v3  }
0x353: {  	[tilespmem:s11], [sflag:$0x2] =	stream.indirect_vreg.gather [hbm4b:s6+s3], $0x80, v4, vm0, $0xb8;
	[tilespmem:$0x18400] =	vst v63  }
0x354: {  	s4 =	simm.s32 $0x9C00  }
0x355: {  	[tilespmem:s4], [sflag:$0x2] =	stream.indirect_vreg.gather [hbm4b:s7+s3], $0x80, v4, vm0, $0xb8;
	[tilespmem:$0x18400] =	vst v63  }
0x356: {  	s14 =	simm.s32 $0xA400  }
0x357: {  	[tilespmem:s14], [sflag:$0x2] =	stream.indirect_vreg.gather [hbm4b:s2+s3], $0x80, v3, vm0, $0xb8;
	[tilespmem:$0x18400] =	vst v63  }
0x358: {  	s8 =	simm.s32 $0xAC00  }
0x359: {  	[tilespmem:s8], [sflag:$0x2] =	stream.indirect_vreg.gather [hbm4b:s5+s3], $0x80, v3, vm0, $0xb8;
	[tilespmem:$0x18400] =	vst v63  }
0x35a: {  	s28 =	simm.s32 $0xB400  }
0x35b: {  	[tilespmem:s28], [sflag:$0x2] =	stream.indirect_vreg.gather [hbm4b:s6+s3], $0x80, v3, vm0, $0xb8;
	[tilespmem:$0x18400] =	vst v63  }
0x35c: {  	s29 =	simm.s32 $0xBC00  }
0x35d: {  	[tilespmem:s29], [sflag:$0x2] =	stream.indirect_vreg.gather [hbm4b:s7+s3], $0x80, v3, vm0, $0xb8;
	[tilespmem:$0x18400] =	vst v63  }
0x35e: {  	v3 =	vld [tilespmem:$0x210];
	_ =	sdelay $0x4  }
0x35f: {  	v33 =	vshll.u32 v3, $0x3  }
0x360: {  	v3 =	vand.u32 $0x7, v3;
	v4 =	vand.u32 $0xFFFFFFC0, v33  }
0x361: {  	v3 =	vor.u32 v3, v4  }
0x362: {  	v4 =	vperm.xlane v3, v0;
	_ =	sdelay $0x1  }
0x363: {  	v4 =	vadd.s32 v1, v4;
	_ =	sdelay $0x3  }
0x364: {  	s30 =	simm.s32 $0xC400  }
0x365: {  	[tilespmem:s30], [sflag:$0x2] =	stream.indirect_vreg.gather [hbm4b:s2+s3], $0x80, v4, vm0, $0xb8;
	[tilespmem:$0x18400] =	vst v63  }
0x366: {  	s25 =	simm.s32 $0xCC00;
	v3 =	vperm.xlane v3, v2  }
0x367: {  	[tilespmem:s25], [sflag:$0x2] =	stream.indirect_vreg.gather [hbm4b:s5+s3], $0x80, v4, vm0, $0xb8;
	[tilespmem:$0x18400] =	vst v63  }
0x368: {  	s29 =	simm.s32 $0xD400;
	v3 =	vadd.s32 v1, v3  }
0x369: {  	[tilespmem:s29], [sflag:$0x2] =	stream.indirect_vreg.gather [hbm4b:s6+s3], $0x80, v4, vm0, $0xb8;
	[tilespmem:$0x18400] =	vst v63  }
0x36a: {  	s30 =	simm.s32 $0xDC00  }
0x36b: {  	[tilespmem:s30], [sflag:$0x2] =	stream.indirect_vreg.gather [hbm4b:s7+s3], $0x80, v4, vm0, $0xb8;
	[tilespmem:$0x18400] =	vst v63  }
0x36c: {  	s26 =	simm.s32 $0xE400  }
0x36d: {  	[tilespmem:s26], [sflag:$0x2] =	stream.indirect_vreg.gather [hbm4b:s2+s3], $0x80, v3, vm0, $0xb8;
	[tilespmem:$0x18400] =	vst v63  }
0x36e: {  	s11 =	simm.s32 $0xEC00  }
0x36f: {  	[tilespmem:s11], [sflag:$0x2] =	stream.indirect_vreg.gather [hbm4b:s5+s3], $0x80, v3, vm0, $0xb8;
	[tilespmem:$0x18400] =	vst v63  }
0x370: {  	s14 =	simm.s32 $0xF400  }
0x371: {  	[tilespmem:s14], [sflag:$0x2] =	stream.indirect_vreg.gather [hbm4b:s6+s3], $0x80, v3, vm0, $0xb8;
	[tilespmem:$0x18400] =	vst v63  }
0x372: {  	s25 =	simm.s32 $0xFC00  }
0x373: {  	[tilespmem:s25], [sflag:$0x2] =	stream.indirect_vreg.gather [hbm4b:s7+s3], $0x80, v3, vm0, $0xb8;
	[tilespmem:$0x18400] =	vst v63  }
0x374: {  	_ =	swait.ge [sflag:s23], $0x8000  }
0x375: {  	[sflag:s23] =	ssyncset.done $0x0  }
0x376: {  	s0 =	simm.s32 $0x10400;
	s26 =	rddreg [dreg:$0x12];
	[sflag:s23] =	ssyncadd.s32 $0xFFFF8000  }
0x377: {  	[hbm4b:s26+s3] =	stream.linear.scatter [tilespmem:s0], [sflag:$0x6], $0x8000, $0x38;
	[tilespmem:$0x18400] =	vst v63  }
0x378: {  	_ =	swait.ge [sflag:s24], $0x8000  }
0x379: {  	[sflag:s24] =	ssyncset.done $0x0  }
0x37a: {  	[sflag:s24] =	ssyncadd.s32 $0xFFFF8000  }
0x37b: {  	v3 =	vld [tilespmem:$0x220];
	_ =	sdelay $0x4  }
0x37c: {  	v34 =	vshll.u32 v3, $0x3  }
0x37d: {  	v3 =	vand.u32 $0x7, v3;
	v4 =	vand.u32 $0xFFFFFFC0, v34  }
0x37e: {  	v3 =	vor.u32 v3, v4  }
0x37f: {  	v4 =	vperm.xlane v3, v0;
	_ =	sdelay $0x1  }
0x380: {  	v4 =	vadd.s32 v1, v4;
	_ =	sdelay $0x4  }
0x381: {  	[tilespmem:s0], [sflag:$0x3] =	stream.indirect_vreg.gather [hbm4b:s2+s3], $0x80, v4, vm0, $0xb8;
	[tilespmem:$0x18400] =	vst v63  }
0x382: {  	s11 =	simm.s32 $0x10C00;
	v3 =	vperm.xlane v3, v2  }
0x383: {  	[tilespmem:s11], [sflag:$0x3] =	stream.indirect_vreg.gather [hbm4b:s5+s3], $0x80, v4, vm0, $0xb8;
	[tilespmem:$0x18400] =	vst v63  }
0x384: {  	v3 =	vadd.s32 v1, v3  }
0x385: {  	[tilespmem:s12], [sflag:$0x3] =	stream.indirect_vreg.gather [hbm4b:s6+s3], $0x80, v4, vm0, $0xb8;
	[tilespmem:$0x18400] =	vst v63  }
0x386: {  	s12 =	simm.s32 $0x11C00  }
0x387: {  	[tilespmem:s12], [sflag:$0x3] =	stream.indirect_vreg.gather [hbm4b:s7+s3], $0x80, v4, vm0, $0xb8;
	[tilespmem:$0x18400] =	vst v63  }
0x388: {  	s14 =	simm.s32 $0x12400  }
0x389: {  	[tilespmem:s14], [sflag:$0x3] =	stream.indirect_vreg.gather [hbm4b:s2+s3], $0x80, v3, vm0, $0xb8;
	[tilespmem:$0x18400] =	vst v63  }
0x38a: {  	s25 =	simm.s32 $0x12C00  }
0x38b: {  	[tilespmem:s25], [sflag:$0x3] =	stream.indirect_vreg.gather [hbm4b:s5+s3], $0x80, v3, vm0, $0xb8;
	[tilespmem:$0x18400] =	vst v63  }
0x38c: {  	s26 =	simm.s32 $0x13400  }
0x38d: {  	[tilespmem:s26], [sflag:$0x3] =	stream.indirect_vreg.gather [hbm4b:s6+s3], $0x80, v3, vm0, $0xb8;
	[tilespmem:$0x18400] =	vst v63  }
0x38e: {  	s11 =	simm.s32 $0x13C00  }
0x38f: {  	[tilespmem:s11], [sflag:$0x3] =	stream.indirect_vreg.gather [hbm4b:s7+s3], $0x80, v3, vm0, $0xb8;
	[tilespmem:$0x18400] =	vst v63  }
0x390: {  	v3 =	vld [tilespmem:$0x230];
	_ =	sdelay $0x4  }
0x391: {  	v35 =	vshll.u32 v3, $0x3  }
0x392: {  	v3 =	vand.u32 $0x7, v3;
	v4 =	vand.u32 $0xFFFFFFC0, v35  }
0x393: {  	v3 =	vor.u32 v3, v4  }
0x394: {  	v4 =	vperm.xlane v3, v0;
	_ =	sdelay $0x1  }
0x395: {  	v4 =	vadd.s32 v1, v4;
	_ =	sdelay $0x3  }
0x396: {  	s26 =	simm.s32 $0x14400  }
0x397: {  	[tilespmem:s26], [sflag:$0x3] =	stream.indirect_vreg.gather [hbm4b:s2+s3], $0x80, v4, vm0, $0xb8;
	[tilespmem:$0x18400] =	vst v63  }
0x398: {  	s12 =	simm.s32 $0x14C00;
	v3 =	vperm.xlane v3, v2  }
0x399: {  	[tilespmem:s12], [sflag:$0x3] =	stream.indirect_vreg.gather [hbm4b:s5+s3], $0x80, v4, vm0, $0xb8;
	[tilespmem:$0x18400] =	vst v63  }
0x39a: {  	s14 =	simm.s32 $0x15400;
	v3 =	vadd.s32 v1, v3  }
0x39b: {  	[tilespmem:s14], [sflag:$0x3] =	stream.indirect_vreg.gather [hbm4b:s6+s3], $0x80, v4, vm0, $0xb8;
	[tilespmem:$0x18400] =	vst v63  }
0x39c: {  	_ = 	snop  }
0x39d: {  	[tilespmem:s1], [sflag:$0x3] =	stream.indirect_vreg.gather [hbm4b:s7+s3], $0x80, v4, vm0, $0xb8;
	[tilespmem:$0x18400] =	vst v63  }
0x39e: {  	s1 =	simm.s32 $0x16400  }
0x39f: {  	[tilespmem:s1], [sflag:$0x3] =	stream.indirect_vreg.gather [hbm4b:s2+s3], $0x80, v3, vm0, $0xb8;
	[tilespmem:$0x18400] =	vst v63  }
0x3a0: {  	s12 =	simm.s32 $0x16C00  }
0x3a1: {  	[tilespmem:s12], [sflag:$0x3] =	stream.indirect_vreg.gather [hbm4b:s5+s3], $0x80, v3, vm0, $0xb8;
	[tilespmem:$0x18400] =	vst v63  }
0x3a2: {  	s14 =	simm.s32 $0x17400  }
0x3a3: {  	[tilespmem:s14], [sflag:$0x3] =	stream.indirect_vreg.gather [hbm4b:s6+s3], $0x80, v3, vm0, $0xb8;
	[tilespmem:$0x18400] =	vst v63  }
0x3a4: {  	s11 =	simm.s32 $0x17C00  }
0x3a5: {  	[tilespmem:s11], [sflag:$0x3] =	stream.indirect_vreg.gather [hbm4b:s7+s3], $0x80, v3, vm0, $0xb8;
	[tilespmem:$0x18400] =	vst v63  }
0x3a6: {  	_ =	swait.ge [sflag:s19], $0x8000  }
0x3a7: {  	[sflag:s19] =	ssyncset.done $0x0  }
0x3a8: {  	s0 =	simm.s32 $0x400;
	s25 =	rddreg [dreg:$0x13];
	[sflag:s19] =	ssyncadd.s32 $0xFFFF8000  }
0x3a9: {  	[hbm4b:s25+s3] =	stream.linear.scatter [tilespmem:s0], [sflag:$0x4], $0x8000, $0x38;
	[tilespmem:$0x18400] =	vst v63  }
0x3aa: {  	_ =	swait.ge [sflag:s20], $0x8000  }
0x3ab: {  	[sflag:s20] =	ssyncset.done $0x0  }
0x3ac: {  	[sflag:s20] =	ssyncadd.s32 $0xFFFF8000  }
0x3ad: {  	v3 =	vld [tilespmem:$0x240];
	_ =	sdelay $0x4  }
0x3ae: {  	v36 =	vshll.u32 v3, $0x3  }
0x3af: {  	v3 =	vand.u32 $0x7, v3;
	v4 =	vand.u32 $0xFFFFFFC0, v36  }
0x3b0: {  	v3 =	vor.u32 v3, v4  }
0x3b1: {  	v4 =	vperm.xlane v3, v0;
	_ =	sdelay $0x1  }
0x3b2: {  	v4 =	vadd.s32 v1, v4;
	_ =	sdelay $0x4  }
0x3b3: {  	[tilespmem:s0], [sflag:$0x1] =	stream.indirect_vreg.gather [hbm4b:s2+s3], $0x80, v4, vm0, $0xb8;
	[tilespmem:$0x18400] =	vst v63  }
0x3b4: {  	s25 =	simm.s32 $0xC00;
	v3 =	vperm.xlane v3, v2  }
0x3b5: {  	[tilespmem:s25], [sflag:$0x1] =	stream.indirect_vreg.gather [hbm4b:s5+s3], $0x80, v4, vm0, $0xb8;
	[tilespmem:$0x18400] =	vst v63  }
0x3b6: {  	v3 =	vadd.s32 v1, v3;
	s25 =	simm.s32 $0x1400  }
0x3b7: {  	[tilespmem:s25], [sflag:$0x1] =	stream.indirect_vreg.gather [hbm4b:s6+s3], $0x80, v4, vm0, $0xb8;
	[tilespmem:$0x18400] =	vst v63  }
0x3b8: {  	_ = 	snop  }
0x3b9: {  	[tilespmem:s16], [sflag:$0x1] =	stream.indirect_vreg.gather [hbm4b:s7+s3], $0x80, v4, vm0, $0xb8;
	[tilespmem:$0x18400] =	vst v63  }
0x3ba: {  	_ = 	snop  }
0x3bb: {  	[tilespmem:s17], [sflag:$0x1] =	stream.indirect_vreg.gather [hbm4b:s2+s3], $0x80, v3, vm0, $0xb8;
	[tilespmem:$0x18400] =	vst v63  }
0x3bc: {  	_ = 	snop  }
0x3bd: {  	[tilespmem:s18], [sflag:$0x1] =	stream.indirect_vreg.gather [hbm4b:s5+s3], $0x80, v3, vm0, $0xb8;
	[tilespmem:$0x18400] =	vst v63  }
0x3be: {  	_ = 	snop  }
0x3bf: {  	[tilespmem:s10], [sflag:$0x1] =	stream.indirect_vreg.gather [hbm4b:s6+s3], $0x80, v3, vm0, $0xb8;
	[tilespmem:$0x18400] =	vst v63  }
0x3c0: {  	s18 =	simm.s32 $0x3C00  }
0x3c1: {  	[tilespmem:s18], [sflag:$0x1] =	stream.indirect_vreg.gather [hbm4b:s7+s3], $0x80, v3, vm0, $0xb8;
	[tilespmem:$0x18400] =	vst v63  }
0x3c2: {  	v3 =	vld [tilespmem:$0x250];
	_ =	sdelay $0x4  }
0x3c3: {  	v37 =	vshll.u32 v3, $0x3  }
0x3c4: {  	v3 =	vand.u32 $0x7, v3;
	v4 =	vand.u32 $0xFFFFFFC0, v37  }
0x3c5: {  	v3 =	vor.u32 v3, v4  }
0x3c6: {  	v4 =	vperm.xlane v3, v0;
	_ =	sdelay $0x1  }
0x3c7: {  	v4 =	vadd.s32 v1, v4;
	_ =	sdelay $0x3  }
0x3c8: {  	s25 =	simm.s32 $0x4400  }
0x3c9: {  	[tilespmem:s25], [sflag:$0x1] =	stream.indirect_vreg.gather [hbm4b:s2+s3], $0x80, v4, vm0, $0xb8;
	[tilespmem:$0x18400] =	vst v63  }
0x3ca: {  	s10 =	simm.s32 $0x4C00;
	v3 =	vperm.xlane v3, v2  }
0x3cb: {  	[tilespmem:s10], [sflag:$0x1] =	stream.indirect_vreg.gather [hbm4b:s5+s3], $0x80, v4, vm0, $0xb8;
	[tilespmem:$0x18400] =	vst v63  }
0x3cc: {  	v3 =	vadd.s32 v1, v3  }
0x3cd: {  	[tilespmem:s15], [sflag:$0x1] =	stream.indirect_vreg.gather [hbm4b:s6+s3], $0x80, v4, vm0, $0xb8;
	[tilespmem:$0x18400] =	vst v63  }
0x3ce: {  	s10 =	simm.s32 $0x5C00  }
0x3cf: {  	[tilespmem:s10], [sflag:$0x1] =	stream.indirect_vreg.gather [hbm4b:s7+s3], $0x80, v4, vm0, $0xb8;
	[tilespmem:$0x18400] =	vst v63  }
0x3d0: {  	_ = 	snop  }
0x3d1: {  	[tilespmem:s9], [sflag:$0x1] =	stream.indirect_vreg.gather [hbm4b:s2+s3], $0x80, v3, vm0, $0xb8;
	[tilespmem:$0x18400] =	vst v63  }
0x3d2: {  	s9 =	simm.s32 $0x6C00  }
0x3d3: {  	[tilespmem:s9], [sflag:$0x1] =	stream.indirect_vreg.gather [hbm4b:s5+s3], $0x80, v3, vm0, $0xb8;
	[tilespmem:$0x18400] =	vst v63  }
0x3d4: {  	_ = 	snop  }
0x3d5: {  	[tilespmem:s31], [sflag:$0x1] =	stream.indirect_vreg.gather [hbm4b:s6+s3], $0x80, v3, vm0, $0xb8;
	[tilespmem:$0x18400] =	vst v63  }
0x3d6: {  	_ = 	snop  }
0x3d7: {  	[tilespmem:s13], [sflag:$0x1] =	stream.indirect_vreg.gather [hbm4b:s7+s3], $0x80, v3, vm0, $0xb8;
	[tilespmem:$0x18400] =	vst v63  }
0x3d8: {  	_ =	swait.ge [sflag:s21], $0x8000  }
0x3d9: {  	[sflag:s21] =	ssyncset.done $0x0  }
0x3da: {  	s17 =	simm.s32 $0x8400;
	s16 =	rddreg [dreg:$0x14];
	[sflag:s21] =	ssyncadd.s32 $0xFFFF8000  }
0x3db: {  	[hbm4b:s16+s3] =	stream.linear.scatter [tilespmem:s17], [sflag:$0x5], $0x8000, $0x38;
	[tilespmem:$0x18400] =	vst v63  }
0x3dc: {  	_ =	swait.ge [sflag:s22], $0x8000  }
0x3dd: {  	[sflag:s22] =	ssyncset.done $0x0  }
0x3de: {  	[sflag:s22] =	ssyncadd.s32 $0xFFFF8000  }
0x3df: {  	v3 =	vld [tilespmem:$0x260];
	_ =	sdelay $0x4  }
0x3e0: {  	v38 =	vshll.u32 v3, $0x3  }
0x3e1: {  	v3 =	vand.u32 $0x7, v3;
	v4 =	vand.u32 $0xFFFFFFC0, v38  }
0x3e2: {  	v3 =	vor.u32 v3, v4  }
0x3e3: {  	v4 =	vperm.xlane v3, v0;
	_ =	sdelay $0x1  }
0x3e4: {  	v4 =	vadd.s32 v1, v4;
	_ =	sdelay $0x4  }
0x3e5: {  	[tilespmem:s17], [sflag:$0x2] =	stream.indirect_vreg.gather [hbm4b:s2+s3], $0x80, v4, vm0, $0xb8;
	[tilespmem:$0x18400] =	vst v63  }
0x3e6: {  	s15 =	simm.s32 $0x8C00;
	v3 =	vperm.xlane v3, v2  }
0x3e7: {  	[tilespmem:s15], [sflag:$0x2] =	stream.indirect_vreg.gather [hbm4b:s5+s3], $0x80, v4, vm0, $0xb8;
	[tilespmem:$0x18400] =	vst v63  }
0x3e8: {  	s16 =	simm.s32 $0x9400;
	v3 =	vadd.s32 v1, v3  }
0x3e9: {  	[tilespmem:s16], [sflag:$0x2] =	stream.indirect_vreg.gather [hbm4b:s6+s3], $0x80, v4, vm0, $0xb8;
	[tilespmem:$0x18400] =	vst v63  }
0x3ea: {  	_ = 	snop  }
0x3eb: {  	[tilespmem:s4], [sflag:$0x2] =	stream.indirect_vreg.gather [hbm4b:s7+s3], $0x80, v4, vm0, $0xb8;
	[tilespmem:$0x18400] =	vst v63  }
0x3ec: {  	s0 =	simm.s32 $0xA400  }
0x3ed: {  	[tilespmem:s0], [sflag:$0x2] =	stream.indirect_vreg.gather [hbm4b:s2+s3], $0x80, v3, vm0, $0xb8;
	[tilespmem:$0x18400] =	vst v63  }
0x3ee: {  	_ = 	snop  }
0x3ef: {  	[tilespmem:s8], [sflag:$0x2] =	stream.indirect_vreg.gather [hbm4b:s5+s3], $0x80, v3, vm0, $0xb8;
	[tilespmem:$0x18400] =	vst v63  }
0x3f0: {  	_ = 	snop  }
0x3f1: {  	[tilespmem:s28], [sflag:$0x2] =	stream.indirect_vreg.gather [hbm4b:s6+s3], $0x80, v3, vm0, $0xb8;
	[tilespmem:$0x18400] =	vst v63  }
0x3f2: {  	s4 =	simm.s32 $0xBC00  }
0x3f3: {  	[tilespmem:s4], [sflag:$0x2] =	stream.indirect_vreg.gather [hbm4b:s7+s3], $0x80, v3, vm0, $0xb8;
	[tilespmem:$0x18400] =	vst v63  }
0x3f4: {  	v3 =	vld [tilespmem:$0x270];
	_ =	sdelay $0x4  }
0x3f5: {  	v39 =	vshll.u32 v3, $0x3  }
0x3f6: {  	v3 =	vand.u32 $0x7, v3;
	v4 =	vand.u32 $0xFFFFFFC0, v39  }
0x3f7: {  	v3 =	vor.u32 v3, v4  }
0x3f8: {  	v4 =	vperm.xlane v3, v0;
	_ =	sdelay $0x1  }
0x3f9: {  	v4 =	vadd.s32 v1, v4;
	_ =	sdelay $0x3  }
0x3fa: {  	s28 =	simm.s32 $0xC400  }
0x3fb: {  	[tilespmem:s28], [sflag:$0x2] =	stream.indirect_vreg.gather [hbm4b:s2+s3], $0x80, v4, vm0, $0xb8;
	[tilespmem:$0x18400] =	vst v63  }
0x3fc: {  	s18 =	simm.s32 $0xCC00;
	v3 =	vperm.xlane v3, v2  }
0x3fd: {  	[tilespmem:s18], [sflag:$0x2] =	stream.indirect_vreg.gather [hbm4b:s5+s3], $0x80, v4, vm0, $0xb8;
	[tilespmem:$0x18400] =	vst v63  }
0x3fe: {  	v3 =	vadd.s32 v1, v3  }
0x3ff: {  	[tilespmem:s29], [sflag:$0x2] =	stream.indirect_vreg.gather [hbm4b:s6+s3], $0x80, v4, vm0, $0xb8;
	[tilespmem:$0x18400] =	vst v63  }
0x400: {  	_ = 	snop  }
0x401: {  	[tilespmem:s30], [sflag:$0x2] =	stream.indirect_vreg.gather [hbm4b:s7+s3], $0x80, v4, vm0, $0xb8;
	[tilespmem:$0x18400] =	vst v63  }
0x402: {  	s25 =	simm.s32 $0xE400  }
0x403: {  	[tilespmem:s25], [sflag:$0x2] =	stream.indirect_vreg.gather [hbm4b:s2+s3], $0x80, v3, vm0, $0xb8;
	[tilespmem:$0x18400] =	vst v63  }
0x404: {  	s29 =	simm.s32 $0xEC00  }
0x405: {  	[tilespmem:s29], [sflag:$0x2] =	stream.indirect_vreg.gather [hbm4b:s5+s3], $0x80, v3, vm0, $0xb8;
	[tilespmem:$0x18400] =	vst v63  }
0x406: {  	s30 =	simm.s32 $0xF400  }
0x407: {  	[tilespmem:s30], [sflag:$0x2] =	stream.indirect_vreg.gather [hbm4b:s6+s3], $0x80, v3, vm0, $0xb8;
	[tilespmem:$0x18400] =	vst v63  }
0x408: {  	s31 =	simm.s32 $0xFC00  }
0x409: {  	[tilespmem:s31], [sflag:$0x2] =	stream.indirect_vreg.gather [hbm4b:s7+s3], $0x80, v3, vm0, $0xb8;
	[tilespmem:$0x18400] =	vst v63  }
0x40a: {  	_ =	swait.ge [sflag:s23], $0x8000  }
0x40b: {  	[sflag:s23] =	ssyncset.done $0x0  }
0x40c: {  	s17 =	simm.s32 $0x10400;
	s13 =	rddreg [dreg:$0x15];
	[sflag:s23] =	ssyncadd.s32 $0xFFFF8000  }
0x40d: {  	[hbm4b:s13+s3] =	stream.linear.scatter [tilespmem:s17], [sflag:$0x6], $0x8000, $0x38;
	[tilespmem:$0x18400] =	vst v63  }
0x40e: {  	_ =	swait.ge [sflag:s24], $0x8000  }
0x40f: {  	[sflag:s24] =	ssyncset.done $0x0  }
0x410: {  	[sflag:s24] =	ssyncadd.s32 $0xFFFF8000  }
0x411: {  	v3 =	vld [tilespmem:$0x280];
	_ =	sdelay $0x4  }
0x412: {  	v40 =	vshll.u32 v3, $0x3  }
0x413: {  	v3 =	vand.u32 $0x7, v3;
	v4 =	vand.u32 $0xFFFFFFC0, v40  }
0x414: {  	v3 =	vor.u32 v3, v4  }
0x415: {  	v4 =	vperm.xlane v3, v0;
	_ =	sdelay $0x1  }
0x416: {  	v4 =	vadd.s32 v1, v4;
	_ =	sdelay $0x4  }
0x417: {  	[tilespmem:s17], [sflag:$0x3] =	stream.indirect_vreg.gather [hbm4b:s2+s3], $0x80, v4, vm0, $0xb8;
	[tilespmem:$0x18400] =	vst v63  }
0x418: {  	s18 =	simm.s32 $0x10C00;
	v3 =	vperm.xlane v3, v2  }
0x419: {  	[tilespmem:s18], [sflag:$0x3] =	stream.indirect_vreg.gather [hbm4b:s5+s3], $0x80, v4, vm0, $0xb8;
	[tilespmem:$0x18400] =	vst v63  }
0x41a: {  	s29 =	simm.s32 $0x11400;
	v3 =	vadd.s32 v1, v3  }
0x41b: {  	[tilespmem:s29], [sflag:$0x3] =	stream.indirect_vreg.gather [hbm4b:s6+s3], $0x80, v4, vm0, $0xb8;
	[tilespmem:$0x18400] =	vst v63  }
0x41c: {  	s17 =	simm.s32 $0x11C00  }
0x41d: {  	[tilespmem:s17], [sflag:$0x3] =	stream.indirect_vreg.gather [hbm4b:s7+s3], $0x80, v4, vm0, $0xb8;
	[tilespmem:$0x18400] =	vst v63  }
0x41e: {  	s13 =	simm.s32 $0x12400  }
0x41f: {  	[tilespmem:s13], [sflag:$0x3] =	stream.indirect_vreg.gather [hbm4b:s2+s3], $0x80, v3, vm0, $0xb8;
	[tilespmem:$0x18400] =	vst v63  }
0x420: {  	s18 =	simm.s32 $0x12C00  }
0x421: {  	[tilespmem:s18], [sflag:$0x3] =	stream.indirect_vreg.gather [hbm4b:s5+s3], $0x80, v3, vm0, $0xb8;
	[tilespmem:$0x18400] =	vst v63  }
0x422: {  	s25 =	simm.s32 $0x13400  }
0x423: {  	[tilespmem:s25], [sflag:$0x3] =	stream.indirect_vreg.gather [hbm4b:s6+s3], $0x80, v3, vm0, $0xb8;
	[tilespmem:$0x18400] =	vst v63  }
0x424: {  	s30 =	simm.s32 $0x13C00  }
0x425: {  	[tilespmem:s30], [sflag:$0x3] =	stream.indirect_vreg.gather [hbm4b:s7+s3], $0x80, v3, vm0, $0xb8;
	[tilespmem:$0x18400] =	vst v63  }
0x426: {  	v3 =	vld [tilespmem:$0x290];
	_ =	sdelay $0x4  }
0x427: {  	v41 =	vshll.u32 v3, $0x3  }
0x428: {  	v3 =	vand.u32 $0x7, v3;
	v4 =	vand.u32 $0xFFFFFFC0, v41  }
0x429: {  	v3 =	vor.u32 v3, v4  }
0x42a: {  	v4 =	vperm.xlane v3, v0;
	_ =	sdelay $0x1  }
0x42b: {  	v4 =	vadd.s32 v1, v4;
	_ =	sdelay $0x4  }
0x42c: {  	[tilespmem:s26], [sflag:$0x3] =	stream.indirect_vreg.gather [hbm4b:s2+s3], $0x80, v4, vm0, $0xb8;
	[tilespmem:$0x18400] =	vst v63  }
0x42d: {  	v3 =	vperm.xlane v3, v2;
	s26 =	simm.s32 $0x14C00  }
0x42e: {  	[tilespmem:s26], [sflag:$0x3] =	stream.indirect_vreg.gather [hbm4b:s5+s3], $0x80, v4, vm0, $0xb8;
	[tilespmem:$0x18400] =	vst v63  }
0x42f: {  	s31 =	simm.s32 $0x15400;
	v3 =	vadd.s32 v1, v3  }
0x430: {  	[tilespmem:s31], [sflag:$0x3] =	stream.indirect_vreg.gather [hbm4b:s6+s3], $0x80, v4, vm0, $0xb8;
	[tilespmem:$0x18400] =	vst v63  }
0x431: {  	s8 =	simm.s32 $0x15C00  }
0x432: {  	[tilespmem:s8], [sflag:$0x3] =	stream.indirect_vreg.gather [hbm4b:s7+s3], $0x80, v4, vm0, $0xb8;
	[tilespmem:$0x18400] =	vst v63  }
0x433: {  	_ = 	snop  }
0x434: {  	[tilespmem:s1], [sflag:$0x3] =	stream.indirect_vreg.gather [hbm4b:s2+s3], $0x80, v3, vm0, $0xb8;
	[tilespmem:$0x18400] =	vst v63  }
0x435: {  	_ = 	snop  }
0x436: {  	[tilespmem:s12], [sflag:$0x3] =	stream.indirect_vreg.gather [hbm4b:s5+s3], $0x80, v3, vm0, $0xb8;
	[tilespmem:$0x18400] =	vst v63  }
0x437: {  	_ = 	snop  }
0x438: {  	[tilespmem:s14], [sflag:$0x3] =	stream.indirect_vreg.gather [hbm4b:s6+s3], $0x80, v3, vm0, $0xb8;
	[tilespmem:$0x18400] =	vst v63  }
0x439: {  	_ = 	snop  }
0x43a: {  	[tilespmem:s11], [sflag:$0x3] =	stream.indirect_vreg.gather [hbm4b:s7+s3], $0x80, v3, vm0, $0xb8;
	[tilespmem:$0x18400] =	vst v63  }
0x43b: {  	_ =	swait.ge [sflag:s19], $0x8000  }
0x43c: {  	[sflag:s19] =	ssyncset.done $0x0  }
0x43d: {  	s14 =	simm.s32 $0x400;
	s12 =	rddreg [dreg:$0x16];
	[sflag:s19] =	ssyncadd.s32 $0xFFFF8000  }
0x43e: {  	[hbm4b:s12+s3] =	stream.linear.scatter [tilespmem:s14], [sflag:$0x4], $0x8000, $0x38;
	[tilespmem:$0x18400] =	vst v63  }
0x43f: {  	_ =	swait.ge [sflag:s20], $0x8000  }
0x440: {  	[sflag:s20] =	ssyncset.done $0x0  }
0x441: {  	[sflag:s20] =	ssyncadd.s32 $0xFFFF8000  }
0x442: {  	v3 =	vld [tilespmem:$0x2A0];
	_ =	sdelay $0x4  }
0x443: {  	v42 =	vshll.u32 v3, $0x3  }
0x444: {  	v3 =	vand.u32 $0x7, v3;
	v4 =	vand.u32 $0xFFFFFFC0, v42  }
0x445: {  	v3 =	vor.u32 v3, v4  }
0x446: {  	v4 =	vperm.xlane v3, v0;
	_ =	sdelay $0x1  }
0x447: {  	v4 =	vadd.s32 v1, v4;
	_ =	sdelay $0x4  }
0x448: {  	[tilespmem:s14], [sflag:$0x1] =	stream.indirect_vreg.gather [hbm4b:s2+s3], $0x80, v4, vm0, $0xb8;
	[tilespmem:$0x18400] =	vst v63  }
0x449: {  	v3 =	vperm.xlane v3, v2;
	s14 =	simm.s32 $0xC00  }
0x44a: {  	[tilespmem:s14], [sflag:$0x1] =	stream.indirect_vreg.gather [hbm4b:s5+s3], $0x80, v4, vm0, $0xb8;
	[tilespmem:$0x18400] =	vst v63  }
0x44b: {  	s25 =	simm.s32 $0x1400;
	v3 =	vadd.s32 v1, v3  }
0x44c: {  	[tilespmem:s25], [sflag:$0x1] =	stream.indirect_vreg.gather [hbm4b:s6+s3], $0x80, v4, vm0, $0xb8;
	[tilespmem:$0x18400] =	vst v63  }
0x44d: {  	s1 =	simm.s32 $0x1C00  }
0x44e: {  	[tilespmem:s1], [sflag:$0x1] =	stream.indirect_vreg.gather [hbm4b:s7+s3], $0x80, v4, vm0, $0xb8;
	[tilespmem:$0x18400] =	vst v63  }
0x44f: {  	s31 =	simm.s32 $0x2400  }
0x450: {  	[tilespmem:s31], [sflag:$0x1] =	stream.indirect_vreg.gather [hbm4b:s2+s3], $0x80, v3, vm0, $0xb8;
	[tilespmem:$0x18400] =	vst v63  }
0x451: {  	s26 =	simm.s32 $0x2C00  }
0x452: {  	[tilespmem:s26], [sflag:$0x1] =	stream.indirect_vreg.gather [hbm4b:s5+s3], $0x80, v3, vm0, $0xb8;
	[tilespmem:$0x18400] =	vst v63  }
0x453: {  	s12 =	simm.s32 $0x3400  }
0x454: {  	[tilespmem:s12], [sflag:$0x1] =	stream.indirect_vreg.gather [hbm4b:s6+s3], $0x80, v3, vm0, $0xb8;
	[tilespmem:$0x18400] =	vst v63  }
0x455: {  	s26 =	simm.s32 $0x3C00  }
0x456: {  	[tilespmem:s26], [sflag:$0x1] =	stream.indirect_vreg.gather [hbm4b:s7+s3], $0x80, v3, vm0, $0xb8;
	[tilespmem:$0x18400] =	vst v63  }
0x457: {  	v3 =	vld [tilespmem:$0x2B0];
	_ =	sdelay $0x4  }
0x458: {  	v43 =	vshll.u32 v3, $0x3  }
0x459: {  	v3 =	vand.u32 $0x7, v3;
	v4 =	vand.u32 $0xFFFFFFC0, v43  }
0x45a: {  	v3 =	vor.u32 v3, v4  }
0x45b: {  	v4 =	vperm.xlane v3, v0;
	_ =	sdelay $0x1  }
0x45c: {  	v4 =	vadd.s32 v1, v4;
	_ =	sdelay $0x3  }
0x45d: {  	s12 =	simm.s32 $0x4400  }
0x45e: {  	[tilespmem:s12], [sflag:$0x1] =	stream.indirect_vreg.gather [hbm4b:s2+s3], $0x80, v4, vm0, $0xb8;
	[tilespmem:$0x18400] =	vst v63  }
0x45f: {  	s25 =	simm.s32 $0x4C00;
	v3 =	vperm.xlane v3, v2  }
0x460: {  	[tilespmem:s25], [sflag:$0x1] =	stream.indirect_vreg.gather [hbm4b:s5+s3], $0x80, v4, vm0, $0xb8;
	[tilespmem:$0x18400] =	vst v63  }
0x461: {  	v3 =	vadd.s32 v1, v3;
	s25 =	simm.s32 $0x5400  }
0x462: {  	[tilespmem:s25], [sflag:$0x1] =	stream.indirect_vreg.gather [hbm4b:s6+s3], $0x80, v4, vm0, $0xb8;
	[tilespmem:$0x18400] =	vst v63  }
0x463: {  	_ = 	snop  }
0x464: {  	[tilespmem:s10], [sflag:$0x1] =	stream.indirect_vreg.gather [hbm4b:s7+s3], $0x80, v4, vm0, $0xb8;
	[tilespmem:$0x18400] =	vst v63  }
0x465: {  	s25 =	simm.s32 $0x6400  }
0x466: {  	[tilespmem:s25], [sflag:$0x1] =	stream.indirect_vreg.gather [hbm4b:s2+s3], $0x80, v3, vm0, $0xb8;
	[tilespmem:$0x18400] =	vst v63  }
0x467: {  	_ = 	snop  }
0x468: {  	[tilespmem:s9], [sflag:$0x1] =	stream.indirect_vreg.gather [hbm4b:s5+s3], $0x80, v3, vm0, $0xb8;
	[tilespmem:$0x18400] =	vst v63  }
0x469: {  	s11 =	simm.s32 $0x7400  }
0x46a: {  	[tilespmem:s11], [sflag:$0x1] =	stream.indirect_vreg.gather [hbm4b:s6+s3], $0x80, v3, vm0, $0xb8;
	[tilespmem:$0x18400] =	vst v63  }
0x46b: {  	s25 =	simm.s32 $0x7C00  }
0x46c: {  	[tilespmem:s25], [sflag:$0x1] =	stream.indirect_vreg.gather [hbm4b:s7+s3], $0x80, v3, vm0, $0xb8;
	[tilespmem:$0x18400] =	vst v63  }
0x46d: {  	_ =	swait.ge [sflag:s21], $0x8000  }
0x46e: {  	[sflag:s21] =	ssyncset.done $0x0  }
0x46f: {  	s11 =	simm.s32 $0x8400;
	s10 =	rddreg [dreg:$0x17];
	[sflag:s21] =	ssyncadd.s32 $0xFFFF8000  }
0x470: {  	[hbm4b:s10+s3] =	stream.linear.scatter [tilespmem:s11], [sflag:$0x5], $0x8000, $0x38;
	[tilespmem:$0x18400] =	vst v63  }
0x471: {  	_ =	swait.ge [sflag:s22], $0x8000  }
0x472: {  	[sflag:s22] =	ssyncset.done $0x0  }
0x473: {  	[sflag:s22] =	ssyncadd.s32 $0xFFFF8000  }
0x474: {  	v3 =	vld [tilespmem:$0x2C0];
	_ =	sdelay $0x4  }
0x475: {  	v44 =	vshll.u32 v3, $0x3  }
0x476: {  	v3 =	vand.u32 $0x7, v3;
	v4 =	vand.u32 $0xFFFFFFC0, v44  }
0x477: {  	v3 =	vor.u32 v3, v4  }
0x478: {  	v4 =	vperm.xlane v3, v0;
	_ =	sdelay $0x1  }
0x479: {  	v4 =	vadd.s32 v1, v4;
	_ =	sdelay $0x4  }
0x47a: {  	[tilespmem:s11], [sflag:$0x2] =	stream.indirect_vreg.gather [hbm4b:s2+s3], $0x80, v4, vm0, $0xb8;
	[tilespmem:$0x18400] =	vst v63  }
0x47b: {  	v3 =	vperm.xlane v3, v2  }
0x47c: {  	[tilespmem:s15], [sflag:$0x2] =	stream.indirect_vreg.gather [hbm4b:s5+s3], $0x80, v4, vm0, $0xb8;
	[tilespmem:$0x18400] =	vst v63  }
0x47d: {  	v3 =	vadd.s32 v1, v3  }
0x47e: {  	[tilespmem:s16], [sflag:$0x2] =	stream.indirect_vreg.gather [hbm4b:s6+s3], $0x80, v4, vm0, $0xb8;
	[tilespmem:$0x18400] =	vst v63  }
0x47f: {  	s9 =	simm.s32 $0x9C00  }
0x480: {  	[tilespmem:s9], [sflag:$0x2] =	stream.indirect_vreg.gather [hbm4b:s7+s3], $0x80, v4, vm0, $0xb8;
	[tilespmem:$0x18400] =	vst v63  }
0x481: {  	_ = 	snop  }
0x482: {  	[tilespmem:s0], [sflag:$0x2] =	stream.indirect_vreg.gather [hbm4b:s2+s3], $0x80, v3, vm0, $0xb8;
	[tilespmem:$0x18400] =	vst v63  }
0x483: {  	s11 =	simm.s32 $0xAC00  }
0x484: {  	[tilespmem:s11], [sflag:$0x2] =	stream.indirect_vreg.gather [hbm4b:s5+s3], $0x80, v3, vm0, $0xb8;
	[tilespmem:$0x18400] =	vst v63  }
0x485: {  	s25 =	simm.s32 $0xB400  }
0x486: {  	[tilespmem:s25], [sflag:$0x2] =	stream.indirect_vreg.gather [hbm4b:s6+s3], $0x80, v3, vm0, $0xb8;
	[tilespmem:$0x18400] =	vst v63  }
0x487: {  	_ = 	snop  }
0x488: {  	[tilespmem:s4], [sflag:$0x2] =	stream.indirect_vreg.gather [hbm4b:s7+s3], $0x80, v3, vm0, $0xb8;
	[tilespmem:$0x18400] =	vst v63  }
0x489: {  	v3 =	vld [tilespmem:$0x2D0];
	_ =	sdelay $0x4  }
0x48a: {  	v45 =	vshll.u32 v3, $0x3  }
0x48b: {  	v3 =	vand.u32 $0x7, v3;
	v4 =	vand.u32 $0xFFFFFFC0, v45  }
0x48c: {  	v3 =	vor.u32 v3, v4  }
0x48d: {  	v4 =	vperm.xlane v3, v0;
	_ =	sdelay $0x1  }
0x48e: {  	v4 =	vadd.s32 v1, v4;
	_ =	sdelay $0x4  }
0x48f: {  	[tilespmem:s28], [sflag:$0x2] =	stream.indirect_vreg.gather [hbm4b:s2+s3], $0x80, v4, vm0, $0xb8;
	[tilespmem:$0x18400] =	vst v63  }
0x490: {  	s4 =	simm.s32 $0xCC00;
	v3 =	vperm.xlane v3, v2  }
0x491: {  	[tilespmem:s4], [sflag:$0x2] =	stream.indirect_vreg.gather [hbm4b:s5+s3], $0x80, v4, vm0, $0xb8;
	[tilespmem:$0x18400] =	vst v63  }
0x492: {  	s15 =	simm.s32 $0xD400;
	v3 =	vadd.s32 v1, v3  }
0x493: {  	[tilespmem:s15], [sflag:$0x2] =	stream.indirect_vreg.gather [hbm4b:s6+s3], $0x80, v4, vm0, $0xb8;
	[tilespmem:$0x18400] =	vst v63  }
0x494: {  	s16 =	simm.s32 $0xDC00  }
0x495: {  	[tilespmem:s16], [sflag:$0x2] =	stream.indirect_vreg.gather [hbm4b:s7+s3], $0x80, v4, vm0, $0xb8;
	[tilespmem:$0x18400] =	vst v63  }
0x496: {  	s28 =	simm.s32 $0xE400  }
0x497: {  	[tilespmem:s28], [sflag:$0x2] =	stream.indirect_vreg.gather [hbm4b:s2+s3], $0x80, v3, vm0, $0xb8;
	[tilespmem:$0x18400] =	vst v63  }
0x498: {  	s10 =	simm.s32 $0xEC00  }
0x499: {  	[tilespmem:s10], [sflag:$0x2] =	stream.indirect_vreg.gather [hbm4b:s5+s3], $0x80, v3, vm0, $0xb8;
	[tilespmem:$0x18400] =	vst v63  }
0x49a: {  	s25 =	simm.s32 $0xF400  }
0x49b: {  	[tilespmem:s25], [sflag:$0x2] =	stream.indirect_vreg.gather [hbm4b:s6+s3], $0x80, v3, vm0, $0xb8;
	[tilespmem:$0x18400] =	vst v63  }
0x49c: {  	s4 =	simm.s32 $0xFC00  }
0x49d: {  	[tilespmem:s4], [sflag:$0x2] =	stream.indirect_vreg.gather [hbm4b:s7+s3], $0x80, v3, vm0, $0xb8;
	[tilespmem:$0x18400] =	vst v63  }
0x49e: {  	_ =	swait.ge [sflag:s23], $0x8000  }
0x49f: {  	[sflag:s23] =	ssyncset.done $0x0  }
0x4a0: {  	s0 =	simm.s32 $0x10400;
	s10 =	rddreg [dreg:$0x18];
	[sflag:s23] =	ssyncadd.s32 $0xFFFF8000  }
0x4a1: {  	[hbm4b:s10+s3] =	stream.linear.scatter [tilespmem:s0], [sflag:$0x6], $0x8000, $0x38;
	[tilespmem:$0x18400] =	vst v63  }
0x4a2: {  	_ =	swait.ge [sflag:s24], $0x8000  }
0x4a3: {  	[sflag:s24] =	ssyncset.done $0x0  }
0x4a4: {  	[sflag:s24] =	ssyncadd.s32 $0xFFFF8000  }
0x4a5: {  	v3 =	vld [tilespmem:$0x2E0];
	_ =	sdelay $0x4  }
0x4a6: {  	v46 =	vshll.u32 v3, $0x3  }
0x4a7: {  	v3 =	vand.u32 $0x7, v3;
	v4 =	vand.u32 $0xFFFFFFC0, v46  }
0x4a8: {  	v3 =	vor.u32 v3, v4  }
0x4a9: {  	v4 =	vperm.xlane v3, v0;
	_ =	sdelay $0x1  }
0x4aa: {  	v4 =	vadd.s32 v1, v4;
	_ =	sdelay $0x4  }
0x4ab: {  	[tilespmem:s0], [sflag:$0x3] =	stream.indirect_vreg.gather [hbm4b:s2+s3], $0x80, v4, vm0, $0xb8;
	[tilespmem:$0x18400] =	vst v63  }
0x4ac: {  	s10 =	simm.s32 $0x10C00;
	v3 =	vperm.xlane v3, v2  }
0x4ad: {  	[tilespmem:s10], [sflag:$0x3] =	stream.indirect_vreg.gather [hbm4b:s5+s3], $0x80, v4, vm0, $0xb8;
	[tilespmem:$0x18400] =	vst v63  }
0x4ae: {  	v3 =	vadd.s32 v1, v3  }
0x4af: {  	[tilespmem:s29], [sflag:$0x3] =	stream.indirect_vreg.gather [hbm4b:s6+s3], $0x80, v4, vm0, $0xb8;
	[tilespmem:$0x18400] =	vst v63  }
0x4b0: {  	_ = 	snop  }
0x4b1: {  	[tilespmem:s17], [sflag:$0x3] =	stream.indirect_vreg.gather [hbm4b:s7+s3], $0x80, v4, vm0, $0xb8;
	[tilespmem:$0x18400] =	vst v63  }
0x4b2: {  	_ = 	snop  }
0x4b3: {  	[tilespmem:s13], [sflag:$0x3] =	stream.indirect_vreg.gather [hbm4b:s2+s3], $0x80, v3, vm0, $0xb8;
	[tilespmem:$0x18400] =	vst v63  }
0x4b4: {  	_ = 	snop  }
0x4b5: {  	[tilespmem:s18], [sflag:$0x3] =	stream.indirect_vreg.gather [hbm4b:s5+s3], $0x80, v3, vm0, $0xb8;
	[tilespmem:$0x18400] =	vst v63  }
0x4b6: {  	s10 =	simm.s32 $0x13400  }
0x4b7: {  	[tilespmem:s10], [sflag:$0x3] =	stream.indirect_vreg.gather [hbm4b:s6+s3], $0x80, v3, vm0, $0xb8;
	[tilespmem:$0x18400] =	vst v63  }
0x4b8: {  	_ = 	snop  }
0x4b9: {  	[tilespmem:s30], [sflag:$0x3] =	stream.indirect_vreg.gather [hbm4b:s7+s3], $0x80, v3, vm0, $0xb8;
	[tilespmem:$0x18400] =	vst v63  }
0x4ba: {  	v3 =	vld [tilespmem:$0x2F0];
	_ =	sdelay $0x4  }
0x4bb: {  	v47 =	vshll.u32 v3, $0x3  }
0x4bc: {  	v3 =	vand.u32 $0x7, v3;
	v4 =	vand.u32 $0xFFFFFFC0, v47  }
0x4bd: {  	v3 =	vor.u32 v3, v4  }
0x4be: {  	v4 =	vperm.xlane v3, v0;
	_ =	sdelay $0x1  }
0x4bf: {  	v4 =	vadd.s32 v1, v4;
	_ =	sdelay $0x3  }
0x4c0: {  	s29 =	simm.s32 $0x14400  }
0x4c1: {  	[tilespmem:s29], [sflag:$0x3] =	stream.indirect_vreg.gather [hbm4b:s2+s3], $0x80, v4, vm0, $0xb8;
	[tilespmem:$0x18400] =	vst v63  }
0x4c2: {  	s18 =	simm.s32 $0x14C00;
	v3 =	vperm.xlane v3, v2  }
0x4c3: {  	[tilespmem:s18], [sflag:$0x3] =	stream.indirect_vreg.gather [hbm4b:s5+s3], $0x80, v4, vm0, $0xb8;
	[tilespmem:$0x18400] =	vst v63  }
0x4c4: {  	s25 =	simm.s32 $0x15400;
	v3 =	vadd.s32 v1, v3  }
0x4c5: {  	[tilespmem:s25], [sflag:$0x3] =	stream.indirect_vreg.gather [hbm4b:s6+s3], $0x80, v4, vm0, $0xb8;
	[tilespmem:$0x18400] =	vst v63  }
0x4c6: {  	_ = 	snop  }
0x4c7: {  	[tilespmem:s8], [sflag:$0x3] =	stream.indirect_vreg.gather [hbm4b:s7+s3], $0x80, v4, vm0, $0xb8;
	[tilespmem:$0x18400] =	vst v63  }
0x4c8: {  	s8 =	simm.s32 $0x16400  }
0x4c9: {  	[tilespmem:s8], [sflag:$0x3] =	stream.indirect_vreg.gather [hbm4b:s2+s3], $0x80, v3, vm0, $0xb8;
	[tilespmem:$0x18400] =	vst v63  }
0x4ca: {  	s17 =	simm.s32 $0x16C00  }
0x4cb: {  	[tilespmem:s17], [sflag:$0x3] =	stream.indirect_vreg.gather [hbm4b:s5+s3], $0x80, v3, vm0, $0xb8;
	[tilespmem:$0x18400] =	vst v63  }
0x4cc: {  	s18 =	simm.s32 $0x17400  }
0x4cd: {  	[tilespmem:s18], [sflag:$0x3] =	stream.indirect_vreg.gather [hbm4b:s6+s3], $0x80, v3, vm0, $0xb8;
	[tilespmem:$0x18400] =	vst v63  }
0x4ce: {  	s30 =	simm.s32 $0x17C00  }
0x4cf: {  	[tilespmem:s30], [sflag:$0x3] =	stream.indirect_vreg.gather [hbm4b:s7+s3], $0x80, v3, vm0, $0xb8;
	[tilespmem:$0x18400] =	vst v63  }
0x4d0: {  	_ =	swait.ge [sflag:s19], $0x8000  }
0x4d1: {  	[sflag:s19] =	ssyncset.done $0x0  }
0x4d2: {  	s13 =	simm.s32 $0x400;
	s4 =	rddreg [dreg:$0x19];
	[sflag:s19] =	ssyncadd.s32 $0xFFFF8000  }
0x4d3: {  	[hbm4b:s4+s3] =	stream.linear.scatter [tilespmem:s13], [sflag:$0x4], $0x8000, $0x38;
	[tilespmem:$0x18400] =	vst v63  }
0x4d4: {  	_ =	swait.ge [sflag:s20], $0x8000  }
0x4d5: {  	[sflag:s20] =	ssyncset.done $0x0  }
0x4d6: {  	[sflag:s20] =	ssyncadd.s32 $0xFFFF8000  }
0x4d7: {  	v3 =	vld [tilespmem:$0x300];
	_ =	sdelay $0x4  }
0x4d8: {  	v48 =	vshll.u32 v3, $0x3  }
0x4d9: {  	v3 =	vand.u32 $0x7, v3;
	v4 =	vand.u32 $0xFFFFFFC0, v48  }
0x4da: {  	v3 =	vor.u32 v3, v4  }
0x4db: {  	v4 =	vperm.xlane v3, v0;
	_ =	sdelay $0x1  }
0x4dc: {  	v4 =	vadd.s32 v1, v4;
	_ =	sdelay $0x4  }
0x4dd: {  	[tilespmem:s13], [sflag:$0x1] =	stream.indirect_vreg.gather [hbm4b:s2+s3], $0x80, v4, vm0, $0xb8;
	[tilespmem:$0x18400] =	vst v63  }
0x4de: {  	v3 =	vperm.xlane v3, v2  }
0x4df: {  	[tilespmem:s14], [sflag:$0x1] =	stream.indirect_vreg.gather [hbm4b:s5+s3], $0x80, v4, vm0, $0xb8;
	[tilespmem:$0x18400] =	vst v63  }
0x4e0: {  	s30 =	simm.s32 $0x1400;
	v3 =	vadd.s32 v1, v3  }
0x4e1: {  	[tilespmem:s30], [sflag:$0x1] =	stream.indirect_vreg.gather [hbm4b:s6+s3], $0x80, v4, vm0, $0xb8;
	[tilespmem:$0x18400] =	vst v63  }
0x4e2: {  	_ = 	snop  }
0x4e3: {  	[tilespmem:s1], [sflag:$0x1] =	stream.indirect_vreg.gather [hbm4b:s7+s3], $0x80, v4, vm0, $0xb8;
	[tilespmem:$0x18400] =	vst v63  }
0x4e4: {  	_ = 	snop  }
0x4e5: {  	[tilespmem:s31], [sflag:$0x1] =	stream.indirect_vreg.gather [hbm4b:s2+s3], $0x80, v3, vm0, $0xb8;
	[tilespmem:$0x18400] =	vst v63  }
0x4e6: {  	s30 =	simm.s32 $0x2C00  }
0x4e7: {  	[tilespmem:s30], [sflag:$0x1] =	stream.indirect_vreg.gather [hbm4b:s5+s3], $0x80, v3, vm0, $0xb8;
	[tilespmem:$0x18400] =	vst v63  }
0x4e8: {  	s31 =	simm.s32 $0x3400  }
0x4e9: {  	[tilespmem:s31], [sflag:$0x1] =	stream.indirect_vreg.gather [hbm4b:s6+s3], $0x80, v3, vm0, $0xb8;
	[tilespmem:$0x18400] =	vst v63  }
0x4ea: {  	_ = 	snop  }
0x4eb: {  	[tilespmem:s26], [sflag:$0x1] =	stream.indirect_vreg.gather [hbm4b:s7+s3], $0x80, v3, vm0, $0xb8;
	[tilespmem:$0x18400] =	vst v63  }
0x4ec: {  	v3 =	vld [tilespmem:$0x310];
	_ =	sdelay $0x4  }
0x4ed: {  	v49 =	vshll.u32 v3, $0x3  }
0x4ee: {  	v3 =	vand.u32 $0x7, v3;
	v4 =	vand.u32 $0xFFFFFFC0, v49  }
0x4ef: {  	v3 =	vor.u32 v3, v4  }
0x4f0: {  	v4 =	vperm.xlane v3, v0;
	_ =	sdelay $0x1  }
0x4f1: {  	v4 =	vadd.s32 v1, v4;
	_ =	sdelay $0x4  }
0x4f2: {  	[tilespmem:s12], [sflag:$0x1] =	stream.indirect_vreg.gather [hbm4b:s2+s3], $0x80, v4, vm0, $0xb8;
	[tilespmem:$0x18400] =	vst v63  }
0x4f3: {  	s4 =	simm.s32 $0x4C00;
	v3 =	vperm.xlane v3, v2  }
0x4f4: {  	[tilespmem:s4], [sflag:$0x1] =	stream.indirect_vreg.gather [hbm4b:s5+s3], $0x80, v4, vm0, $0xb8;
	[tilespmem:$0x18400] =	vst v63  }
0x4f5: {  	v3 =	vadd.s32 v1, v3;
	s12 =	simm.s32 $0x5400  }
0x4f6: {  	[tilespmem:s12], [sflag:$0x1] =	stream.indirect_vreg.gather [hbm4b:s6+s3], $0x80, v4, vm0, $0xb8;
	[tilespmem:$0x18400] =	vst v63  }
0x4f7: {  	s14 =	simm.s32 $0x5C00  }
0x4f8: {  	[tilespmem:s14], [sflag:$0x1] =	stream.indirect_vreg.gather [hbm4b:s7+s3], $0x80, v4, vm0, $0xb8;
	[tilespmem:$0x18400] =	vst v63  }
0x4f9: {  	s13 =	simm.s32 $0x6400  }
0x4fa: {  	[tilespmem:s13], [sflag:$0x1] =	stream.indirect_vreg.gather [hbm4b:s2+s3], $0x80, v3, vm0, $0xb8;
	[tilespmem:$0x18400] =	vst v63  }
0x4fb: {  	s25 =	simm.s32 $0x6C00  }
0x4fc: {  	[tilespmem:s25], [sflag:$0x1] =	stream.indirect_vreg.gather [hbm4b:s5+s3], $0x80, v3, vm0, $0xb8;
	[tilespmem:$0x18400] =	vst v63  }
0x4fd: {  	s26 =	simm.s32 $0x7400  }
0x4fe: {  	[tilespmem:s26], [sflag:$0x1] =	stream.indirect_vreg.gather [hbm4b:s6+s3], $0x80, v3, vm0, $0xb8;
	[tilespmem:$0x18400] =	vst v63  }
0x4ff: {  	s13 =	simm.s32 $0x7C00  }
0x500: {  	[tilespmem:s13], [sflag:$0x1] =	stream.indirect_vreg.gather [hbm4b:s7+s3], $0x80, v3, vm0, $0xb8;
	[tilespmem:$0x18400] =	vst v63  }
0x501: {  	_ =	swait.ge [sflag:s21], $0x8000  }
0x502: {  	[sflag:s21] =	ssyncset.done $0x0  }
0x503: {  	s4 =	simm.s32 $0x8400;
	s1 =	rddreg [dreg:$0x1a];
	[sflag:s21] =	ssyncadd.s32 $0xFFFF8000  }
0x504: {  	[hbm4b:s1+s3] =	stream.linear.scatter [tilespmem:s4], [sflag:$0x5], $0x8000, $0x38;
	[tilespmem:$0x18400] =	vst v63  }
0x505: {  	_ =	swait.ge [sflag:s22], $0x8000  }
0x506: {  	[sflag:s22] =	ssyncset.done $0x0  }
0x507: {  	[sflag:s22] =	ssyncadd.s32 $0xFFFF8000  }
0x508: {  	v3 =	vld [tilespmem:$0x320];
	_ =	sdelay $0x4  }
0x509: {  	v50 =	vshll.u32 v3, $0x3  }
0x50a: {  	v3 =	vand.u32 $0x7, v3;
	v4 =	vand.u32 $0xFFFFFFC0, v50  }
0x50b: {  	v3 =	vor.u32 v3, v4  }
0x50c: {  	v4 =	vperm.xlane v3, v0;
	_ =	sdelay $0x1  }
0x50d: {  	v4 =	vadd.s32 v1, v4;
	_ =	sdelay $0x4  }
0x50e: {  	[tilespmem:s4], [sflag:$0x2] =	stream.indirect_vreg.gather [hbm4b:s2+s3], $0x80, v4, vm0, $0xb8;
	[tilespmem:$0x18400] =	vst v63  }
0x50f: {  	s12 =	simm.s32 $0x8C00;
	v3 =	vperm.xlane v3, v2  }
0x510: {  	[tilespmem:s12], [sflag:$0x2] =	stream.indirect_vreg.gather [hbm4b:s5+s3], $0x80, v4, vm0, $0xb8;
	[tilespmem:$0x18400] =	vst v63  }
0x511: {  	s26 =	simm.s32 $0x9400;
	v3 =	vadd.s32 v1, v3  }
0x512: {  	[tilespmem:s26], [sflag:$0x2] =	stream.indirect_vreg.gather [hbm4b:s6+s3], $0x80, v4, vm0, $0xb8;
	[tilespmem:$0x18400] =	vst v63  }
0x513: {  	_ = 	snop  }
0x514: {  	[tilespmem:s9], [sflag:$0x2] =	stream.indirect_vreg.gather [hbm4b:s7+s3], $0x80, v4, vm0, $0xb8;
	[tilespmem:$0x18400] =	vst v63  }
0x515: {  	s9 =	simm.s32 $0xA400  }
0x516: {  	[tilespmem:s9], [sflag:$0x2] =	stream.indirect_vreg.gather [hbm4b:s2+s3], $0x80, v3, vm0, $0xb8;
	[tilespmem:$0x18400] =	vst v63  }
0x517: {  	_ = 	snop  }
0x518: {  	[tilespmem:s11], [sflag:$0x2] =	stream.indirect_vreg.gather [hbm4b:s5+s3], $0x80, v3, vm0, $0xb8;
	[tilespmem:$0x18400] =	vst v63  }
0x519: {  	s11 =	simm.s32 $0xB400  }
0x51a: {  	[tilespmem:s11], [sflag:$0x2] =	stream.indirect_vreg.gather [hbm4b:s6+s3], $0x80, v3, vm0, $0xb8;
	[tilespmem:$0x18400] =	vst v63  }
0x51b: {  	s4 =	simm.s32 $0xBC00  }
0x51c: {  	[tilespmem:s4], [sflag:$0x2] =	stream.indirect_vreg.gather [hbm4b:s7+s3], $0x80, v3, vm0, $0xb8;
	[tilespmem:$0x18400] =	vst v63  }
0x51d: {  	v3 =	vld [tilespmem:$0x330];
	_ =	sdelay $0x4  }
0x51e: {  	v51 =	vshll.u32 v3, $0x3  }
0x51f: {  	v3 =	vand.u32 $0x7, v3;
	v4 =	vand.u32 $0xFFFFFFC0, v51  }
0x520: {  	v3 =	vor.u32 v3, v4  }
0x521: {  	v4 =	vperm.xlane v3, v0;
	_ =	sdelay $0x1  }
0x522: {  	v4 =	vadd.s32 v1, v4;
	_ =	sdelay $0x3  }
0x523: {  	s11 =	simm.s32 $0xC400  }
0x524: {  	[tilespmem:s11], [sflag:$0x2] =	stream.indirect_vreg.gather [hbm4b:s2+s3], $0x80, v4, vm0, $0xb8;
	[tilespmem:$0x18400] =	vst v63  }
0x525: {  	s25 =	simm.s32 $0xCC00;
	v3 =	vperm.xlane v3, v2  }
0x526: {  	[tilespmem:s25], [sflag:$0x2] =	stream.indirect_vreg.gather [hbm4b:s5+s3], $0x80, v4, vm0, $0xb8;
	[tilespmem:$0x18400] =	vst v63  }
0x527: {  	v3 =	vadd.s32 v1, v3  }
0x528: {  	[tilespmem:s15], [sflag:$0x2] =	stream.indirect_vreg.gather [hbm4b:s6+s3], $0x80, v4, vm0, $0xb8;
	[tilespmem:$0x18400] =	vst v63  }
0x529: {  	_ = 	snop  }
0x52a: {  	[tilespmem:s16], [sflag:$0x2] =	stream.indirect_vreg.gather [hbm4b:s7+s3], $0x80, v4, vm0, $0xb8;
	[tilespmem:$0x18400] =	vst v63  }
0x52b: {  	_ = 	snop  }
0x52c: {  	[tilespmem:s28], [sflag:$0x2] =	stream.indirect_vreg.gather [hbm4b:s2+s3], $0x80, v3, vm0, $0xb8;
	[tilespmem:$0x18400] =	vst v63  }
0x52d: {  	s16 =	simm.s32 $0xEC00  }
0x52e: {  	[tilespmem:s16], [sflag:$0x2] =	stream.indirect_vreg.gather [hbm4b:s5+s3], $0x80, v3, vm0, $0xb8;
	[tilespmem:$0x18400] =	vst v63  }
0x52f: {  	s25 =	simm.s32 $0xF400  }
0x530: {  	[tilespmem:s25], [sflag:$0x2] =	stream.indirect_vreg.gather [hbm4b:s6+s3], $0x80, v3, vm0, $0xb8;
	[tilespmem:$0x18400] =	vst v63  }
0x531: {  	s28 =	simm.s32 $0xFC00  }
0x532: {  	[tilespmem:s28], [sflag:$0x2] =	stream.indirect_vreg.gather [hbm4b:s7+s3], $0x80, v3, vm0, $0xb8;
	[tilespmem:$0x18400] =	vst v63  }
0x533: {  	_ =	swait.ge [sflag:s23], $0x8000  }
0x534: {  	[sflag:s23] =	ssyncset.done $0x0  }
0x535: {  	s0 =	simm.s32 $0x10400;
	s16 =	rddreg [dreg:$0x1b];
	[sflag:s23] =	ssyncadd.s32 $0xFFFF8000  }
0x536: {  	[hbm4b:s16+s3] =	stream.linear.scatter [tilespmem:s0], [sflag:$0x6], $0x8000, $0x38;
	[tilespmem:$0x18400] =	vst v63  }
0x537: {  	_ =	swait.ge [sflag:s24], $0x8000  }
0x538: {  	[sflag:s24] =	ssyncset.done $0x0  }
0x539: {  	[sflag:s24] =	ssyncadd.s32 $0xFFFF8000  }
0x53a: {  	v3 =	vld [tilespmem:$0x340];
	_ =	sdelay $0x4  }
0x53b: {  	v52 =	vshll.u32 v3, $0x3  }
0x53c: {  	v3 =	vand.u32 $0x7, v3;
	v4 =	vand.u32 $0xFFFFFFC0, v52  }
0x53d: {  	v3 =	vor.u32 v3, v4  }
0x53e: {  	v4 =	vperm.xlane v3, v0;
	_ =	sdelay $0x1  }
0x53f: {  	v4 =	vadd.s32 v1, v4;
	_ =	sdelay $0x4  }
0x540: {  	[tilespmem:s0], [sflag:$0x3] =	stream.indirect_vreg.gather [hbm4b:s2+s3], $0x80, v4, vm0, $0xb8;
	[tilespmem:$0x18400] =	vst v63  }
0x541: {  	s28 =	simm.s32 $0x10C00;
	v3 =	vperm.xlane v3, v2  }
0x542: {  	[tilespmem:s28], [sflag:$0x3] =	stream.indirect_vreg.gather [hbm4b:s5+s3], $0x80, v4, vm0, $0xb8;
	[tilespmem:$0x18400] =	vst v63  }
0x543: {  	s15 =	simm.s32 $0x11400;
	v3 =	vadd.s32 v1, v3  }
0x544: {  	[tilespmem:s15], [sflag:$0x3] =	stream.indirect_vreg.gather [hbm4b:s6+s3], $0x80, v4, vm0, $0xb8;
	[tilespmem:$0x18400] =	vst v63  }
0x545: {  	s25 =	simm.s32 $0x11C00  }
0x546: {  	[tilespmem:s25], [sflag:$0x3] =	stream.indirect_vreg.gather [hbm4b:s7+s3], $0x80, v4, vm0, $0xb8;
	[tilespmem:$0x18400] =	vst v63  }
0x547: {  	s28 =	simm.s32 $0x12400  }
0x548: {  	[tilespmem:s28], [sflag:$0x3] =	stream.indirect_vreg.gather [hbm4b:s2+s3], $0x80, v3, vm0, $0xb8;
	[tilespmem:$0x18400] =	vst v63  }
0x549: {  	s15 =	simm.s32 $0x12C00  }
0x54a: {  	[tilespmem:s15], [sflag:$0x3] =	stream.indirect_vreg.gather [hbm4b:s5+s3], $0x80, v3, vm0, $0xb8;
	[tilespmem:$0x18400] =	vst v63  }
0x54b: {  	_ = 	snop  }
0x54c: {  	[tilespmem:s10], [sflag:$0x3] =	stream.indirect_vreg.gather [hbm4b:s6+s3], $0x80, v3, vm0, $0xb8;
	[tilespmem:$0x18400] =	vst v63  }
0x54d: {  	s25 =	simm.s32 $0x13C00  }
0x54e: {  	[tilespmem:s25], [sflag:$0x3] =	stream.indirect_vreg.gather [hbm4b:s7+s3], $0x80, v3, vm0, $0xb8;
	[tilespmem:$0x18400] =	vst v63  }
0x54f: {  	v3 =	vld [tilespmem:$0x350];
	_ =	sdelay $0x4  }
0x550: {  	v53 =	vshll.u32 v3, $0x3  }
0x551: {  	v3 =	vand.u32 $0x7, v3;
	v4 =	vand.u32 $0xFFFFFFC0, v53  }
0x552: {  	v3 =	vor.u32 v3, v4  }
0x553: {  	v4 =	vperm.xlane v3, v0;
	_ =	sdelay $0x1  }
0x554: {  	v4 =	vadd.s32 v1, v4;
	_ =	sdelay $0x4  }
0x555: {  	[tilespmem:s29], [sflag:$0x3] =	stream.indirect_vreg.gather [hbm4b:s2+s3], $0x80, v4, vm0, $0xb8;
	[tilespmem:$0x18400] =	vst v63  }
0x556: {  	s28 =	simm.s32 $0x14C00;
	v3 =	vperm.xlane v3, v2  }
0x557: {  	[tilespmem:s28], [sflag:$0x3] =	stream.indirect_vreg.gather [hbm4b:s5+s3], $0x80, v4, vm0, $0xb8;
	[tilespmem:$0x18400] =	vst v63  }
0x558: {  	s10 =	simm.s32 $0x15400;
	v3 =	vadd.s32 v1, v3  }
0x559: {  	[tilespmem:s10], [sflag:$0x3] =	stream.indirect_vreg.gather [hbm4b:s6+s3], $0x80, v4, vm0, $0xb8;
	[tilespmem:$0x18400] =	vst v63  }
0x55a: {  	s15 =	simm.s32 $0x15C00  }
0x55b: {  	[tilespmem:s15], [sflag:$0x3] =	stream.indirect_vreg.gather [hbm4b:s7+s3], $0x80, v4, vm0, $0xb8;
	[tilespmem:$0x18400] =	vst v63  }
0x55c: {  	_ = 	snop  }
0x55d: {  	[tilespmem:s8], [sflag:$0x3] =	stream.indirect_vreg.gather [hbm4b:s2+s3], $0x80, v3, vm0, $0xb8;
	[tilespmem:$0x18400] =	vst v63  }
0x55e: {  	_ = 	snop  }
0x55f: {  	[tilespmem:s17], [sflag:$0x3] =	stream.indirect_vreg.gather [hbm4b:s5+s3], $0x80, v3, vm0, $0xb8;
	[tilespmem:$0x18400] =	vst v63  }
0x560: {  	_ = 	snop  }
0x561: {  	[tilespmem:s18], [sflag:$0x3] =	stream.indirect_vreg.gather [hbm4b:s6+s3], $0x80, v3, vm0, $0xb8;
	[tilespmem:$0x18400] =	vst v63  }
0x562: {  	s25 =	simm.s32 $0x17C00  }
0x563: {  	[tilespmem:s25], [sflag:$0x3] =	stream.indirect_vreg.gather [hbm4b:s7+s3], $0x80, v3, vm0, $0xb8;
	[tilespmem:$0x18400] =	vst v63  }
0x564: {  	_ =	swait.ge [sflag:s19], $0x8000  }
0x565: {  	[sflag:s19] =	ssyncset.done $0x0  }
0x566: {  	s10 =	simm.s32 $0x400;
	s8 =	rddreg [dreg:$0x1c];
	[sflag:s19] =	ssyncadd.s32 $0xFFFF8000  }
0x567: {  	[hbm4b:s8+s3] =	stream.linear.scatter [tilespmem:s10], [sflag:$0x4], $0x8000, $0x38;
	[tilespmem:$0x18400] =	vst v63  }
0x568: {  	_ =	swait.ge [sflag:s20], $0x8000  }
0x569: {  	[sflag:s20] =	ssyncset.done $0x0  }
0x56a: {  	[sflag:s20] =	ssyncadd.s32 $0xFFFF8000  }
0x56b: {  	v3 =	vld [tilespmem:$0x360];
	_ =	sdelay $0x4  }
0x56c: {  	v54 =	vshll.u32 v3, $0x3  }
0x56d: {  	v3 =	vand.u32 $0x7, v3;
	v4 =	vand.u32 $0xFFFFFFC0, v54  }
0x56e: {  	v3 =	vor.u32 v3, v4  }
0x56f: {  	v4 =	vperm.xlane v3, v0;
	_ =	sdelay $0x1  }
0x570: {  	v4 =	vadd.s32 v1, v4;
	_ =	sdelay $0x4  }
0x571: {  	[tilespmem:s10], [sflag:$0x1] =	stream.indirect_vreg.gather [hbm4b:s2+s3], $0x80, v4, vm0, $0xb8;
	[tilespmem:$0x18400] =	vst v63  }
0x572: {  	s25 =	simm.s32 $0xC00;
	v3 =	vperm.xlane v3, v2  }
0x573: {  	[tilespmem:s25], [sflag:$0x1] =	stream.indirect_vreg.gather [hbm4b:s5+s3], $0x80, v4, vm0, $0xb8;
	[tilespmem:$0x18400] =	vst v63  }
0x574: {  	s8 =	simm.s32 $0x1400;
	v3 =	vadd.s32 v1, v3  }
0x575: {  	[tilespmem:s8], [sflag:$0x1] =	stream.indirect_vreg.gather [hbm4b:s6+s3], $0x80, v4, vm0, $0xb8;
	[tilespmem:$0x18400] =	vst v63  }
0x576: {  	s25 =	simm.s32 $0x1C00  }
0x577: {  	[tilespmem:s25], [sflag:$0x1] =	stream.indirect_vreg.gather [hbm4b:s7+s3], $0x80, v4, vm0, $0xb8;
	[tilespmem:$0x18400] =	vst v63  }
0x578: {  	s8 =	simm.s32 $0x2400  }
0x579: {  	[tilespmem:s8], [sflag:$0x1] =	stream.indirect_vreg.gather [hbm4b:s2+s3], $0x80, v3, vm0, $0xb8;
	[tilespmem:$0x18400] =	vst v63  }
0x57a: {  	_ = 	snop  }
0x57b: {  	[tilespmem:s30], [sflag:$0x1] =	stream.indirect_vreg.gather [hbm4b:s5+s3], $0x80, v3, vm0, $0xb8;
	[tilespmem:$0x18400] =	vst v63  }
0x57c: {  	_ = 	snop  }
0x57d: {  	[tilespmem:s31], [sflag:$0x1] =	stream.indirect_vreg.gather [hbm4b:s6+s3], $0x80, v3, vm0, $0xb8;
	[tilespmem:$0x18400] =	vst v63  }
0x57e: {  	s0 =	simm.s32 $0x3C00  }
0x57f: {  	[tilespmem:s0], [sflag:$0x1] =	stream.indirect_vreg.gather [hbm4b:s7+s3], $0x80, v3, vm0, $0xb8;
	[tilespmem:$0x18400] =	vst v63  }
0x580: {  	v3 =	vld [tilespmem:$0x370];
	_ =	sdelay $0x4  }
0x581: {  	v55 =	vshll.u32 v3, $0x3  }
0x582: {  	v3 =	vand.u32 $0x7, v3;
	v4 =	vand.u32 $0xFFFFFFC0, v55  }
0x583: {  	v3 =	vor.u32 v3, v4  }
0x584: {  	v4 =	vperm.xlane v3, v0;
	_ =	sdelay $0x1  }
0x585: {  	v4 =	vadd.s32 v1, v4;
	_ =	sdelay $0x3  }
0x586: {  	s25 =	simm.s32 $0x4400  }
0x587: {  	[tilespmem:s25], [sflag:$0x1] =	stream.indirect_vreg.gather [hbm4b:s2+s3], $0x80, v4, vm0, $0xb8;
	[tilespmem:$0x18400] =	vst v63  }
0x588: {  	v3 =	vperm.xlane v3, v2;
	s25 =	simm.s32 $0x4C00  }
0x589: {  	[tilespmem:s25], [sflag:$0x1] =	stream.indirect_vreg.gather [hbm4b:s5+s3], $0x80, v4, vm0, $0xb8;
	[tilespmem:$0x18400] =	vst v63  }
0x58a: {  	v3 =	vadd.s32 v1, v3;
	s25 =	simm.s32 $0x5400  }
0x58b: {  	[tilespmem:s25], [sflag:$0x1] =	stream.indirect_vreg.gather [hbm4b:s6+s3], $0x80, v4, vm0, $0xb8;
	[tilespmem:$0x18400] =	vst v63  }
0x58c: {  	_ = 	snop  }
0x58d: {  	[tilespmem:s14], [sflag:$0x1] =	stream.indirect_vreg.gather [hbm4b:s7+s3], $0x80, v4, vm0, $0xb8;
	[tilespmem:$0x18400] =	vst v63  }
0x58e: {  	s25 =	simm.s32 $0x6400  }
0x58f: {  	[tilespmem:s25], [sflag:$0x1] =	stream.indirect_vreg.gather [hbm4b:s2+s3], $0x80, v3, vm0, $0xb8;
	[tilespmem:$0x18400] =	vst v63  }
0x590: {  	s14 =	simm.s32 $0x6C00  }
0x591: {  	[tilespmem:s14], [sflag:$0x1] =	stream.indirect_vreg.gather [hbm4b:s5+s3], $0x80, v3, vm0, $0xb8;
	[tilespmem:$0x18400] =	vst v63  }
0x592: {  	s25 =	simm.s32 $0x7400  }
0x593: {  	[tilespmem:s25], [sflag:$0x1] =	stream.indirect_vreg.gather [hbm4b:s6+s3], $0x80, v3, vm0, $0xb8;
	[tilespmem:$0x18400] =	vst v63  }
0x594: {  	_ = 	snop  }
0x595: {  	[tilespmem:s13], [sflag:$0x1] =	stream.indirect_vreg.gather [hbm4b:s7+s3], $0x80, v3, vm0, $0xb8;
	[tilespmem:$0x18400] =	vst v63  }
0x596: {  	_ =	swait.ge [sflag:s21], $0x8000  }
0x597: {  	[sflag:s21] =	ssyncset.done $0x0  }
0x598: {  	s1 =	simm.s32 $0x8400;
	s13 =	rddreg [dreg:$0x1d];
	[sflag:s21] =	ssyncadd.s32 $0xFFFF8000  }
0x599: {  	[hbm4b:s13+s3] =	stream.linear.scatter [tilespmem:s1], [sflag:$0x5], $0x8000, $0x38;
	[tilespmem:$0x18400] =	vst v63  }
0x59a: {  	_ =	swait.ge [sflag:s22], $0x8000  }
0x59b: {  	[sflag:s22] =	ssyncset.done $0x0  }
0x59c: {  	[sflag:s22] =	ssyncadd.s32 $0xFFFF8000  }
0x59d: {  	v3 =	vld [tilespmem:$0x380];
	_ =	sdelay $0x4  }
0x59e: {  	v56 =	vshll.u32 v3, $0x3  }
0x59f: {  	v3 =	vand.u32 $0x7, v3;
	v4 =	vand.u32 $0xFFFFFFC0, v56  }
0x5a0: {  	v3 =	vor.u32 v3, v4  }
0x5a1: {  	v4 =	vperm.xlane v3, v0;
	_ =	sdelay $0x1  }
0x5a2: {  	v4 =	vadd.s32 v1, v4;
	_ =	sdelay $0x4  }
0x5a3: {  	[tilespmem:s1], [sflag:$0x2] =	stream.indirect_vreg.gather [hbm4b:s2+s3], $0x80, v4, vm0, $0xb8;
	[tilespmem:$0x18400] =	vst v63  }
0x5a4: {  	v3 =	vperm.xlane v3, v2  }
0x5a5: {  	[tilespmem:s12], [sflag:$0x2] =	stream.indirect_vreg.gather [hbm4b:s5+s3], $0x80, v4, vm0, $0xb8;
	[tilespmem:$0x18400] =	vst v63  }
0x5a6: {  	v3 =	vadd.s32 v1, v3  }
0x5a7: {  	[tilespmem:s26], [sflag:$0x2] =	stream.indirect_vreg.gather [hbm4b:s6+s3], $0x80, v4, vm0, $0xb8;
	[tilespmem:$0x18400] =	vst v63  }
0x5a8: {  	s1 =	simm.s32 $0x9C00  }
0x5a9: {  	[tilespmem:s1], [sflag:$0x2] =	stream.indirect_vreg.gather [hbm4b:s7+s3], $0x80, v4, vm0, $0xb8;
	[tilespmem:$0x18400] =	vst v63  }
0x5aa: {  	_ = 	snop  }
0x5ab: {  	[tilespmem:s9], [sflag:$0x2] =	stream.indirect_vreg.gather [hbm4b:s2+s3], $0x80, v3, vm0, $0xb8;
	[tilespmem:$0x18400] =	vst v63  }
0x5ac: {  	s8 =	simm.s32 $0xAC00  }
0x5ad: {  	[tilespmem:s8], [sflag:$0x2] =	stream.indirect_vreg.gather [hbm4b:s5+s3], $0x80, v3, vm0, $0xb8;
	[tilespmem:$0x18400] =	vst v63  }
0x5ae: {  	s26 =	simm.s32 $0xB400  }
0x5af: {  	[tilespmem:s26], [sflag:$0x2] =	stream.indirect_vreg.gather [hbm4b:s6+s3], $0x80, v3, vm0, $0xb8;
	[tilespmem:$0x18400] =	vst v63  }
0x5b0: {  	_ = 	snop  }
0x5b1: {  	[tilespmem:s4], [sflag:$0x2] =	stream.indirect_vreg.gather [hbm4b:s7+s3], $0x80, v3, vm0, $0xb8;
	[tilespmem:$0x18400] =	vst v63  }
0x5b2: {  	v3 =	vld [tilespmem:$0x390];
	_ =	sdelay $0x4  }
0x5b3: {  	v57 =	vshll.u32 v3, $0x3  }
0x5b4: {  	v3 =	vand.u32 $0x7, v3;
	v4 =	vand.u32 $0xFFFFFFC0, v57  }
0x5b5: {  	v3 =	vor.u32 v3, v4  }
0x5b6: {  	v4 =	vperm.xlane v3, v0;
	_ =	sdelay $0x1  }
0x5b7: {  	v4 =	vadd.s32 v1, v4;
	_ =	sdelay $0x4  }
0x5b8: {  	[tilespmem:s11], [sflag:$0x2] =	stream.indirect_vreg.gather [hbm4b:s2+s3], $0x80, v4, vm0, $0xb8;
	[tilespmem:$0x18400] =	vst v63  }
0x5b9: {  	s4 =	simm.s32 $0xCC00;
	v3 =	vperm.xlane v3, v2  }
0x5ba: {  	[tilespmem:s4], [sflag:$0x2] =	stream.indirect_vreg.gather [hbm4b:s5+s3], $0x80, v4, vm0, $0xb8;
	[tilespmem:$0x18400] =	vst v63  }
0x5bb: {  	s25 =	simm.s32 $0xD400;
	v3 =	vadd.s32 v1, v3  }
0x5bc: {  	[tilespmem:s25], [sflag:$0x2] =	stream.indirect_vreg.gather [hbm4b:s6+s3], $0x80, v4, vm0, $0xb8;
	[tilespmem:$0x18400] =	vst v63  }
0x5bd: {  	s26 =	simm.s32 $0xDC00  }
0x5be: {  	[tilespmem:s26], [sflag:$0x2] =	stream.indirect_vreg.gather [hbm4b:s7+s3], $0x80, v4, vm0, $0xb8;
	[tilespmem:$0x18400] =	vst v63  }
0x5bf: {  	s26 =	simm.s32 $0xE400  }
0x5c0: {  	[tilespmem:s26], [sflag:$0x2] =	stream.indirect_vreg.gather [hbm4b:s2+s3], $0x80, v3, vm0, $0xb8;
	[tilespmem:$0x18400] =	vst v63  }
0x5c1: {  	s26 =	simm.s32 $0xEC00  }
0x5c2: {  	[tilespmem:s26], [sflag:$0x2] =	stream.indirect_vreg.gather [hbm4b:s5+s3], $0x80, v3, vm0, $0xb8;
	[tilespmem:$0x18400] =	vst v63  }
0x5c3: {  	s26 =	simm.s32 $0xF400  }
0x5c4: {  	[tilespmem:s26], [sflag:$0x2] =	stream.indirect_vreg.gather [hbm4b:s6+s3], $0x80, v3, vm0, $0xb8;
	[tilespmem:$0x18400] =	vst v63  }
0x5c5: {  	s26 =	simm.s32 $0xFC00  }
0x5c6: {  	[tilespmem:s26], [sflag:$0x2] =	stream.indirect_vreg.gather [hbm4b:s7+s3], $0x80, v3, vm0, $0xb8;
	[tilespmem:$0x18400] =	vst v63  }
0x5c7: {  	_ =	swait.ge [sflag:s23], $0x8000  }
0x5c8: {  	[sflag:s23] =	ssyncset.done $0x0  }
0x5c9: {  	s26 =	simm.s32 $0x10400;
	s25 =	rddreg [dreg:$0x1e];
	[sflag:s23] =	ssyncadd.s32 $0xFFFF8000  }
0x5ca: {  	[hbm4b:s25+s3] =	stream.linear.scatter [tilespmem:s26], [sflag:$0x6], $0x8000, $0x38;
	[tilespmem:$0x18400] =	vst v63  }
0x5cb: {  	_ =	swait.ge [sflag:s24], $0x8000  }
0x5cc: {  	[sflag:s24] =	ssyncset.done $0x0  }
0x5cd: {  	[sflag:s24] =	ssyncadd.s32 $0xFFFF8000  }
0x5ce: {  	v3 =	vld [tilespmem:$0x3A0];
	_ =	sdelay $0x4  }
0x5cf: {  	v58 =	vshll.u32 v3, $0x3  }
0x5d0: {  	v3 =	vand.u32 $0x7, v3;
	v4 =	vand.u32 $0xFFFFFFC0, v58  }
0x5d1: {  	v3 =	vor.u32 v3, v4  }
0x5d2: {  	v4 =	vperm.xlane v3, v0;
	_ =	sdelay $0x1  }
0x5d3: {  	v4 =	vadd.s32 v1, v4;
	_ =	sdelay $0x4  }
0x5d4: {  	[tilespmem:s26], [sflag:$0x3] =	stream.indirect_vreg.gather [hbm4b:s2+s3], $0x80, v4, vm0, $0xb8;
	[tilespmem:$0x18400] =	vst v63  }
0x5d5: {  	s16 =	simm.s32 $0x10C00;
	v3 =	vperm.xlane v3, v2  }
0x5d6: {  	[tilespmem:s16], [sflag:$0x3] =	stream.indirect_vreg.gather [hbm4b:s5+s3], $0x80, v4, vm0, $0xb8;
	[tilespmem:$0x18400] =	vst v63  }
0x5d7: {  	s25 =	simm.s32 $0x11400;
	v3 =	vadd.s32 v1, v3  }
0x5d8: {  	[tilespmem:s25], [sflag:$0x3] =	stream.indirect_vreg.gather [hbm4b:s6+s3], $0x80, v4, vm0, $0xb8;
	[tilespmem:$0x18400] =	vst v63  }
0x5d9: {  	s25 =	simm.s32 $0x11C00  }
0x5da: {  	[tilespmem:s25], [sflag:$0x3] =	stream.indirect_vreg.gather [hbm4b:s7+s3], $0x80, v4, vm0, $0xb8;
	[tilespmem:$0x18400] =	vst v63  }
0x5db: {  	s25 =	simm.s32 $0x12400  }
0x5dc: {  	[tilespmem:s25], [sflag:$0x3] =	stream.indirect_vreg.gather [hbm4b:s2+s3], $0x80, v3, vm0, $0xb8;
	[tilespmem:$0x18400] =	vst v63  }
0x5dd: {  	s25 =	simm.s32 $0x12C00  }
0x5de: {  	[tilespmem:s25], [sflag:$0x3] =	stream.indirect_vreg.gather [hbm4b:s5+s3], $0x80, v3, vm0, $0xb8;
	[tilespmem:$0x18400] =	vst v63  }
0x5df: {  	s25 =	simm.s32 $0x13400  }
0x5e0: {  	[tilespmem:s25], [sflag:$0x3] =	stream.indirect_vreg.gather [hbm4b:s6+s3], $0x80, v3, vm0, $0xb8;
	[tilespmem:$0x18400] =	vst v63  }
0x5e1: {  	s25 =	simm.s32 $0x13C00  }
0x5e2: {  	[tilespmem:s25], [sflag:$0x3] =	stream.indirect_vreg.gather [hbm4b:s7+s3], $0x80, v3, vm0, $0xb8;
	[tilespmem:$0x18400] =	vst v63  }
0x5e3: {  	v3 =	vld [tilespmem:$0x3B0];
	_ =	sdelay $0x4  }
0x5e4: {  	v59 =	vshll.u32 v3, $0x3  }
0x5e5: {  	v3 =	vand.u32 $0x7, v3;
	v4 =	vand.u32 $0xFFFFFFC0, v59  }
0x5e6: {  	v3 =	vor.u32 v3, v4  }
0x5e7: {  	v4 =	vperm.xlane v3, v0;
	_ =	sdelay $0x1  }
0x5e8: {  	v4 =	vadd.s32 v1, v4;
	_ =	sdelay $0x3  }
0x5e9: {  	s29 =	simm.s32 $0x14400  }
0x5ea: {  	[tilespmem:s29], [sflag:$0x3] =	stream.indirect_vreg.gather [hbm4b:s2+s3], $0x80, v4, vm0, $0xb8;
	[tilespmem:$0x18400] =	vst v63  }
0x5eb: {  	s28 =	simm.s32 $0x14C00;
	v3 =	vperm.xlane v3, v2  }
0x5ec: {  	[tilespmem:s28], [sflag:$0x3] =	stream.indirect_vreg.gather [hbm4b:s5+s3], $0x80, v4, vm0, $0xb8;
	[tilespmem:$0x18400] =	vst v63  }
0x5ed: {  	s25 =	simm.s32 $0x15400;
	v3 =	vadd.s32 v1, v3  }
0x5ee: {  	[tilespmem:s25], [sflag:$0x3] =	stream.indirect_vreg.gather [hbm4b:s6+s3], $0x80, v4, vm0, $0xb8;
	[tilespmem:$0x18400] =	vst v63  }
0x5ef: {  	s28 =	simm.s32 $0x15C00  }
0x5f0: {  	[tilespmem:s28], [sflag:$0x3] =	stream.indirect_vreg.gather [hbm4b:s7+s3], $0x80, v4, vm0, $0xb8;
	[tilespmem:$0x18400] =	vst v63  }
0x5f1: {  	s29 =	simm.s32 $0x16400  }
0x5f2: {  	[tilespmem:s29], [sflag:$0x3] =	stream.indirect_vreg.gather [hbm4b:s2+s3], $0x80, v3, vm0, $0xb8;
	[tilespmem:$0x18400] =	vst v63  }
0x5f3: {  	s17 =	simm.s32 $0x16C00  }
0x5f4: {  	[tilespmem:s17], [sflag:$0x3] =	stream.indirect_vreg.gather [hbm4b:s5+s3], $0x80, v3, vm0, $0xb8;
	[tilespmem:$0x18400] =	vst v63  }
0x5f5: {  	s18 =	simm.s32 $0x17400  }
0x5f6: {  	[tilespmem:s18], [sflag:$0x3] =	stream.indirect_vreg.gather [hbm4b:s6+s3], $0x80, v3, vm0, $0xb8;
	[tilespmem:$0x18400] =	vst v63  }
0x5f7: {  	s15 =	simm.s32 $0x17C00  }
0x5f8: {  	[tilespmem:s15], [sflag:$0x3] =	stream.indirect_vreg.gather [hbm4b:s7+s3], $0x80, v3, vm0, $0xb8;
	[tilespmem:$0x18400] =	vst v63  }
0x5f9: {  	_ =	swait.ge [sflag:s19], $0x8000  }
0x5fa: {  	[sflag:s19] =	ssyncset.done $0x0  }
0x5fb: {  	s10 =	simm.s32 $0x400;
	s17 =	rddreg [dreg:$0x1f];
	[sflag:s19] =	ssyncadd.s32 $0xFFFF8000  }
0x5fc: {  	[hbm4b:s17+s3] =	stream.linear.scatter [tilespmem:s10], [sflag:$0x4], $0x8000, $0x38;
	[tilespmem:$0x18400] =	vst v63  }
0x5fd: {  	_ =	swait.ge [sflag:s20], $0x8000  }
0x5fe: {  	[sflag:s20] =	ssyncset.done $0x0  }
0x5ff: {  	[sflag:s20] =	ssyncadd.s32 $0xFFFF8000  }
0x600: {  	v3 =	vld [tilespmem:$0x3C0];
	_ =	sdelay $0x4  }
0x601: {  	v60 =	vshll.u32 v3, $0x3  }
0x602: {  	v3 =	vand.u32 $0x7, v3;
	v4 =	vand.u32 $0xFFFFFFC0, v60  }
0x603: {  	v3 =	vor.u32 v3, v4  }
0x604: {  	v4 =	vperm.xlane v3, v0;
	_ =	sdelay $0x1  }
0x605: {  	v4 =	vadd.s32 v1, v4;
	_ =	sdelay $0x4  }
0x606: {  	[tilespmem:s10], [sflag:$0x1] =	stream.indirect_vreg.gather [hbm4b:s2+s3], $0x80, v4, vm0, $0xb8;
	[tilespmem:$0x18400] =	vst v63  }
0x607: {  	s18 =	simm.s32 $0xC00;
	v3 =	vperm.xlane v3, v2  }
0x608: {  	[tilespmem:s18], [sflag:$0x1] =	stream.indirect_vreg.gather [hbm4b:s5+s3], $0x80, v4, vm0, $0xb8;
	[tilespmem:$0x18400] =	vst v63  }
0x609: {  	s25 =	simm.s32 $0x1400;
	v3 =	vadd.s32 v1, v3  }
0x60a: {  	[tilespmem:s25], [sflag:$0x1] =	stream.indirect_vreg.gather [hbm4b:s6+s3], $0x80, v4, vm0, $0xb8;
	[tilespmem:$0x18400] =	vst v63  }
0x60b: {  	s28 =	simm.s32 $0x1C00  }
0x60c: {  	[tilespmem:s28], [sflag:$0x1] =	stream.indirect_vreg.gather [hbm4b:s7+s3], $0x80, v4, vm0, $0xb8;
	[tilespmem:$0x18400] =	vst v63  }
0x60d: {  	s29 =	simm.s32 $0x2400  }
0x60e: {  	[tilespmem:s29], [sflag:$0x1] =	stream.indirect_vreg.gather [hbm4b:s2+s3], $0x80, v3, vm0, $0xb8;
	[tilespmem:$0x18400] =	vst v63  }
0x60f: {  	s30 =	simm.s32 $0x2C00  }
0x610: {  	[tilespmem:s30], [sflag:$0x1] =	stream.indirect_vreg.gather [hbm4b:s5+s3], $0x80, v3, vm0, $0xb8;
	[tilespmem:$0x18400] =	vst v63  }
0x611: {  	s31 =	simm.s32 $0x3400  }
0x612: {  	[tilespmem:s31], [sflag:$0x1] =	stream.indirect_vreg.gather [hbm4b:s6+s3], $0x80, v3, vm0, $0xb8;
	[tilespmem:$0x18400] =	vst v63  }
0x613: {  	_ = 	snop  }
0x614: {  	[tilespmem:s0], [sflag:$0x1] =	stream.indirect_vreg.gather [hbm4b:s7+s3], $0x80, v3, vm0, $0xb8;
	[tilespmem:$0x18400] =	vst v63  }
0x615: {  	v3 =	vld [tilespmem:$0x3D0];
	_ =	sdelay $0x4  }
0x616: {  	v61 =	vshll.u32 v3, $0x3  }
0x617: {  	v3 =	vand.u32 $0x7, v3;
	v4 =	vand.u32 $0xFFFFFFC0, v61  }
0x618: {  	v3 =	vor.u32 v3, v4  }
0x619: {  	v4 =	vperm.xlane v3, v0;
	_ =	sdelay $0x1  }
0x61a: {  	v4 =	vadd.s32 v1, v4;
	_ =	sdelay $0x3  }
0x61b: {  	s31 =	simm.s32 $0x4400  }
0x61c: {  	[tilespmem:s31], [sflag:$0x1] =	stream.indirect_vreg.gather [hbm4b:s2+s3], $0x80, v4, vm0, $0xb8;
	[tilespmem:$0x18400] =	vst v63  }
0x61d: {  	s15 =	simm.s32 $0x4C00;
	v3 =	vperm.xlane v3, v2  }
0x61e: {  	[tilespmem:s15], [sflag:$0x1] =	stream.indirect_vreg.gather [hbm4b:s5+s3], $0x80, v4, vm0, $0xb8;
	[tilespmem:$0x18400] =	vst v63  }
0x61f: {  	s16 =	simm.s32 $0x5400;
	v3 =	vadd.s32 v1, v3  }
0x620: {  	[tilespmem:s16], [sflag:$0x1] =	stream.indirect_vreg.gather [hbm4b:s6+s3], $0x80, v4, vm0, $0xb8;
	[tilespmem:$0x18400] =	vst v63  }
0x621: {  	s17 =	simm.s32 $0x5C00  }
0x622: {  	[tilespmem:s17], [sflag:$0x1] =	stream.indirect_vreg.gather [hbm4b:s7+s3], $0x80, v4, vm0, $0xb8;
	[tilespmem:$0x18400] =	vst v63  }
0x623: {  	s18 =	simm.s32 $0x6400  }
0x624: {  	[tilespmem:s18], [sflag:$0x1] =	stream.indirect_vreg.gather [hbm4b:s2+s3], $0x80, v3, vm0, $0xb8;
	[tilespmem:$0x18400] =	vst v63  }
0x625: {  	s14 =	simm.s32 $0x6C00  }
0x626: {  	[tilespmem:s14], [sflag:$0x1] =	stream.indirect_vreg.gather [hbm4b:s5+s3], $0x80, v3, vm0, $0xb8;
	[tilespmem:$0x18400] =	vst v63  }
0x627: {  	s25 =	simm.s32 $0x7400  }
0x628: {  	[tilespmem:s25], [sflag:$0x1] =	stream.indirect_vreg.gather [hbm4b:s6+s3], $0x80, v3, vm0, $0xb8;
	[tilespmem:$0x18400] =	vst v63  }
0x629: {  	s28 =	simm.s32 $0x7C00  }
0x62a: {  	[tilespmem:s28], [sflag:$0x1] =	stream.indirect_vreg.gather [hbm4b:s7+s3], $0x80, v3, vm0, $0xb8;
	[tilespmem:$0x18400] =	vst v63  }
0x62b: {  	_ =	swait.ge [sflag:s21], $0x8000  }
0x62c: {  	s29 =	sld [smem:$0x7F7]  }
0x62d: {  	[sflag:s21] =	ssyncset.done $0x0  }
0x62e: {  	s30 =	simm.s32 $0x8400;
	[sflag:s21] =	ssyncadd.s32 $0xFFFF8000  }
0x62f: {  	[hbm4b:s29+s3] =	stream.linear.scatter [tilespmem:s30], [sflag:$0x5], $0x8000, $0x38;
	[tilespmem:$0x18400] =	vst v63  }
0x630: {  	_ =	swait.ge [sflag:s22], $0x8000  }
0x631: {  	[sflag:s22] =	ssyncset.done $0x0  }
0x632: {  	[sflag:s22] =	ssyncadd.s32 $0xFFFF8000  }
0x633: {  	v3 =	vld [tilespmem:$0x3E0];
	_ =	sdelay $0x4  }
0x634: {  	v62 =	vshll.u32 v3, $0x3  }
0x635: {  	v3 =	vand.u32 $0x7, v3;
	v4 =	vand.u32 $0xFFFFFFC0, v62  }
0x636: {  	v3 =	vor.u32 v3, v4  }
0x637: {  	v4 =	vperm.xlane v3, v0;
	_ =	sdelay $0x1  }
0x638: {  	v4 =	vadd.s32 v1, v4;
	_ =	sdelay $0x4  }
0x639: {  	[tilespmem:s30], [sflag:$0x2] =	stream.indirect_vreg.gather [hbm4b:s2+s3], $0x80, v4, vm0, $0xb8;
	[tilespmem:$0x18400] =	vst v63  }
0x63a: {  	s12 =	simm.s32 $0x8C00;
	v3 =	vperm.xlane v3, v2  }
0x63b: {  	[tilespmem:s12], [sflag:$0x2] =	stream.indirect_vreg.gather [hbm4b:s5+s3], $0x80, v4, vm0, $0xb8;
	[tilespmem:$0x18400] =	vst v63  }
0x63c: {  	s13 =	simm.s32 $0x9400;
	v3 =	vadd.s32 v1, v3  }
0x63d: {  	[tilespmem:s13], [sflag:$0x2] =	stream.indirect_vreg.gather [hbm4b:s6+s3], $0x80, v4, vm0, $0xb8;
	[tilespmem:$0x18400] =	vst v63  }
0x63e: {  	_ = 	snop  }
0x63f: {  	[tilespmem:s1], [sflag:$0x2] =	stream.indirect_vreg.gather [hbm4b:s7+s3], $0x80, v4, vm0, $0xb8;
	[tilespmem:$0x18400] =	vst v63  }
0x640: {  	s12 =	simm.s32 $0xA400  }
0x641: {  	[tilespmem:s12], [sflag:$0x2] =	stream.indirect_vreg.gather [hbm4b:s2+s3], $0x80, v3, vm0, $0xb8;
	[tilespmem:$0x18400] =	vst v63  }
0x642: {  	_ = 	snop  }
0x643: {  	[tilespmem:s8], [sflag:$0x2] =	stream.indirect_vreg.gather [hbm4b:s5+s3], $0x80, v3, vm0, $0xb8;
	[tilespmem:$0x18400] =	vst v63  }
0x644: {  	s13 =	simm.s32 $0xB400  }
0x645: {  	[tilespmem:s13], [sflag:$0x2] =	stream.indirect_vreg.gather [hbm4b:s6+s3], $0x80, v3, vm0, $0xb8;
	[tilespmem:$0x18400] =	vst v63  }
0x646: {  	s14 =	simm.s32 $0xBC00  }
0x647: {  	[tilespmem:s14], [sflag:$0x2] =	stream.indirect_vreg.gather [hbm4b:s7+s3], $0x80, v3, vm0, $0xb8;
	[tilespmem:$0x18400] =	vst v63  }
0x648: {  	v3 =	vld [tilespmem:$0x3F0];
	_ =	sdelay $0x4  }
0x649: {  	v63 =	vshll.u32 v3, $0x3  }
0x64a: {  	v3 =	vand.u32 $0x7, v3;
	v4 =	vand.u32 $0xFFFFFFC0, v63  }
0x64b: {  	v3 =	vor.u32 v3, v4  }
0x64c: {  	v4 =	vperm.xlane v3, v0;
	_ =	sdelay $0x1  }
0x64d: {  	v4 =	vadd.s32 v1, v4;
	_ =	sdelay $0x3  }
0x64e: {  	s9 =	simm.s32 $0xC400  }
0x64f: {  	[tilespmem:s9], [sflag:$0x2] =	stream.indirect_vreg.gather [hbm4b:s2+s3], $0x80, v4, vm0, $0xb8;
	[tilespmem:$0x18400] =	vst v63  }
0x650: {  	v3 =	vperm.xlane v3, v2  }
0x651: {  	[tilespmem:s4], [sflag:$0x2] =	stream.indirect_vreg.gather [hbm4b:s5+s3], $0x80, v4, vm0, $0xb8;
	[tilespmem:$0x18400] =	vst v63  }
0x652: {  	s11 =	simm.s32 $0xD400;
	v3 =	vadd.s32 v1, v3  }
0x653: {  	[tilespmem:s11], [sflag:$0x2] =	stream.indirect_vreg.gather [hbm4b:s6+s3], $0x80, v4, vm0, $0xb8;
	[tilespmem:$0x18400] =	vst v63  }
0x654: {  	s15 =	simm.s32 $0xDC00  }
0x655: {  	[tilespmem:s15], [sflag:$0x2] =	stream.indirect_vreg.gather [hbm4b:s7+s3], $0x80, v4, vm0, $0xb8;
	[tilespmem:$0x18400] =	vst v63  }
0x656: {  	s16 =	simm.s32 $0xE400  }
0x657: {  	[tilespmem:s16], [sflag:$0x2] =	stream.indirect_vreg.gather [hbm4b:s2+s3], $0x80, v3, vm0, $0xb8;
	[tilespmem:$0x18400] =	vst v63  }
0x658: {  	s17 =	simm.s32 $0xEC00  }
0x659: {  	[tilespmem:s17], [sflag:$0x2] =	stream.indirect_vreg.gather [hbm4b:s5+s3], $0x80, v3, vm0, $0xb8;
	[tilespmem:$0x18400] =	vst v63  }
0x65a: {  	s18 =	simm.s32 $0xF400  }
0x65b: {  	[tilespmem:s18], [sflag:$0x2] =	stream.indirect_vreg.gather [hbm4b:s6+s3], $0x80, v3, vm0, $0xb8;
	[tilespmem:$0x18400] =	vst v63  }
0x65c: {  	s25 =	simm.s32 $0xFC00  }
0x65d: {  	[tilespmem:s25], [sflag:$0x2] =	stream.indirect_vreg.gather [hbm4b:s7+s3], $0x80, v3, vm0, $0xb8;
	[tilespmem:$0x18400] =	vst v63  }
0x65e: {  	_ =	swait.ge [sflag:s23], $0x8000  }
0x65f: {  	s28 =	sld [smem:$0x7F8]  }
0x660: {  	[sflag:s23] =	ssyncset.done $0x0  }
0x661: {  	s26 =	simm.s32 $0x10400;
	[sflag:s23] =	ssyncadd.s32 $0xFFFF8000  }
0x662: {  	[hbm4b:s28+s3] =	stream.linear.scatter [tilespmem:s26], [sflag:$0x6], $0x8000, $0x38;
	[tilespmem:$0x18400] =	vst v63  }
0x663: {  	_ =	swait.ge [sflag:s19], $0x8000  }
0x664: {  	s29 =	sld [smem:$0x7F9]  }
0x665: {  	[sflag:s19] =	ssyncset.done $0x0  }
0x666: {  	[sflag:s19] =	ssyncadd.s32 $0xFFFF8000  }
0x667: {  	[hbm4b:s29+s3] =	stream.linear.scatter [tilespmem:s10], [sflag:$0x4], $0x8000, $0x38;
	[tilespmem:$0x18400] =	vst v63  }
0x668: {  	_ =	swait.ge [sflag:s21], $0x8000  }
0x669: {  	s30 =	sld [smem:$0x7FB]  }
0x66a: {  	[sflag:s21] =	ssyncset.done $0x0  }
0x66b: {  	s31 =	simm.s32 $0x8400;
	[sflag:s21] =	ssyncadd.s32 $0xFFFF8000  }
0x66c: {  	[hbm4b:s30+s3] =	stream.linear.scatter [tilespmem:s31], [sflag:$0x5], $0x8000, $0x38;
	[tilespmem:$0x18400] =	vst v63  }
0x66d: {  	_ =	swait.ge [sflag:s24], $0x8000  }
0x66e: {  	[sflag:s24] =	ssyncset.done $0x0  }
0x66f: {  	[sflag:s24] =	ssyncadd.s32 $0xFFFF8000  }
0x670: {  	_ =	swait.ge [sflag:s20], $0x8000  }
0x671: {  	[sflag:s20] =	ssyncset.done $0x0  }
0x672: {  	[sflag:s20] =	ssyncadd.s32 $0xFFFF8000  }
0x673: {  	_ =	swait.ge [sflag:s22], $0x8000  }
0x674: {  	s31 =	sld [smem:$0x7F6];
	_ =	sdelay $0x2  }
0x675: {  	p0 =	sne.s32 s31, $0x1  }
.Ltmp0:
0x676: {  	_ = 	snop;
	(pc) =	sbr.rel @p0 .LBB2_1-.Ltmp0, $3  }
0x677: {  	_ =	sdelay $0x1  }
0x678: {  	[sflag:s22] =	ssyncset.done $0x0  }
0x679: {  	[sflag:s22] =	ssyncadd.s32 $0xFFFF8000;
	s0 =	sadd.s32 $0xFFFFFFFF, s31  }
0x67a: {  	_ =	sfence.sel $0x180000  }
0x67b: {  	[bflag:$0x0] =	sbarrier.arrive $0xFFFF  }
0x67c: {  	_ =	strace $0x90000047  }
0x67d: {  	s0 =	stileid.u32;
	[bflag:$0x2] =	sbarrier.arrive $0xFFFF  }
0x67e: {  	p0 =	sne.s32 s0, $0x0;
	s0 =	rddreg [dreg:$0x3]  }
0x67f: {  	s0 =	sadd.s32 @!p0 $0x100000, s0  }
0x680: {  	[sflag:s0] =	ssyncadd.tile.s32 @!p0 $0x1;
	_ =	shalt  }
.Lfunc_end2:
_tile_overlayer_lowered:
.L_overlay_start_2:
0x681: {  	(tag) =	ssettag $0x2  }
0x682: {  	s0 =	rddreg [dreg:$0x0];
	s2 =	stileid.u32  }
0x683: {  	s1 =	rddreg [dreg:$0x1];
	p0 =	sne.s32 s2, $0x0  }
0x684: {  	s3 =	rddreg [dreg:$0x2];
	[bflag:$0x3] =	sbarrier.arrive $0xFFFF;
	s2 =	simm.s32 @!p0 $0x1C07  }
0x685: {  	[timem:s3], [sflag:s2] =	dma.local @!p0 [hbm:s0], s1  }
0x686: {  	s0 =	simm.s32 @!p0 $0x7  }
0x687: {  	_ =	swait.ge @!p0 [sflag:s0], s1  }
0x688: {  	s1 =	ssub.s32 @!p0 $0x0, s1;
	[sflag:s0] =	ssyncset.done @!p0 $0x0  }
0x689: {  	[sflag:s0] =	ssyncadd.s32 @!p0 s1  }
0x68a: {  	[bflag:$0x3] =	sbarrier.arrive $0xFFFF  }
0x68b: {  	_ =	shalt  }

</sc_bundles>
